<compile_context>
chip_gen: v7x
topology: tpu7x:2x2x1
jax: 0.10.2.dev20260603
libtpu: 0.0.44.dev20260713+nightly
codegen_flags: <defaults>
</compile_context>

<pallas_src>
import functools

import jax
import jax.numpy as jnp
from jax import lax
from jax.experimental import pallas as pl
from jax.experimental.pallas import tpu as pltpu
from jax.experimental.pallas import tpu_sc as plsc

BOTTLENECK = 32
EMB = 128
NC, NS = 2, 16
NW = NC * NS
CH = 128
CPG = 5
GROUP = CH * CPG
SB = 32
BB = 4 * SB
LANES = 16


def _make_gather(B, n_field, b_off):
    rows_per_w = B // NW
    n_chunks = rows_per_w // CH
    n_groups = n_chunks // CPG
    chunks_per_j = BB * n_field // CH
    wpj = chunks_per_j // n_chunks
    f_per_chunk = CH // (4 * SB)
    mesh = plsc.VectorSubcoreMesh(core_axis_name="c", subcore_axis_name="s")

    @functools.partial(
        pl.kernel,
        out_type=jax.ShapeDtypeStruct((B, BOTTLENECK), jnp.float32),
        mesh=mesh,
        scratch_types=[
            pltpu.VMEM((BB, CH), jnp.int32),
            pltpu.VMEM((n_chunks, CH), jnp.int32),
            pltpu.VMEM((GROUP, BOTTLENECK), jnp.float32),
            pltpu.VMEM((GROUP, BOTTLENECK), jnp.float32),
            pltpu.SemaphoreType.DMA,
            pltpu.SemaphoreType.DMA,
        ],
        compiler_params=pltpu.CompilerParams(use_tc_tiling_on_sc=False,
                                             needs_layout_passes=False),
    )
    def gather_kernel(idx_hbm, tab_hbm, out_hbm, nat_v, perm_v, buf0, buf1,
                      sem0, sem1):
        wid = lax.axis_index("s") * NC + lax.axis_index("c")
        pltpu.sync_copy(idx_hbm.at[pl.ds(b_off + BB * (wid // wpj), BB)],
                        nat_v)
        row0 = rows_per_w * wid
        fchunk0 = (wid % wpj) * n_chunks

        lanes = lax.iota(jnp.int32, LANES)
        bpat = []
        for v in range(4 * SB // LANES):
            r = LANES * v + lanes
            bpat.append(SB * (r % 4) + r // 4)

        def build(c, carry):
            fbase = (fchunk0 + c) * f_per_chunk
            for i in range(CH // LANES):
                row = bpat[i % (4 * SB // LANES)]
                f = fbase + i // (4 * SB // LANES)
                col = jnp.full((LANES,), f, jnp.int32)
                perm_v[c, pl.ds(LANES * i, LANES)] = 4 * plsc.load_gather(
                    nat_v, [row, col])
            return carry

        lax.fori_loop(0, n_chunks, build, 0, unroll=False)

        def fire(g, buf, sem):
            for k in range(CPG):
                pltpu.async_copy(tab_hbm.at[perm_v.at[g * CPG + k]],
                                 buf.at[pl.ds(k * CH, CH)], sem)

        def drain_out(g, buf, sem):
            for k in range(CPG):
                pltpu.make_async_copy(tab_hbm.at[perm_v.at[g * CPG + k]],
                                      buf.at[pl.ds(k * CH, CH)], sem).wait()
            pltpu.sync_copy(buf, out_hbm.at[pl.ds(row0 + g * GROUP, GROUP)])

        fire(0, buf0, sem0)

        def body(i, carry):
            g = 2 * i
            fire(g + 1, buf1, sem1)
            drain_out(g, buf0, sem0)

            @pl.when(g + 2 < n_groups)
            def _():
                fire(g + 2, buf0, sem0)

            drain_out(g + 1, buf1, sem1)
            return carry

        lax.fori_loop(0, n_groups // 2, body, 0, unroll=False)

    return gather_kernel


def _mm_body(x_ref, w_ref, o_ref):
    n_field = o_ref.shape[0]
    for k in range(4):
        x = x_ref[:, k * BOTTLENECK:(k + 1) * BOTTLENECK]
        y = jnp.dot(x, w_ref[...], preferred_element_type=jnp.float32)
        o_ref[:, pl.ds(k * SB, SB), :] = y.reshape(n_field, SB, EMB)


def _mm_body_alias(x_ref, w_ref, a_ref, o_ref):
    _mm_body(x_ref, w_ref, o_ref)


def _unpack_project(packed, W, n_batch, n_field, half, prev=None):
    rows_per_block = SB * n_field
    m_grid = packed.shape[0] // rows_per_block
    base = half * m_grid
    out_shape = jax.ShapeDtypeStruct((n_field, n_batch, EMB), jnp.float32)
    in_specs = [
        pl.BlockSpec((rows_per_block, EMB), lambda m: (m, 0)),
        pl.BlockSpec((BOTTLENECK, EMB), lambda m: (0, 0)),
    ]
    out_spec = pl.BlockSpec((n_field, BB, EMB), lambda m: (0, m + base, 0))
    if prev is None:
        return pl.pallas_call(
            _mm_body, grid=(m_grid,), in_specs=in_specs,
            out_specs=out_spec, out_shape=out_shape,
        )(packed, W)
    return pl.pallas_call(
        _mm_body_alias, grid=(m_grid,),
        in_specs=in_specs + [pl.BlockSpec(memory_space=pl.ANY)],
        out_specs=out_spec, out_shape=out_shape,
        input_output_aliases={2: 0},
    )(packed, W, prev)


def kernel(input, table, W):
    n_batch, n_field = input.shape
    B = n_batch * n_field
    idx = jnp.pad(input.astype(jnp.int32), ((0, 0), (0, CH - n_field)))
    rows8 = -(-table.shape[0] // 8) * 8
    table_pad = jnp.pad(table, ((0, rows8 - table.shape[0]),
                                (0, EMB - BOTTLENECK)))
    table_view = table_pad.reshape(4 * rows8, BOTTLENECK)
    Bh = B // 2
    out_fm = None
    for h in range(2):
        flat_rows = _make_gather(Bh, n_field, h * (n_batch // 2))(
            idx, table_view)
        packed = flat_rows.reshape(Bh // 4, 4 * BOTTLENECK)
        out_fm = _unpack_project(packed, W, n_batch, n_field, h, out_fm)
    return jnp.transpose(out_fm, (1, 0, 2))

# --- scband reference (transcript-rebuilt; emitter-appended) ---
"""Pipeline reference for scband-bin-embedding-80874234184279 (READ-ONLY COPY).

The authoritative reference and input builder live on the scoring server;
editing this copy changes nothing except your own understanding.
"""

import jax, jax.numpy as jnp
import numpy as np

NUM_BINS = 100 * 1000
TABLE_ROWS = NUM_BINS + 25
BOTTLENECK_DIM = 32
EMBEDDING_DIM = 128
BATCH = 4096
N_FIELDS = 100


def setup_inputs(seed: int = 0) -> dict:
    key = jax.random.key(seed)
    k1, k2, k3 = jax.random.split(key, 3)
    inputs = jax.random.randint(k1, (BATCH, N_FIELDS), 0, TABLE_ROWS, dtype=jnp.int64 if jax.config.jax_enable_x64 else jnp.int32)
    table = jax.random.normal(k2, (TABLE_ROWS, BOTTLENECK_DIM), dtype=jnp.float32)
    # nn.Linear(bottleneck_dim, embedding_dim, bias=False): weight [out, in]; store transposed [in, out]
    W = jax.random.normal(k3, (BOTTLENECK_DIM, EMBEDDING_DIM), dtype=jnp.float32) * (1.0 / np.sqrt(BOTTLENECK_DIM))
    return {"input": inputs, "table": table, "W": W}


def reference(input, table, W):
    # embeddings = self.embedding_matrix(input)
    embeddings = jnp.take(table, input, axis=0)  # [B, F, bottleneck_dim]
    # embeddings = self.projection_matrix(embeddings)  (use_proj=True)
    embeddings = embeddings @ W  # [B, F, embedding_dim]
    return embeddings

if __name__ == "__main__":
    import jax
    _d = setup_inputs()
    print(jax.jit(kernel)(*tuple(_d.values())))

</pallas_src>

<mosaic_0001>
#map = affine_map<(d0, d1) -> (0, 0)>
module attributes {stable_mosaic.version = 14 : i64} {
  func.func @gather_kernel(%arg0: i32, %arg1: i32, %arg2: memref<4096x128xi32, #tpu.memory_space<hbm>>, %arg3: memref<400128x32xf32, #tpu.memory_space<hbm>>, %arg4: memref<204800x32xf32, #tpu.memory_space<hbm>>, %arg5: memref<128x128xi32, #tpu.memory_space<vmem>>, %arg6: memref<50x128xi32, #tpu.memory_space<vmem>>, %arg7: memref<640x32xf32, #tpu.memory_space<vmem>>, %arg8: memref<640x32xf32, #tpu.memory_space<vmem>>, %arg9: memref<!tpu.dma_semaphore, #tpu.memory_space<semaphore_mem>>, %arg10: memref<!tpu.dma_semaphore, #tpu.memory_space<semaphore_mem>>) attributes {dimension_semantics = [#tpu.dimension_semantics<core_parallel>, #tpu.dimension_semantics<subcore_parallel>], iteration_bounds = array<i64: 2, 16>, scalar_prefetch = 0 : i64, scratch_operands = 6 : i64, tpu.core_type = #tpu.core_type<sc_vector_subcore>, window_params = [{transform_indices = #map}, {transform_indices = #map}, {transform_indices = #map}]} {
    %mul3A = arith.constant 2 : i32
    %mul3A_0 = arith.muli %arg1, %mul3A : i32
    %add3A = arith.addi %mul3A_0, %arg0 : i32
    %jit3A = arith.constant 2 : i32
    %div3A = arith.divsi %add3A, %jit3A : i32
    %sign3A = arith.constant 0 : i32
    %sign3A_1 = arith.cmpi sgt, %add3A, %sign3A : i32
    %sign3A_2 = arith.extui %sign3A_1 : i1 to i32
    %sign3A_3 = arith.constant 0 : i32
    %sign3A_4 = arith.cmpi slt, %add3A, %sign3A_3 : i32
    %sign3A_5 = arith.extui %sign3A_4 : i1 to i32
    %sign3A_6 = arith.subi %sign3A_2, %sign3A_5 : i32
    %sign3A_7 = arith.constant 0 : i32
    %sign3A_8 = arith.cmpi sgt, %jit3A, %sign3A_7 : i32
    %sign3A_9 = arith.extui %sign3A_8 : i1 to i32
    %sign3A_10 = arith.constant 0 : i32
    %sign3A_11 = arith.cmpi slt, %jit3A, %sign3A_10 : i32
    %sign3A_12 = arith.extui %sign3A_11 : i1 to i32
    %sign3A_13 = arith.subi %sign3A_9, %sign3A_12 : i32
    %ne3A = arith.cmpi ne, %sign3A_6, %sign3A_13 : i32
    %rem3A = arith.remsi %add3A, %jit3A : i32
    %ne3A_14 = arith.constant 0 : i32
    %ne3A_15 = arith.cmpi ne, %rem3A, %ne3A_14 : i32
    %and3A = arith.andi %ne3A, %ne3A_15 : i1
    %sub3A = arith.constant 1 : i32
    %sub3A_16 = arith.subi %div3A, %sub3A : i32
    %select_n3A = arith.select %and3A, %sub3A_16, %div3A : i32
    %mul3A_17 = arith.constant 128 : i32
    %mul3A_18 = arith.muli %mul3A_17, %select_n3A : i32
    %add3A_19 = arith.constant 0 : i32
    %add3A_20 = arith.addi %add3A_19, %mul3A_18 : i32
    "tpu.region"() ({
      %run_scoped3A = tpu.sem_alloc : memref<!tpu.dma_semaphore, #tpu.memory_space<semaphore_mem>>
      %dma_start3A_579 = arith.constant 0 : i32
      %dma_start3A_580 = tpu.memref_slice %arg2[%add3A_20, %dma_start3A_579] : memref<4096x128xi32, #tpu.memory_space<hbm>> -> memref<128x128xi32, #tpu.memory_space<hbm>>
      %dma_start3A_581 = arith.constant 0 : i32
      %dma_start3A_582 = tpu.memref_slice %arg2[%add3A_20, %dma_start3A_581] : memref<4096x128xi32, #tpu.memory_space<hbm>> -> memref<128x128xi32, #tpu.memory_space<hbm>>
      tpu.enqueue_dma source(%dma_start3A_582 : memref<128x128xi32, #tpu.memory_space<hbm>>) target(%arg5 : memref<128x128xi32, #tpu.memory_space<vmem>>) target_semaphore(%run_scoped3A : memref<!tpu.dma_semaphore, #tpu.memory_space<semaphore_mem>>)
      %dma_wait3A = arith.constant 0 : i32
      %dma_wait3A_583 = tpu.memref_slice %arg2[%add3A_20, %dma_wait3A] : memref<4096x128xi32, #tpu.memory_space<hbm>> -> memref<128x128xi32, #tpu.memory_space<hbm>>
      %dma_wait3A_584 = arith.constant 0 : i32
      %dma_wait3A_585 = tpu.memref_slice %arg2[%add3A_20, %dma_wait3A_584] : memref<4096x128xi32, #tpu.memory_space<hbm>> -> memref<128x128xi32, #tpu.memory_space<hbm>>
      tpu.wait_dma2 semaphore(%run_scoped3A : memref<!tpu.dma_semaphore, #tpu.memory_space<semaphore_mem>>) src(%dma_wait3A_585 : memref<128x128xi32, #tpu.memory_space<hbm>>) dst(%arg5 : memref<128x128xi32, #tpu.memory_space<vmem>>)
      tpu.yield
    }) : () -> ()
    %mul3A_21 = arith.constant 6400 : i32
    %mul3A_22 = arith.muli %mul3A_21, %add3A : i32
    %jit3A_23 = arith.constant 2 : i32
    %eq3A = arith.constant 0 : i32
    %eq3A_24 = arith.cmpi eq, %jit3A_23, %eq3A : i32
    %jit3A_25 = arith.constant 1 : i32
    %select_n3A_26 = arith.select %eq3A_24, %jit3A_25, %jit3A_23 : i32
    %rem3A_27 = arith.remsi %add3A, %select_n3A_26 : i32
    %ne3A_28 = arith.constant 0 : i32
    %ne3A_29 = arith.cmpi ne, %rem3A_27, %ne3A_28 : i32
    %lt3A = arith.constant 0 : i32
    %lt3A_30 = arith.cmpi slt, %rem3A_27, %lt3A : i32
    %lt3A_31 = arith.constant 0 : i32
    %lt3A_32 = arith.cmpi slt, %select_n3A_26, %lt3A_31 : i32
    %ne3A_33 = arith.xori %lt3A_30, %lt3A_32 : i1
    %and3A_34 = arith.andi %ne3A_33, %ne3A_29 : i1
    %add3A_35 = arith.addi %rem3A_27, %select_n3A_26 : i32
    %select_n3A_36 = arith.select %and3A_34, %add3A_35, %rem3A_27 : i32
    %mul3A_37 = arith.constant 50 : i32
    %mul3A_38 = arith.muli %select_n3A_36, %mul3A_37 : i32
    %iota3A = tpu.iota {dimensions = array<i32: 0>} : vector<16xi32>
    %add3A_39 = arith.constant 0 : i32
    %add3A_40 = vector.broadcast %add3A_39 : i32 to vector<16xi32>
    %add3A_41 = arith.addi %add3A_40, %iota3A : vector<16xi32>
    %jit3A_42 = arith.constant 4 : i32
    %eq3A_43 = arith.constant 0 : i32
    %eq3A_44 = arith.cmpi eq, %jit3A_42, %eq3A_43 : i32
    %jit3A_45 = arith.constant 1 : i32
    %select_n3A_46 = arith.select %eq3A_44, %jit3A_45, %jit3A_42 : i32
    %rem3A_47 = vector.broadcast %select_n3A_46 : i32 to vector<16xi32>
    %rem3A_48 = arith.remsi %add3A_41, %rem3A_47 : vector<16xi32>
    %ne3A_49 = arith.constant 0 : i32
    %ne3A_50 = vector.broadcast %ne3A_49 : i32 to vector<16xi32>
    %ne3A_51 = arith.cmpi ne, %rem3A_48, %ne3A_50 : vector<16xi32>
    %lt3A_52 = arith.constant 0 : i32
    %lt3A_53 = vector.broadcast %lt3A_52 : i32 to vector<16xi32>
    %lt3A_54 = arith.cmpi slt, %rem3A_48, %lt3A_53 : vector<16xi32>
    %lt3A_55 = arith.constant 0 : i32
    %lt3A_56 = arith.cmpi slt, %select_n3A_46, %lt3A_55 : i32
    %ne3A_57 = vector.broadcast %lt3A_56 : i1 to vector<16xi1>
    %ne3A_58 = vector.broadcast %ne3A_57 : vector<16xi1> to vector<16xi1>
    %ne3A_59 = arith.xori %lt3A_54, %ne3A_58 : vector<16xi1>
    %and3A_60 = arith.andi %ne3A_59, %ne3A_51 : vector<16xi1>
    %add3A_61 = vector.broadcast %select_n3A_46 : i32 to vector<16xi32>
    %add3A_62 = arith.addi %rem3A_48, %add3A_61 : vector<16xi32>
    %select_n3A_63 = arith.select %and3A_60, %add3A_62, %rem3A_48 : vector<16xi1>, vector<16xi32>
    %mul3A_64 = arith.constant 32 : i32
    %mul3A_65 = vector.broadcast %mul3A_64 : i32 to vector<16xi32>
    %mul3A_66 = arith.muli %mul3A_65, %select_n3A_63 : vector<16xi32>
    %jit3A_67 = arith.constant 4 : i32
    %div3A_68 = vector.broadcast %jit3A_67 : i32 to vector<16xi32>
    %div3A_69 = arith.divsi %add3A_41, %div3A_68 : vector<16xi32>
    %sign3A_70 = arith.constant 0 : i32
    %sign3A_71 = vector.broadcast %sign3A_70 : i32 to vector<16xi32>
    %sign3A_72 = arith.cmpi sgt, %add3A_41, %sign3A_71 : vector<16xi32>
    %sign3A_73 = arith.extui %sign3A_72 : vector<16xi1> to vector<16xi32>
    %sign3A_74 = arith.constant 0 : i32
    %sign3A_75 = vector.broadcast %sign3A_74 : i32 to vector<16xi32>
    %sign3A_76 = arith.cmpi slt, %add3A_41, %sign3A_75 : vector<16xi32>
    %sign3A_77 = arith.extui %sign3A_76 : vector<16xi1> to vector<16xi32>
    %sign3A_78 = arith.subi %sign3A_73, %sign3A_77 : vector<16xi32>
    %sign3A_79 = arith.constant 0 : i32
    %sign3A_80 = arith.cmpi sgt, %jit3A_67, %sign3A_79 : i32
    %sign3A_81 = arith.extui %sign3A_80 : i1 to i32
    %sign3A_82 = arith.constant 0 : i32
    %sign3A_83 = arith.cmpi slt, %jit3A_67, %sign3A_82 : i32
    %sign3A_84 = arith.extui %sign3A_83 : i1 to i32
    %sign3A_85 = arith.subi %sign3A_81, %sign3A_84 : i32
    %ne3A_86 = vector.broadcast %sign3A_85 : i32 to vector<16xi32>
    %ne3A_87 = arith.cmpi ne, %sign3A_78, %ne3A_86 : vector<16xi32>
    %rem3A_88 = vector.broadcast %jit3A_67 : i32 to vector<16xi32>
    %rem3A_89 = arith.remsi %add3A_41, %rem3A_88 : vector<16xi32>
    %ne3A_90 = arith.constant 0 : i32
    %ne3A_91 = vector.broadcast %ne3A_90 : i32 to vector<16xi32>
    %ne3A_92 = arith.cmpi ne, %rem3A_89, %ne3A_91 : vector<16xi32>
    %and3A_93 = arith.andi %ne3A_87, %ne3A_92 : vector<16xi1>
    %sub3A_94 = arith.constant 1 : i32
    %sub3A_95 = vector.broadcast %sub3A_94 : i32 to vector<16xi32>
    %sub3A_96 = arith.subi %div3A_69, %sub3A_95 : vector<16xi32>
    %select_n3A_97 = arith.select %and3A_93, %sub3A_96, %div3A_69 : vector<16xi1>, vector<16xi32>
    %add3A_98 = arith.addi %mul3A_66, %select_n3A_97 : vector<16xi32>
    %add3A_99 = arith.constant 16 : i32
    %add3A_100 = vector.broadcast %add3A_99 : i32 to vector<16xi32>
    %add3A_101 = arith.addi %add3A_100, %iota3A : vector<16xi32>
    %jit3A_102 = arith.constant 4 : i32
    %eq3A_103 = arith.constant 0 : i32
    %eq3A_104 = arith.cmpi eq, %jit3A_102, %eq3A_103 : i32
    %jit3A_105 = arith.constant 1 : i32
    %select_n3A_106 = arith.select %eq3A_104, %jit3A_105, %jit3A_102 : i32
    %rem3A_107 = vector.broadcast %select_n3A_106 : i32 to vector<16xi32>
    %rem3A_108 = arith.remsi %add3A_101, %rem3A_107 : vector<16xi32>
    %ne3A_109 = arith.constant 0 : i32
    %ne3A_110 = vector.broadcast %ne3A_109 : i32 to vector<16xi32>
    %ne3A_111 = arith.cmpi ne, %rem3A_108, %ne3A_110 : vector<16xi32>
    %lt3A_112 = arith.constant 0 : i32
    %lt3A_113 = vector.broadcast %lt3A_112 : i32 to vector<16xi32>
    %lt3A_114 = arith.cmpi slt, %rem3A_108, %lt3A_113 : vector<16xi32>
    %lt3A_115 = arith.constant 0 : i32
    %lt3A_116 = arith.cmpi slt, %select_n3A_106, %lt3A_115 : i32
    %ne3A_117 = vector.broadcast %lt3A_116 : i1 to vector<16xi1>
    %ne3A_118 = vector.broadcast %ne3A_117 : vector<16xi1> to vector<16xi1>
    %ne3A_119 = arith.xori %lt3A_114, %ne3A_118 : vector<16xi1>
    %and3A_120 = arith.andi %ne3A_119, %ne3A_111 : vector<16xi1>
    %add3A_121 = vector.broadcast %select_n3A_106 : i32 to vector<16xi32>
    %add3A_122 = arith.addi %rem3A_108, %add3A_121 : vector<16xi32>
    %select_n3A_123 = arith.select %and3A_120, %add3A_122, %rem3A_108 : vector<16xi1>, vector<16xi32>
    %mul3A_124 = arith.constant 32 : i32
    %mul3A_125 = vector.broadcast %mul3A_124 : i32 to vector<16xi32>
    %mul3A_126 = arith.muli %mul3A_125, %select_n3A_123 : vector<16xi32>
    %jit3A_127 = arith.constant 4 : i32
    %div3A_128 = vector.broadcast %jit3A_127 : i32 to vector<16xi32>
    %div3A_129 = arith.divsi %add3A_101, %div3A_128 : vector<16xi32>
    %sign3A_130 = arith.constant 0 : i32
    %sign3A_131 = vector.broadcast %sign3A_130 : i32 to vector<16xi32>
    %sign3A_132 = arith.cmpi sgt, %add3A_101, %sign3A_131 : vector<16xi32>
    %sign3A_133 = arith.extui %sign3A_132 : vector<16xi1> to vector<16xi32>
    %sign3A_134 = arith.constant 0 : i32
    %sign3A_135 = vector.broadcast %sign3A_134 : i32 to vector<16xi32>
    %sign3A_136 = arith.cmpi slt, %add3A_101, %sign3A_135 : vector<16xi32>
    %sign3A_137 = arith.extui %sign3A_136 : vector<16xi1> to vector<16xi32>
    %sign3A_138 = arith.subi %sign3A_133, %sign3A_137 : vector<16xi32>
    %sign3A_139 = arith.constant 0 : i32
    %sign3A_140 = arith.cmpi sgt, %jit3A_127, %sign3A_139 : i32
    %sign3A_141 = arith.extui %sign3A_140 : i1 to i32
    %sign3A_142 = arith.constant 0 : i32
    %sign3A_143 = arith.cmpi slt, %jit3A_127, %sign3A_142 : i32
    %sign3A_144 = arith.extui %sign3A_143 : i1 to i32
    %sign3A_145 = arith.subi %sign3A_141, %sign3A_144 : i32
    %ne3A_146 = vector.broadcast %sign3A_145 : i32 to vector<16xi32>
    %ne3A_147 = arith.cmpi ne, %sign3A_138, %ne3A_146 : vector<16xi32>
    %rem3A_148 = vector.broadcast %jit3A_127 : i32 to vector<16xi32>
    %rem3A_149 = arith.remsi %add3A_101, %rem3A_148 : vector<16xi32>
    %ne3A_150 = arith.constant 0 : i32
    %ne3A_151 = vector.broadcast %ne3A_150 : i32 to vector<16xi32>
    %ne3A_152 = arith.cmpi ne, %rem3A_149, %ne3A_151 : vector<16xi32>
    %and3A_153 = arith.andi %ne3A_147, %ne3A_152 : vector<16xi1>
    %sub3A_154 = arith.constant 1 : i32
    %sub3A_155 = vector.broadcast %sub3A_154 : i32 to vector<16xi32>
    %sub3A_156 = arith.subi %div3A_129, %sub3A_155 : vector<16xi32>
    %select_n3A_157 = arith.select %and3A_153, %sub3A_156, %div3A_129 : vector<16xi1>, vector<16xi32>
    %add3A_158 = arith.addi %mul3A_126, %select_n3A_157 : vector<16xi32>
    %add3A_159 = arith.constant 32 : i32
    %add3A_160 = vector.broadcast %add3A_159 : i32 to vector<16xi32>
    %add3A_161 = arith.addi %add3A_160, %iota3A : vector<16xi32>
    %jit3A_162 = arith.constant 4 : i32
    %eq3A_163 = arith.constant 0 : i32
    %eq3A_164 = arith.cmpi eq, %jit3A_162, %eq3A_163 : i32
    %jit3A_165 = arith.constant 1 : i32
    %select_n3A_166 = arith.select %eq3A_164, %jit3A_165, %jit3A_162 : i32
    %rem3A_167 = vector.broadcast %select_n3A_166 : i32 to vector<16xi32>
    %rem3A_168 = arith.remsi %add3A_161, %rem3A_167 : vector<16xi32>
    %ne3A_169 = arith.constant 0 : i32
    %ne3A_170 = vector.broadcast %ne3A_169 : i32 to vector<16xi32>
    %ne3A_171 = arith.cmpi ne, %rem3A_168, %ne3A_170 : vector<16xi32>
    %lt3A_172 = arith.constant 0 : i32
    %lt3A_173 = vector.broadcast %lt3A_172 : i32 to vector<16xi32>
    %lt3A_174 = arith.cmpi slt, %rem3A_168, %lt3A_173 : vector<16xi32>
    %lt3A_175 = arith.constant 0 : i32
    %lt3A_176 = arith.cmpi slt, %select_n3A_166, %lt3A_175 : i32
    %ne3A_177 = vector.broadcast %lt3A_176 : i1 to vector<16xi1>
    %ne3A_178 = vector.broadcast %ne3A_177 : vector<16xi1> to vector<16xi1>
    %ne3A_179 = arith.xori %lt3A_174, %ne3A_178 : vector<16xi1>
    %and3A_180 = arith.andi %ne3A_179, %ne3A_171 : vector<16xi1>
    %add3A_181 = vector.broadcast %select_n3A_166 : i32 to vector<16xi32>
    %add3A_182 = arith.addi %rem3A_168, %add3A_181 : vector<16xi32>
    %select_n3A_183 = arith.select %and3A_180, %add3A_182, %rem3A_168 : vector<16xi1>, vector<16xi32>
    %mul3A_184 = arith.constant 32 : i32
    %mul3A_185 = vector.broadcast %mul3A_184 : i32 to vector<16xi32>
    %mul3A_186 = arith.muli %mul3A_185, %select_n3A_183 : vector<16xi32>
    %jit3A_187 = arith.constant 4 : i32
    %div3A_188 = vector.broadcast %jit3A_187 : i32 to vector<16xi32>
    %div3A_189 = arith.divsi %add3A_161, %div3A_188 : vector<16xi32>
    %sign3A_190 = arith.constant 0 : i32
    %sign3A_191 = vector.broadcast %sign3A_190 : i32 to vector<16xi32>
    %sign3A_192 = arith.cmpi sgt, %add3A_161, %sign3A_191 : vector<16xi32>
    %sign3A_193 = arith.extui %sign3A_192 : vector<16xi1> to vector<16xi32>
    %sign3A_194 = arith.constant 0 : i32
    %sign3A_195 = vector.broadcast %sign3A_194 : i32 to vector<16xi32>
    %sign3A_196 = arith.cmpi slt, %add3A_161, %sign3A_195 : vector<16xi32>
    %sign3A_197 = arith.extui %sign3A_196 : vector<16xi1> to vector<16xi32>
    %sign3A_198 = arith.subi %sign3A_193, %sign3A_197 : vector<16xi32>
    %sign3A_199 = arith.constant 0 : i32
    %sign3A_200 = arith.cmpi sgt, %jit3A_187, %sign3A_199 : i32
    %sign3A_201 = arith.extui %sign3A_200 : i1 to i32
    %sign3A_202 = arith.constant 0 : i32
    %sign3A_203 = arith.cmpi slt, %jit3A_187, %sign3A_202 : i32
    %sign3A_204 = arith.extui %sign3A_203 : i1 to i32
    %sign3A_205 = arith.subi %sign3A_201, %sign3A_204 : i32
    %ne3A_206 = vector.broadcast %sign3A_205 : i32 to vector<16xi32>
    %ne3A_207 = arith.cmpi ne, %sign3A_198, %ne3A_206 : vector<16xi32>
    %rem3A_208 = vector.broadcast %jit3A_187 : i32 to vector<16xi32>
    %rem3A_209 = arith.remsi %add3A_161, %rem3A_208 : vector<16xi32>
    %ne3A_210 = arith.constant 0 : i32
    %ne3A_211 = vector.broadcast %ne3A_210 : i32 to vector<16xi32>
    %ne3A_212 = arith.cmpi ne, %rem3A_209, %ne3A_211 : vector<16xi32>
    %and3A_213 = arith.andi %ne3A_207, %ne3A_212 : vector<16xi1>
    %sub3A_214 = arith.constant 1 : i32
    %sub3A_215 = vector.broadcast %sub3A_214 : i32 to vector<16xi32>
    %sub3A_216 = arith.subi %div3A_189, %sub3A_215 : vector<16xi32>
    %select_n3A_217 = arith.select %and3A_213, %sub3A_216, %div3A_189 : vector<16xi1>, vector<16xi32>
    %add3A_218 = arith.addi %mul3A_186, %select_n3A_217 : vector<16xi32>
    %add3A_219 = arith.constant 48 : i32
    %add3A_220 = vector.broadcast %add3A_219 : i32 to vector<16xi32>
    %add3A_221 = arith.addi %add3A_220, %iota3A : vector<16xi32>
    %jit3A_222 = arith.constant 4 : i32
    %eq3A_223 = arith.constant 0 : i32
    %eq3A_224 = arith.cmpi eq, %jit3A_222, %eq3A_223 : i32
    %jit3A_225 = arith.constant 1 : i32
    %select_n3A_226 = arith.select %eq3A_224, %jit3A_225, %jit3A_222 : i32
    %rem3A_227 = vector.broadcast %select_n3A_226 : i32 to vector<16xi32>
    %rem3A_228 = arith.remsi %add3A_221, %rem3A_227 : vector<16xi32>
    %ne3A_229 = arith.constant 0 : i32
    %ne3A_230 = vector.broadcast %ne3A_229 : i32 to vector<16xi32>
    %ne3A_231 = arith.cmpi ne, %rem3A_228, %ne3A_230 : vector<16xi32>
    %lt3A_232 = arith.constant 0 : i32
    %lt3A_233 = vector.broadcast %lt3A_232 : i32 to vector<16xi32>
    %lt3A_234 = arith.cmpi slt, %rem3A_228, %lt3A_233 : vector<16xi32>
    %lt3A_235 = arith.constant 0 : i32
    %lt3A_236 = arith.cmpi slt, %select_n3A_226, %lt3A_235 : i32
    %ne3A_237 = vector.broadcast %lt3A_236 : i1 to vector<16xi1>
    %ne3A_238 = vector.broadcast %ne3A_237 : vector<16xi1> to vector<16xi1>
    %ne3A_239 = arith.xori %lt3A_234, %ne3A_238 : vector<16xi1>
    %and3A_240 = arith.andi %ne3A_239, %ne3A_231 : vector<16xi1>
    %add3A_241 = vector.broadcast %select_n3A_226 : i32 to vector<16xi32>
    %add3A_242 = arith.addi %rem3A_228, %add3A_241 : vector<16xi32>
    %select_n3A_243 = arith.select %and3A_240, %add3A_242, %rem3A_228 : vector<16xi1>, vector<16xi32>
    %mul3A_244 = arith.constant 32 : i32
    %mul3A_245 = vector.broadcast %mul3A_244 : i32 to vector<16xi32>
    %mul3A_246 = arith.muli %mul3A_245, %select_n3A_243 : vector<16xi32>
    %jit3A_247 = arith.constant 4 : i32
    %div3A_248 = vector.broadcast %jit3A_247 : i32 to vector<16xi32>
    %div3A_249 = arith.divsi %add3A_221, %div3A_248 : vector<16xi32>
    %sign3A_250 = arith.constant 0 : i32
    %sign3A_251 = vector.broadcast %sign3A_250 : i32 to vector<16xi32>
    %sign3A_252 = arith.cmpi sgt, %add3A_221, %sign3A_251 : vector<16xi32>
    %sign3A_253 = arith.extui %sign3A_252 : vector<16xi1> to vector<16xi32>
    %sign3A_254 = arith.constant 0 : i32
    %sign3A_255 = vector.broadcast %sign3A_254 : i32 to vector<16xi32>
    %sign3A_256 = arith.cmpi slt, %add3A_221, %sign3A_255 : vector<16xi32>
    %sign3A_257 = arith.extui %sign3A_256 : vector<16xi1> to vector<16xi32>
    %sign3A_258 = arith.subi %sign3A_253, %sign3A_257 : vector<16xi32>
    %sign3A_259 = arith.constant 0 : i32
    %sign3A_260 = arith.cmpi sgt, %jit3A_247, %sign3A_259 : i32
    %sign3A_261 = arith.extui %sign3A_260 : i1 to i32
    %sign3A_262 = arith.constant 0 : i32
    %sign3A_263 = arith.cmpi slt, %jit3A_247, %sign3A_262 : i32
    %sign3A_264 = arith.extui %sign3A_263 : i1 to i32
    %sign3A_265 = arith.subi %sign3A_261, %sign3A_264 : i32
    %ne3A_266 = vector.broadcast %sign3A_265 : i32 to vector<16xi32>
    %ne3A_267 = arith.cmpi ne, %sign3A_258, %ne3A_266 : vector<16xi32>
    %rem3A_268 = vector.broadcast %jit3A_247 : i32 to vector<16xi32>
    %rem3A_269 = arith.remsi %add3A_221, %rem3A_268 : vector<16xi32>
    %ne3A_270 = arith.constant 0 : i32
    %ne3A_271 = vector.broadcast %ne3A_270 : i32 to vector<16xi32>
    %ne3A_272 = arith.cmpi ne, %rem3A_269, %ne3A_271 : vector<16xi32>
    %and3A_273 = arith.andi %ne3A_267, %ne3A_272 : vector<16xi1>
    %sub3A_274 = arith.constant 1 : i32
    %sub3A_275 = vector.broadcast %sub3A_274 : i32 to vector<16xi32>
    %sub3A_276 = arith.subi %div3A_249, %sub3A_275 : vector<16xi32>
    %select_n3A_277 = arith.select %and3A_273, %sub3A_276, %div3A_249 : vector<16xi1>, vector<16xi32>
    %add3A_278 = arith.addi %mul3A_246, %select_n3A_277 : vector<16xi32>
    %add3A_279 = arith.constant 64 : i32
    %add3A_280 = vector.broadcast %add3A_279 : i32 to vector<16xi32>
    %add3A_281 = arith.addi %add3A_280, %iota3A : vector<16xi32>
    %jit3A_282 = arith.constant 4 : i32
    %eq3A_283 = arith.constant 0 : i32
    %eq3A_284 = arith.cmpi eq, %jit3A_282, %eq3A_283 : i32
    %jit3A_285 = arith.constant 1 : i32
    %select_n3A_286 = arith.select %eq3A_284, %jit3A_285, %jit3A_282 : i32
    %rem3A_287 = vector.broadcast %select_n3A_286 : i32 to vector<16xi32>
    %rem3A_288 = arith.remsi %add3A_281, %rem3A_287 : vector<16xi32>
    %ne3A_289 = arith.constant 0 : i32
    %ne3A_290 = vector.broadcast %ne3A_289 : i32 to vector<16xi32>
    %ne3A_291 = arith.cmpi ne, %rem3A_288, %ne3A_290 : vector<16xi32>
    %lt3A_292 = arith.constant 0 : i32
    %lt3A_293 = vector.broadcast %lt3A_292 : i32 to vector<16xi32>
    %lt3A_294 = arith.cmpi slt, %rem3A_288, %lt3A_293 : vector<16xi32>
    %lt3A_295 = arith.constant 0 : i32
    %lt3A_296 = arith.cmpi slt, %select_n3A_286, %lt3A_295 : i32
    %ne3A_297 = vector.broadcast %lt3A_296 : i1 to vector<16xi1>
    %ne3A_298 = vector.broadcast %ne3A_297 : vector<16xi1> to vector<16xi1>
    %ne3A_299 = arith.xori %lt3A_294, %ne3A_298 : vector<16xi1>
    %and3A_300 = arith.andi %ne3A_299, %ne3A_291 : vector<16xi1>
    %add3A_301 = vector.broadcast %select_n3A_286 : i32 to vector<16xi32>
    %add3A_302 = arith.addi %rem3A_288, %add3A_301 : vector<16xi32>
    %select_n3A_303 = arith.select %and3A_300, %add3A_302, %rem3A_288 : vector<16xi1>, vector<16xi32>
    %mul3A_304 = arith.constant 32 : i32
    %mul3A_305 = vector.broadcast %mul3A_304 : i32 to vector<16xi32>
    %mul3A_306 = arith.muli %mul3A_305, %select_n3A_303 : vector<16xi32>
    %jit3A_307 = arith.constant 4 : i32
    %div3A_308 = vector.broadcast %jit3A_307 : i32 to vector<16xi32>
    %div3A_309 = arith.divsi %add3A_281, %div3A_308 : vector<16xi32>
    %sign3A_310 = arith.constant 0 : i32
    %sign3A_311 = vector.broadcast %sign3A_310 : i32 to vector<16xi32>
    %sign3A_312 = arith.cmpi sgt, %add3A_281, %sign3A_311 : vector<16xi32>
    %sign3A_313 = arith.extui %sign3A_312 : vector<16xi1> to vector<16xi32>
    %sign3A_314 = arith.constant 0 : i32
    %sign3A_315 = vector.broadcast %sign3A_314 : i32 to vector<16xi32>
    %sign3A_316 = arith.cmpi slt, %add3A_281, %sign3A_315 : vector<16xi32>
    %sign3A_317 = arith.extui %sign3A_316 : vector<16xi1> to vector<16xi32>
    %sign3A_318 = arith.subi %sign3A_313, %sign3A_317 : vector<16xi32>
    %sign3A_319 = arith.constant 0 : i32
    %sign3A_320 = arith.cmpi sgt, %jit3A_307, %sign3A_319 : i32
    %sign3A_321 = arith.extui %sign3A_320 : i1 to i32
    %sign3A_322 = arith.constant 0 : i32
    %sign3A_323 = arith.cmpi slt, %jit3A_307, %sign3A_322 : i32
    %sign3A_324 = arith.extui %sign3A_323 : i1 to i32
    %sign3A_325 = arith.subi %sign3A_321, %sign3A_324 : i32
    %ne3A_326 = vector.broadcast %sign3A_325 : i32 to vector<16xi32>
    %ne3A_327 = arith.cmpi ne, %sign3A_318, %ne3A_326 : vector<16xi32>
    %rem3A_328 = vector.broadcast %jit3A_307 : i32 to vector<16xi32>
    %rem3A_329 = arith.remsi %add3A_281, %rem3A_328 : vector<16xi32>
    %ne3A_330 = arith.constant 0 : i32
    %ne3A_331 = vector.broadcast %ne3A_330 : i32 to vector<16xi32>
    %ne3A_332 = arith.cmpi ne, %rem3A_329, %ne3A_331 : vector<16xi32>
    %and3A_333 = arith.andi %ne3A_327, %ne3A_332 : vector<16xi1>
    %sub3A_334 = arith.constant 1 : i32
    %sub3A_335 = vector.broadcast %sub3A_334 : i32 to vector<16xi32>
    %sub3A_336 = arith.subi %div3A_309, %sub3A_335 : vector<16xi32>
    %select_n3A_337 = arith.select %and3A_333, %sub3A_336, %div3A_309 : vector<16xi1>, vector<16xi32>
    %add3A_338 = arith.addi %mul3A_306, %select_n3A_337 : vector<16xi32>
    %add3A_339 = arith.constant 80 : i32
    %add3A_340 = vector.broadcast %add3A_339 : i32 to vector<16xi32>
    %add3A_341 = arith.addi %add3A_340, %iota3A : vector<16xi32>
    %jit3A_342 = arith.constant 4 : i32
    %eq3A_343 = arith.constant 0 : i32
    %eq3A_344 = arith.cmpi eq, %jit3A_342, %eq3A_343 : i32
    %jit3A_345 = arith.constant 1 : i32
    %select_n3A_346 = arith.select %eq3A_344, %jit3A_345, %jit3A_342 : i32
    %rem3A_347 = vector.broadcast %select_n3A_346 : i32 to vector<16xi32>
    %rem3A_348 = arith.remsi %add3A_341, %rem3A_347 : vector<16xi32>
    %ne3A_349 = arith.constant 0 : i32
    %ne3A_350 = vector.broadcast %ne3A_349 : i32 to vector<16xi32>
    %ne3A_351 = arith.cmpi ne, %rem3A_348, %ne3A_350 : vector<16xi32>
    %lt3A_352 = arith.constant 0 : i32
    %lt3A_353 = vector.broadcast %lt3A_352 : i32 to vector<16xi32>
    %lt3A_354 = arith.cmpi slt, %rem3A_348, %lt3A_353 : vector<16xi32>
    %lt3A_355 = arith.constant 0 : i32
    %lt3A_356 = arith.cmpi slt, %select_n3A_346, %lt3A_355 : i32
    %ne3A_357 = vector.broadcast %lt3A_356 : i1 to vector<16xi1>
    %ne3A_358 = vector.broadcast %ne3A_357 : vector<16xi1> to vector<16xi1>
    %ne3A_359 = arith.xori %lt3A_354, %ne3A_358 : vector<16xi1>
    %and3A_360 = arith.andi %ne3A_359, %ne3A_351 : vector<16xi1>
    %add3A_361 = vector.broadcast %select_n3A_346 : i32 to vector<16xi32>
    %add3A_362 = arith.addi %rem3A_348, %add3A_361 : vector<16xi32>
    %select_n3A_363 = arith.select %and3A_360, %add3A_362, %rem3A_348 : vector<16xi1>, vector<16xi32>
    %mul3A_364 = arith.constant 32 : i32
    %mul3A_365 = vector.broadcast %mul3A_364 : i32 to vector<16xi32>
    %mul3A_366 = arith.muli %mul3A_365, %select_n3A_363 : vector<16xi32>
    %jit3A_367 = arith.constant 4 : i32
    %div3A_368 = vector.broadcast %jit3A_367 : i32 to vector<16xi32>
    %div3A_369 = arith.divsi %add3A_341, %div3A_368 : vector<16xi32>
    %sign3A_370 = arith.constant 0 : i32
    %sign3A_371 = vector.broadcast %sign3A_370 : i32 to vector<16xi32>
    %sign3A_372 = arith.cmpi sgt, %add3A_341, %sign3A_371 : vector<16xi32>
    %sign3A_373 = arith.extui %sign3A_372 : vector<16xi1> to vector<16xi32>
    %sign3A_374 = arith.constant 0 : i32
    %sign3A_375 = vector.broadcast %sign3A_374 : i32 to vector<16xi32>
    %sign3A_376 = arith.cmpi slt, %add3A_341, %sign3A_375 : vector<16xi32>
    %sign3A_377 = arith.extui %sign3A_376 : vector<16xi1> to vector<16xi32>
    %sign3A_378 = arith.subi %sign3A_373, %sign3A_377 : vector<16xi32>
    %sign3A_379 = arith.constant 0 : i32
    %sign3A_380 = arith.cmpi sgt, %jit3A_367, %sign3A_379 : i32
    %sign3A_381 = arith.extui %sign3A_380 : i1 to i32
    %sign3A_382 = arith.constant 0 : i32
    %sign3A_383 = arith.cmpi slt, %jit3A_367, %sign3A_382 : i32
    %sign3A_384 = arith.extui %sign3A_383 : i1 to i32
    %sign3A_385 = arith.subi %sign3A_381, %sign3A_384 : i32
    %ne3A_386 = vector.broadcast %sign3A_385 : i32 to vector<16xi32>
    %ne3A_387 = arith.cmpi ne, %sign3A_378, %ne3A_386 : vector<16xi32>
    %rem3A_388 = vector.broadcast %jit3A_367 : i32 to vector<16xi32>
    %rem3A_389 = arith.remsi %add3A_341, %rem3A_388 : vector<16xi32>
    %ne3A_390 = arith.constant 0 : i32
    %ne3A_391 = vector.broadcast %ne3A_390 : i32 to vector<16xi32>
    %ne3A_392 = arith.cmpi ne, %rem3A_389, %ne3A_391 : vector<16xi32>
    %and3A_393 = arith.andi %ne3A_387, %ne3A_392 : vector<16xi1>
    %sub3A_394 = arith.constant 1 : i32
    %sub3A_395 = vector.broadcast %sub3A_394 : i32 to vector<16xi32>
    %sub3A_396 = arith.subi %div3A_369, %sub3A_395 : vector<16xi32>
    %select_n3A_397 = arith.select %and3A_393, %sub3A_396, %div3A_369 : vector<16xi1>, vector<16xi32>
    %add3A_398 = arith.addi %mul3A_366, %select_n3A_397 : vector<16xi32>
    %add3A_399 = arith.constant 96 : i32
    %add3A_400 = vector.broadcast %add3A_399 : i32 to vector<16xi32>
    %add3A_401 = arith.addi %add3A_400, %iota3A : vector<16xi32>
    %jit3A_402 = arith.constant 4 : i32
    %eq3A_403 = arith.constant 0 : i32
    %eq3A_404 = arith.cmpi eq, %jit3A_402, %eq3A_403 : i32
    %jit3A_405 = arith.constant 1 : i32
    %select_n3A_406 = arith.select %eq3A_404, %jit3A_405, %jit3A_402 : i32
    %rem3A_407 = vector.broadcast %select_n3A_406 : i32 to vector<16xi32>
    %rem3A_408 = arith.remsi %add3A_401, %rem3A_407 : vector<16xi32>
    %ne3A_409 = arith.constant 0 : i32
    %ne3A_410 = vector.broadcast %ne3A_409 : i32 to vector<16xi32>
    %ne3A_411 = arith.cmpi ne, %rem3A_408, %ne3A_410 : vector<16xi32>
    %lt3A_412 = arith.constant 0 : i32
    %lt3A_413 = vector.broadcast %lt3A_412 : i32 to vector<16xi32>
    %lt3A_414 = arith.cmpi slt, %rem3A_408, %lt3A_413 : vector<16xi32>
    %lt3A_415 = arith.constant 0 : i32
    %lt3A_416 = arith.cmpi slt, %select_n3A_406, %lt3A_415 : i32
    %ne3A_417 = vector.broadcast %lt3A_416 : i1 to vector<16xi1>
    %ne3A_418 = vector.broadcast %ne3A_417 : vector<16xi1> to vector<16xi1>
    %ne3A_419 = arith.xori %lt3A_414, %ne3A_418 : vector<16xi1>
    %and3A_420 = arith.andi %ne3A_419, %ne3A_411 : vector<16xi1>
    %add3A_421 = vector.broadcast %select_n3A_406 : i32 to vector<16xi32>
    %add3A_422 = arith.addi %rem3A_408, %add3A_421 : vector<16xi32>
    %select_n3A_423 = arith.select %and3A_420, %add3A_422, %rem3A_408 : vector<16xi1>, vector<16xi32>
    %mul3A_424 = arith.constant 32 : i32
    %mul3A_425 = vector.broadcast %mul3A_424 : i32 to vector<16xi32>
    %mul3A_426 = arith.muli %mul3A_425, %select_n3A_423 : vector<16xi32>
    %jit3A_427 = arith.constant 4 : i32
    %div3A_428 = vector.broadcast %jit3A_427 : i32 to vector<16xi32>
    %div3A_429 = arith.divsi %add3A_401, %div3A_428 : vector<16xi32>
    %sign3A_430 = arith.constant 0 : i32
    %sign3A_431 = vector.broadcast %sign3A_430 : i32 to vector<16xi32>
    %sign3A_432 = arith.cmpi sgt, %add3A_401, %sign3A_431 : vector<16xi32>
    %sign3A_433 = arith.extui %sign3A_432 : vector<16xi1> to vector<16xi32>
    %sign3A_434 = arith.constant 0 : i32
    %sign3A_435 = vector.broadcast %sign3A_434 : i32 to vector<16xi32>
    %sign3A_436 = arith.cmpi slt, %add3A_401, %sign3A_435 : vector<16xi32>
    %sign3A_437 = arith.extui %sign3A_436 : vector<16xi1> to vector<16xi32>
    %sign3A_438 = arith.subi %sign3A_433, %sign3A_437 : vector<16xi32>
    %sign3A_439 = arith.constant 0 : i32
    %sign3A_440 = arith.cmpi sgt, %jit3A_427, %sign3A_439 : i32
    %sign3A_441 = arith.extui %sign3A_440 : i1 to i32
    %sign3A_442 = arith.constant 0 : i32
    %sign3A_443 = arith.cmpi slt, %jit3A_427, %sign3A_442 : i32
    %sign3A_444 = arith.extui %sign3A_443 : i1 to i32
    %sign3A_445 = arith.subi %sign3A_441, %sign3A_444 : i32
    %ne3A_446 = vector.broadcast %sign3A_445 : i32 to vector<16xi32>
    %ne3A_447 = arith.cmpi ne, %sign3A_438, %ne3A_446 : vector<16xi32>
    %rem3A_448 = vector.broadcast %jit3A_427 : i32 to vector<16xi32>
    %rem3A_449 = arith.remsi %add3A_401, %rem3A_448 : vector<16xi32>
    %ne3A_450 = arith.constant 0 : i32
    %ne3A_451 = vector.broadcast %ne3A_450 : i32 to vector<16xi32>
    %ne3A_452 = arith.cmpi ne, %rem3A_449, %ne3A_451 : vector<16xi32>
    %and3A_453 = arith.andi %ne3A_447, %ne3A_452 : vector<16xi1>
    %sub3A_454 = arith.constant 1 : i32
    %sub3A_455 = vector.broadcast %sub3A_454 : i32 to vector<16xi32>
    %sub3A_456 = arith.subi %div3A_429, %sub3A_455 : vector<16xi32>
    %select_n3A_457 = arith.select %and3A_453, %sub3A_456, %div3A_429 : vector<16xi1>, vector<16xi32>
    %add3A_458 = arith.addi %mul3A_426, %select_n3A_457 : vector<16xi32>
    %add3A_459 = arith.constant 112 : i32
    %add3A_460 = vector.broadcast %add3A_459 : i32 to vector<16xi32>
    %add3A_461 = arith.addi %add3A_460, %iota3A : vector<16xi32>
    %jit3A_462 = arith.constant 4 : i32
    %eq3A_463 = arith.constant 0 : i32
    %eq3A_464 = arith.cmpi eq, %jit3A_462, %eq3A_463 : i32
    %jit3A_465 = arith.constant 1 : i32
    %select_n3A_466 = arith.select %eq3A_464, %jit3A_465, %jit3A_462 : i32
    %rem3A_467 = vector.broadcast %select_n3A_466 : i32 to vector<16xi32>
    %rem3A_468 = arith.remsi %add3A_461, %rem3A_467 : vector<16xi32>
    %ne3A_469 = arith.constant 0 : i32
    %ne3A_470 = vector.broadcast %ne3A_469 : i32 to vector<16xi32>
    %ne3A_471 = arith.cmpi ne, %rem3A_468, %ne3A_470 : vector<16xi32>
    %lt3A_472 = arith.constant 0 : i32
    %lt3A_473 = vector.broadcast %lt3A_472 : i32 to vector<16xi32>
    %lt3A_474 = arith.cmpi slt, %rem3A_468, %lt3A_473 : vector<16xi32>
    %lt3A_475 = arith.constant 0 : i32
    %lt3A_476 = arith.cmpi slt, %select_n3A_466, %lt3A_475 : i32
    %ne3A_477 = vector.broadcast %lt3A_476 : i1 to vector<16xi1>
    %ne3A_478 = vector.broadcast %ne3A_477 : vector<16xi1> to vector<16xi1>
    %ne3A_479 = arith.xori %lt3A_474, %ne3A_478 : vector<16xi1>
    %and3A_480 = arith.andi %ne3A_479, %ne3A_471 : vector<16xi1>
    %add3A_481 = vector.broadcast %select_n3A_466 : i32 to vector<16xi32>
    %add3A_482 = arith.addi %rem3A_468, %add3A_481 : vector<16xi32>
    %select_n3A_483 = arith.select %and3A_480, %add3A_482, %rem3A_468 : vector<16xi1>, vector<16xi32>
    %mul3A_484 = arith.constant 32 : i32
    %mul3A_485 = vector.broadcast %mul3A_484 : i32 to vector<16xi32>
    %mul3A_486 = arith.muli %mul3A_485, %select_n3A_483 : vector<16xi32>
    %jit3A_487 = arith.constant 4 : i32
    %div3A_488 = vector.broadcast %jit3A_487 : i32 to vector<16xi32>
    %div3A_489 = arith.divsi %add3A_461, %div3A_488 : vector<16xi32>
    %sign3A_490 = arith.constant 0 : i32
    %sign3A_491 = vector.broadcast %sign3A_490 : i32 to vector<16xi32>
    %sign3A_492 = arith.cmpi sgt, %add3A_461, %sign3A_491 : vector<16xi32>
    %sign3A_493 = arith.extui %sign3A_492 : vector<16xi1> to vector<16xi32>
    %sign3A_494 = arith.constant 0 : i32
    %sign3A_495 = vector.broadcast %sign3A_494 : i32 to vector<16xi32>
    %sign3A_496 = arith.cmpi slt, %add3A_461, %sign3A_495 : vector<16xi32>
    %sign3A_497 = arith.extui %sign3A_496 : vector<16xi1> to vector<16xi32>
    %sign3A_498 = arith.subi %sign3A_493, %sign3A_497 : vector<16xi32>
    %sign3A_499 = arith.constant 0 : i32
    %sign3A_500 = arith.cmpi sgt, %jit3A_487, %sign3A_499 : i32
    %sign3A_501 = arith.extui %sign3A_500 : i1 to i32
    %sign3A_502 = arith.constant 0 : i32
    %sign3A_503 = arith.cmpi slt, %jit3A_487, %sign3A_502 : i32
    %sign3A_504 = arith.extui %sign3A_503 : i1 to i32
    %sign3A_505 = arith.subi %sign3A_501, %sign3A_504 : i32
    %ne3A_506 = vector.broadcast %sign3A_505 : i32 to vector<16xi32>
    %ne3A_507 = arith.cmpi ne, %sign3A_498, %ne3A_506 : vector<16xi32>
    %rem3A_508 = vector.broadcast %jit3A_487 : i32 to vector<16xi32>
    %rem3A_509 = arith.remsi %add3A_461, %rem3A_508 : vector<16xi32>
    %ne3A_510 = arith.constant 0 : i32
    %ne3A_511 = vector.broadcast %ne3A_510 : i32 to vector<16xi32>
    %ne3A_512 = arith.cmpi ne, %rem3A_509, %ne3A_511 : vector<16xi32>
    %and3A_513 = arith.andi %ne3A_507, %ne3A_512 : vector<16xi1>
    %sub3A_514 = arith.constant 1 : i32
    %sub3A_515 = vector.broadcast %sub3A_514 : i32 to vector<16xi32>
    %sub3A_516 = arith.subi %div3A_489, %sub3A_515 : vector<16xi32>
    %select_n3A_517 = arith.select %and3A_513, %sub3A_516, %div3A_489 : vector<16xi1>, vector<16xi32>
    %add3A_518 = arith.addi %mul3A_486, %select_n3A_517 : vector<16xi32>
    %scan3A = arith.constant 0 : i32
    %scan3A_519 = arith.constant 0 : i32
    %scan3A_520 = arith.constant 50 : i32
    %scan3A_521 = arith.addi %scan3A_519, %scan3A_520 : i32
    %scan3A_522 = arith.constant 1 : i32
    scf.for %scan3A_579 = %scan3A_519 to %scan3A_521 step %scan3A_522  : i32 {
      %add3A_580 = arith.addi %mul3A_38, %scan3A_579 : i32
      %mul3A_581 = arith.constant 1 : i32
      %mul3A_582 = arith.muli %add3A_580, %mul3A_581 : i32
      %add3A_583 = arith.constant 0 : i32
      %add3A_584 = arith.addi %mul3A_582, %add3A_583 : i32
      %broadcast_in_dim3A = vector.broadcast %add3A_584 : i32 to vector<16xi32>
      %gather3A = tpu.vector_load_idx %arg5[%add3A_98, %broadcast_in_dim3A] : memref<128x128xi32, #tpu.memory_space<vmem>>[vector<16xi32>, vector<16xi32>], vector<16xi32>,
      %mul3A_585 = arith.constant 4 : i32
      %mul3A_586 = vector.broadcast %mul3A_585 : i32 to vector<16xi32>
      %mul3A_587 = arith.muli %mul3A_586, %gather3A : vector<16xi32>
      %swap3A = arith.index_cast %scan3A_579 : i32 to index
      %swap3A_588 = arith.constant 0 : index
      %swap3A_589 = tpu.vector_load %arg6[%swap3A, %swap3A_588] {strides = array<i32>} : memref<50x128xi32, #tpu.memory_space<vmem>>, vector<16xi32>,
      tpu.vector_store %arg6[%swap3A, %swap3A_588], %mul3A_587 {strides = array<i32>} : memref<50x128xi32, #tpu.memory_space<vmem>>, vector<16xi32>,
      %add3A_590 = arith.constant 0 : i32
      %add3A_591 = arith.addi %mul3A_582, %add3A_590 : i32
      %broadcast_in_dim3A_592 = vector.broadcast %add3A_591 : i32 to vector<16xi32>
      %gather3A_593 = tpu.vector_load_idx %arg5[%add3A_158, %broadcast_in_dim3A_592] : memref<128x128xi32, #tpu.memory_space<vmem>>[vector<16xi32>, vector<16xi32>], vector<16xi32>,
      %mul3A_594 = arith.constant 4 : i32
      %mul3A_595 = vector.broadcast %mul3A_594 : i32 to vector<16xi32>
      %mul3A_596 = arith.muli %mul3A_595, %gather3A_593 : vector<16xi32>
      %swap3A_597 = arith.index_cast %scan3A_579 : i32 to index
      %swap3A_598 = arith.constant 16 : index
      %swap3A_599 = tpu.vector_load %arg6[%swap3A_597, %swap3A_598] {strides = array<i32>} : memref<50x128xi32, #tpu.memory_space<vmem>>, vector<16xi32>,
      tpu.vector_store %arg6[%swap3A_597, %swap3A_598], %mul3A_596 {strides = array<i32>} : memref<50x128xi32, #tpu.memory_space<vmem>>, vector<16xi32>,
      %add3A_600 = arith.constant 0 : i32
      %add3A_601 = arith.addi %mul3A_582, %add3A_600 : i32
      %broadcast_in_dim3A_602 = vector.broadcast %add3A_601 : i32 to vector<16xi32>
      %gather3A_603 = tpu.vector_load_idx %arg5[%add3A_218, %broadcast_in_dim3A_602] : memref<128x128xi32, #tpu.memory_space<vmem>>[vector<16xi32>, vector<16xi32>], vector<16xi32>,
      %mul3A_604 = arith.constant 4 : i32
      %mul3A_605 = vector.broadcast %mul3A_604 : i32 to vector<16xi32>
      %mul3A_606 = arith.muli %mul3A_605, %gather3A_603 : vector<16xi32>
      %swap3A_607 = arith.index_cast %scan3A_579 : i32 to index
      %swap3A_608 = arith.constant 32 : index
      %swap3A_609 = tpu.vector_load %arg6[%swap3A_607, %swap3A_608] {strides = array<i32>} : memref<50x128xi32, #tpu.memory_space<vmem>>, vector<16xi32>,
      tpu.vector_store %arg6[%swap3A_607, %swap3A_608], %mul3A_606 {strides = array<i32>} : memref<50x128xi32, #tpu.memory_space<vmem>>, vector<16xi32>,
      %add3A_610 = arith.constant 0 : i32
      %add3A_611 = arith.addi %mul3A_582, %add3A_610 : i32
      %broadcast_in_dim3A_612 = vector.broadcast %add3A_611 : i32 to vector<16xi32>
      %gather3A_613 = tpu.vector_load_idx %arg5[%add3A_278, %broadcast_in_dim3A_612] : memref<128x128xi32, #tpu.memory_space<vmem>>[vector<16xi32>, vector<16xi32>], vector<16xi32>,
      %mul3A_614 = arith.constant 4 : i32
      %mul3A_615 = vector.broadcast %mul3A_614 : i32 to vector<16xi32>
      %mul3A_616 = arith.muli %mul3A_615, %gather3A_613 : vector<16xi32>
      %swap3A_617 = arith.index_cast %scan3A_579 : i32 to index
      %swap3A_618 = arith.constant 48 : index
      %swap3A_619 = tpu.vector_load %arg6[%swap3A_617, %swap3A_618] {strides = array<i32>} : memref<50x128xi32, #tpu.memory_space<vmem>>, vector<16xi32>,
      tpu.vector_store %arg6[%swap3A_617, %swap3A_618], %mul3A_616 {strides = array<i32>} : memref<50x128xi32, #tpu.memory_space<vmem>>, vector<16xi32>,
      %add3A_620 = arith.constant 0 : i32
      %add3A_621 = arith.addi %mul3A_582, %add3A_620 : i32
      %broadcast_in_dim3A_622 = vector.broadcast %add3A_621 : i32 to vector<16xi32>
      %gather3A_623 = tpu.vector_load_idx %arg5[%add3A_338, %broadcast_in_dim3A_622] : memref<128x128xi32, #tpu.memory_space<vmem>>[vector<16xi32>, vector<16xi32>], vector<16xi32>,
      %mul3A_624 = arith.constant 4 : i32
      %mul3A_625 = vector.broadcast %mul3A_624 : i32 to vector<16xi32>
      %mul3A_626 = arith.muli %mul3A_625, %gather3A_623 : vector<16xi32>
      %swap3A_627 = arith.index_cast %scan3A_579 : i32 to index
      %swap3A_628 = arith.constant 64 : index
      %swap3A_629 = tpu.vector_load %arg6[%swap3A_627, %swap3A_628] {strides = array<i32>} : memref<50x128xi32, #tpu.memory_space<vmem>>, vector<16xi32>,
      tpu.vector_store %arg6[%swap3A_627, %swap3A_628], %mul3A_626 {strides = array<i32>} : memref<50x128xi32, #tpu.memory_space<vmem>>, vector<16xi32>,
      %add3A_630 = arith.constant 0 : i32
      %add3A_631 = arith.addi %mul3A_582, %add3A_630 : i32
      %broadcast_in_dim3A_632 = vector.broadcast %add3A_631 : i32 to vector<16xi32>
      %gather3A_633 = tpu.vector_load_idx %arg5[%add3A_398, %broadcast_in_dim3A_632] : memref<128x128xi32, #tpu.memory_space<vmem>>[vector<16xi32>, vector<16xi32>], vector<16xi32>,
      %mul3A_634 = arith.constant 4 : i32
      %mul3A_635 = vector.broadcast %mul3A_634 : i32 to vector<16xi32>
      %mul3A_636 = arith.muli %mul3A_635, %gather3A_633 : vector<16xi32>
      %swap3A_637 = arith.index_cast %scan3A_579 : i32 to index
      %swap3A_638 = arith.constant 80 : index
      %swap3A_639 = tpu.vector_load %arg6[%swap3A_637, %swap3A_638] {strides = array<i32>} : memref<50x128xi32, #tpu.memory_space<vmem>>, vector<16xi32>,
      tpu.vector_store %arg6[%swap3A_637, %swap3A_638], %mul3A_636 {strides = array<i32>} : memref<50x128xi32, #tpu.memory_space<vmem>>, vector<16xi32>,
      %add3A_640 = arith.constant 0 : i32
      %add3A_641 = arith.addi %mul3A_582, %add3A_640 : i32
      %broadcast_in_dim3A_642 = vector.broadcast %add3A_641 : i32 to vector<16xi32>
      %gather3A_643 = tpu.vector_load_idx %arg5[%add3A_458, %broadcast_in_dim3A_642] : memref<128x128xi32, #tpu.memory_space<vmem>>[vector<16xi32>, vector<16xi32>], vector<16xi32>,
      %mul3A_644 = arith.constant 4 : i32
      %mul3A_645 = vector.broadcast %mul3A_644 : i32 to vector<16xi32>
      %mul3A_646 = arith.muli %mul3A_645, %gather3A_643 : vector<16xi32>
      %swap3A_647 = arith.index_cast %scan3A_579 : i32 to index
      %swap3A_648 = arith.constant 96 : index
      %swap3A_649 = tpu.vector_load %arg6[%swap3A_647, %swap3A_648] {strides = array<i32>} : memref<50x128xi32, #tpu.memory_space<vmem>>, vector<16xi32>,
      tpu.vector_store %arg6[%swap3A_647, %swap3A_648], %mul3A_646 {strides = array<i32>} : memref<50x128xi32, #tpu.memory_space<vmem>>, vector<16xi32>,
      %add3A_650 = arith.constant 0 : i32
      %add3A_651 = arith.addi %mul3A_582, %add3A_650 : i32
      %broadcast_in_dim3A_652 = vector.broadcast %add3A_651 : i32 to vector<16xi32>
      %gather3A_653 = tpu.vector_load_idx %arg5[%add3A_518, %broadcast_in_dim3A_652] : memref<128x128xi32, #tpu.memory_space<vmem>>[vector<16xi32>, vector<16xi32>], vector<16xi32>,
      %mul3A_654 = arith.constant 4 : i32
      %mul3A_655 = vector.broadcast %mul3A_654 : i32 to vector<16xi32>
      %mul3A_656 = arith.muli %mul3A_655, %gather3A_653 : vector<16xi32>
      %swap3A_657 = arith.index_cast %scan3A_579 : i32 to index
      %swap3A_658 = arith.constant 112 : index
      %swap3A_659 = tpu.vector_load %arg6[%swap3A_657, %swap3A_658] {strides = array<i32>} : memref<50x128xi32, #tpu.memory_space<vmem>>, vector<16xi32>,
      tpu.vector_store %arg6[%swap3A_657, %swap3A_658], %mul3A_656 {strides = array<i32>} : memref<50x128xi32, #tpu.memory_space<vmem>>, vector<16xi32>,
    }
    %scan3A_523 = arith.constant 50 : i32
    %dma_start3A = arith.constant 0 : i32
    %dma_start3A_524 = arith.constant 0 : i32
    %dma_start3A_525 = arith.constant 0 : i32
    %dma_start3A_526 = tpu.memref_slice %arg7[%dma_start3A_524, %dma_start3A_525] : memref<640x32xf32, #tpu.memory_space<vmem>> -> memref<128x32xf32, #tpu.memory_space<vmem>>
    %dma_start3A_527 = arith.constant 0 : i32
    %dma_start3A_528 = tpu.memref_slice %arg6[%dma_start3A, %dma_start3A_527] : memref<50x128xi32, #tpu.memory_space<vmem>> -> memref<1x128xi32, #tpu.memory_space<vmem>>
    %dma_start3A_529 = tpu.memref_squeeze %dma_start3A_528 : memref<1x128xi32, #tpu.memory_space<vmem>> -> memref<128xi32, #tpu.memory_space<vmem>>
    %dma_start3A_530 = arith.constant 0 : i32
    %dma_start3A_531 = arith.constant 0 : i32
    %dma_start3A_532 = tpu.memref_slice %arg3[%dma_start3A_530, %dma_start3A_531] : memref<400128x32xf32, #tpu.memory_space<hbm>> -> memref<400128x32xf32, #tpu.memory_space<hbm>>
    tpu.enqueue_indirect_dma source(%dma_start3A_532 : memref<400128x32xf32, #tpu.memory_space<hbm>>) target(%dma_start3A_526 : memref<128x32xf32, #tpu.memory_space<vmem>>) offsets(%dma_start3A_529 : memref<128xi32, #tpu.memory_space<vmem>>) semaphore(%arg9 : memref<!tpu.dma_semaphore, #tpu.memory_space<semaphore_mem>>)
    %dma_start3A_533 = arith.constant 1 : i32
    %dma_start3A_534 = arith.constant 128 : i32
    %dma_start3A_535 = arith.constant 0 : i32
    %dma_start3A_536 = tpu.memref_slice %arg7[%dma_start3A_534, %dma_start3A_535] : memref<640x32xf32, #tpu.memory_space<vmem>> -> memref<128x32xf32, #tpu.memory_space<vmem>>
    %dma_start3A_537 = arith.constant 0 : i32
    %dma_start3A_538 = tpu.memref_slice %arg6[%dma_start3A_533, %dma_start3A_537] : memref<50x128xi32, #tpu.memory_space<vmem>> -> memref<1x128xi32, #tpu.memory_space<vmem>>
    %dma_start3A_539 = tpu.memref_squeeze %dma_start3A_538 : memref<1x128xi32, #tpu.memory_space<vmem>> -> memref<128xi32, #tpu.memory_space<vmem>>
    %dma_start3A_540 = arith.constant 0 : i32
    %dma_start3A_541 = arith.constant 0 : i32
    %dma_start3A_542 = tpu.memref_slice %arg3[%dma_start3A_540, %dma_start3A_541] : memref<400128x32xf32, #tpu.memory_space<hbm>> -> memref<400128x32xf32, #tpu.memory_space<hbm>>
    tpu.enqueue_indirect_dma source(%dma_start3A_542 : memref<400128x32xf32, #tpu.memory_space<hbm>>) target(%dma_start3A_536 : memref<128x32xf32, #tpu.memory_space<vmem>>) offsets(%dma_start3A_539 : memref<128xi32, #tpu.memory_space<vmem>>) semaphore(%arg9 : memref<!tpu.dma_semaphore, #tpu.memory_space<semaphore_mem>>)
    %dma_start3A_543 = arith.constant 2 : i32
    %dma_start3A_544 = arith.constant 256 : i32
    %dma_start3A_545 = arith.constant 0 : i32
    %dma_start3A_546 = tpu.memref_slice %arg7[%dma_start3A_544, %dma_start3A_545] : memref<640x32xf32, #tpu.memory_space<vmem>> -> memref<128x32xf32, #tpu.memory_space<vmem>>
    %dma_start3A_547 = arith.constant 0 : i32
    %dma_start3A_548 = tpu.memref_slice %arg6[%dma_start3A_543, %dma_start3A_547] : memref<50x128xi32, #tpu.memory_space<vmem>> -> memref<1x128xi32, #tpu.memory_space<vmem>>
    %dma_start3A_549 = tpu.memref_squeeze %dma_start3A_548 : memref<1x128xi32, #tpu.memory_space<vmem>> -> memref<128xi32, #tpu.memory_space<vmem>>
    %dma_start3A_550 = arith.constant 0 : i32
    %dma_start3A_551 = arith.constant 0 : i32
    %dma_start3A_552 = tpu.memref_slice %arg3[%dma_start3A_550, %dma_start3A_551] : memref<400128x32xf32, #tpu.memory_space<hbm>> -> memref<400128x32xf32, #tpu.memory_space<hbm>>
    tpu.enqueue_indirect_dma source(%dma_start3A_552 : memref<400128x32xf32, #tpu.memory_space<hbm>>) target(%dma_start3A_546 : memref<128x32xf32, #tpu.memory_space<vmem>>) offsets(%dma_start3A_549 : memref<128xi32, #tpu.memory_space<vmem>>) semaphore(%arg9 : memref<!tpu.dma_semaphore, #tpu.memory_space<semaphore_mem>>)
    %dma_start3A_553 = arith.constant 3 : i32
    %dma_start3A_554 = arith.constant 384 : i32
    %dma_start3A_555 = arith.constant 0 : i32
    %dma_start3A_556 = tpu.memref_slice %arg7[%dma_start3A_554, %dma_start3A_555] : memref<640x32xf32, #tpu.memory_space<vmem>> -> memref<128x32xf32, #tpu.memory_space<vmem>>
    %dma_start3A_557 = arith.constant 0 : i32
    %dma_start3A_558 = tpu.memref_slice %arg6[%dma_start3A_553, %dma_start3A_557] : memref<50x128xi32, #tpu.memory_space<vmem>> -> memref<1x128xi32, #tpu.memory_space<vmem>>
    %dma_start3A_559 = tpu.memref_squeeze %dma_start3A_558 : memref<1x128xi32, #tpu.memory_space<vmem>> -> memref<128xi32, #tpu.memory_space<vmem>>
    %dma_start3A_560 = arith.constant 0 : i32
    %dma_start3A_561 = arith.constant 0 : i32
    %dma_start3A_562 = tpu.memref_slice %arg3[%dma_start3A_560, %dma_start3A_561] : memref<400128x32xf32, #tpu.memory_space<hbm>> -> memref<400128x32xf32, #tpu.memory_space<hbm>>
    tpu.enqueue_indirect_dma source(%dma_start3A_562 : memref<400128x32xf32, #tpu.memory_space<hbm>>) target(%dma_start3A_556 : memref<128x32xf32, #tpu.memory_space<vmem>>) offsets(%dma_start3A_559 : memref<128xi32, #tpu.memory_space<vmem>>) semaphore(%arg9 : memref<!tpu.dma_semaphore, #tpu.memory_space<semaphore_mem>>)
    %dma_start3A_563 = arith.constant 4 : i32
    %dma_start3A_564 = arith.constant 512 : i32
    %dma_start3A_565 = arith.constant 0 : i32
    %dma_start3A_566 = tpu.memref_slice %arg7[%dma_start3A_564, %dma_start3A_565] : memref<640x32xf32, #tpu.memory_space<vmem>> -> memref<128x32xf32, #tpu.memory_space<vmem>>
    %dma_start3A_567 = arith.constant 0 : i32
    %dma_start3A_568 = tpu.memref_slice %arg6[%dma_start3A_563, %dma_start3A_567] : memref<50x128xi32, #tpu.memory_space<vmem>> -> memref<1x128xi32, #tpu.memory_space<vmem>>
    %dma_start3A_569 = tpu.memref_squeeze %dma_start3A_568 : memref<1x128xi32, #tpu.memory_space<vmem>> -> memref<128xi32, #tpu.memory_space<vmem>>
    %dma_start3A_570 = arith.constant 0 : i32
    %dma_start3A_571 = arith.constant 0 : i32
    %dma_start3A_572 = tpu.memref_slice %arg3[%dma_start3A_570, %dma_start3A_571] : memref<400128x32xf32, #tpu.memory_space<hbm>> -> memref<400128x32xf32, #tpu.memory_space<hbm>>
    tpu.enqueue_indirect_dma source(%dma_start3A_572 : memref<400128x32xf32, #tpu.memory_space<hbm>>) target(%dma_start3A_566 : memref<128x32xf32, #tpu.memory_space<vmem>>) offsets(%dma_start3A_569 : memref<128xi32, #tpu.memory_space<vmem>>) semaphore(%arg9 : memref<!tpu.dma_semaphore, #tpu.memory_space<semaphore_mem>>)
    %scan3A_573 = arith.constant 0 : i32
    %scan3A_574 = arith.constant 0 : i32
    %scan3A_575 = arith.constant 5 : i32
    %scan3A_576 = arith.addi %scan3A_574, %scan3A_575 : i32
    %scan3A_577 = arith.constant 1 : i32
    scf.for %scan3A_579 = %scan3A_574 to %scan3A_576 step %scan3A_577  : i32 {
      %mul3A_580 = arith.constant 2 : i32
      %mul3A_581 = arith.muli %mul3A_580, %scan3A_579 : i32
      %add3A_582 = arith.constant 1 : i32
      %add3A_583 = arith.addi %mul3A_581, %add3A_582 : i32
      %mul3A_584 = arith.constant 5 : i32
      %mul3A_585 = arith.muli %add3A_583, %mul3A_584 : i32
      %add3A_586 = arith.constant 0 : i32
      %add3A_587 = arith.addi %mul3A_585, %add3A_586 : i32
      %dma_start3A_588 = arith.constant 0 : i32
      %dma_start3A_589 = arith.constant 0 : i32
      %dma_start3A_590 = tpu.memref_slice %arg8[%dma_start3A_588, %dma_start3A_589] : memref<640x32xf32, #tpu.memory_space<vmem>> -> memref<128x32xf32, #tpu.memory_space<vmem>>
      %dma_start3A_591 = arith.constant 0 : i32
      %dma_start3A_592 = tpu.memref_slice %arg6[%add3A_587, %dma_start3A_591] : memref<50x128xi32, #tpu.memory_space<vmem>> -> memref<1x128xi32, #tpu.memory_space<vmem>>
      %dma_start3A_593 = tpu.memref_squeeze %dma_start3A_592 : memref<1x128xi32, #tpu.memory_space<vmem>> -> memref<128xi32, #tpu.memory_space<vmem>>
      %dma_start3A_594 = arith.constant 0 : i32
      %dma_start3A_595 = arith.constant 0 : i32
      %dma_start3A_596 = tpu.memref_slice %arg3[%dma_start3A_594, %dma_start3A_595] : memref<400128x32xf32, #tpu.memory_space<hbm>> -> memref<400128x32xf32, #tpu.memory_space<hbm>>
      tpu.enqueue_indirect_dma source(%dma_start3A_596 : memref<400128x32xf32, #tpu.memory_space<hbm>>) target(%dma_start3A_590 : memref<128x32xf32, #tpu.memory_space<vmem>>) offsets(%dma_start3A_593 : memref<128xi32, #tpu.memory_space<vmem>>) semaphore(%arg10 : memref<!tpu.dma_semaphore, #tpu.memory_space<semaphore_mem>>)
      %mul3A_597 = arith.constant 5 : i32
      %mul3A_598 = arith.muli %add3A_583, %mul3A_597 : i32
      %add3A_599 = arith.constant 1 : i32
      %add3A_600 = arith.addi %mul3A_598, %add3A_599 : i32
      %dma_start3A_601 = arith.constant 128 : i32
      %dma_start3A_602 = arith.constant 0 : i32
      %dma_start3A_603 = tpu.memref_slice %arg8[%dma_start3A_601, %dma_start3A_602] : memref<640x32xf32, #tpu.memory_space<vmem>> -> memref<128x32xf32, #tpu.memory_space<vmem>>
      %dma_start3A_604 = arith.constant 0 : i32
      %dma_start3A_605 = tpu.memref_slice %arg6[%add3A_600, %dma_start3A_604] : memref<50x128xi32, #tpu.memory_space<vmem>> -> memref<1x128xi32, #tpu.memory_space<vmem>>
      %dma_start3A_606 = tpu.memref_squeeze %dma_start3A_605 : memref<1x128xi32, #tpu.memory_space<vmem>> -> memref<128xi32, #tpu.memory_space<vmem>>
      %dma_start3A_607 = arith.constant 0 : i32
      %dma_start3A_608 = arith.constant 0 : i32
      %dma_start3A_609 = tpu.memref_slice %arg3[%dma_start3A_607, %dma_start3A_608] : memref<400128x32xf32, #tpu.memory_space<hbm>> -> memref<400128x32xf32, #tpu.memory_space<hbm>>
      tpu.enqueue_indirect_dma source(%dma_start3A_609 : memref<400128x32xf32, #tpu.memory_space<hbm>>) target(%dma_start3A_603 : memref<128x32xf32, #tpu.memory_space<vmem>>) offsets(%dma_start3A_606 : memref<128xi32, #tpu.memory_space<vmem>>) semaphore(%arg10 : memref<!tpu.dma_semaphore, #tpu.memory_space<semaphore_mem>>)
      %mul3A_610 = arith.constant 5 : i32
      %mul3A_611 = arith.muli %add3A_583, %mul3A_610 : i32
      %add3A_612 = arith.constant 2 : i32
      %add3A_613 = arith.addi %mul3A_611, %add3A_612 : i32
      %dma_start3A_614 = arith.constant 256 : i32
      %dma_start3A_615 = arith.constant 0 : i32
      %dma_start3A_616 = tpu.memref_slice %arg8[%dma_start3A_614, %dma_start3A_615] : memref<640x32xf32, #tpu.memory_space<vmem>> -> memref<128x32xf32, #tpu.memory_space<vmem>>
      %dma_start3A_617 = arith.constant 0 : i32
      %dma_start3A_618 = tpu.memref_slice %arg6[%add3A_613, %dma_start3A_617] : memref<50x128xi32, #tpu.memory_space<vmem>> -> memref<1x128xi32, #tpu.memory_space<vmem>>
      %dma_start3A_619 = tpu.memref_squeeze %dma_start3A_618 : memref<1x128xi32, #tpu.memory_space<vmem>> -> memref<128xi32, #tpu.memory_space<vmem>>
      %dma_start3A_620 = arith.constant 0 : i32
      %dma_start3A_621 = arith.constant 0 : i32
      %dma_start3A_622 = tpu.memref_slice %arg3[%dma_start3A_620, %dma_start3A_621] : memref<400128x32xf32, #tpu.memory_space<hbm>> -> memref<400128x32xf32, #tpu.memory_space<hbm>>
      tpu.enqueue_indirect_dma source(%dma_start3A_622 : memref<400128x32xf32, #tpu.memory_space<hbm>>) target(%dma_start3A_616 : memref<128x32xf32, #tpu.memory_space<vmem>>) offsets(%dma_start3A_619 : memref<128xi32, #tpu.memory_space<vmem>>) semaphore(%arg10 : memref<!tpu.dma_semaphore, #tpu.memory_space<semaphore_mem>>)
      %mul3A_623 = arith.constant 5 : i32
      %mul3A_624 = arith.muli %add3A_583, %mul3A_623 : i32
      %add3A_625 = arith.constant 3 : i32
      %add3A_626 = arith.addi %mul3A_624, %add3A_625 : i32
      %dma_start3A_627 = arith.constant 384 : i32
      %dma_start3A_628 = arith.constant 0 : i32
      %dma_start3A_629 = tpu.memref_slice %arg8[%dma_start3A_627, %dma_start3A_628] : memref<640x32xf32, #tpu.memory_space<vmem>> -> memref<128x32xf32, #tpu.memory_space<vmem>>
      %dma_start3A_630 = arith.constant 0 : i32
      %dma_start3A_631 = tpu.memref_slice %arg6[%add3A_626, %dma_start3A_630] : memref<50x128xi32, #tpu.memory_space<vmem>> -> memref<1x128xi32, #tpu.memory_space<vmem>>
      %dma_start3A_632 = tpu.memref_squeeze %dma_start3A_631 : memref<1x128xi32, #tpu.memory_space<vmem>> -> memref<128xi32, #tpu.memory_space<vmem>>
      %dma_start3A_633 = arith.constant 0 : i32
      %dma_start3A_634 = arith.constant 0 : i32
      %dma_start3A_635 = tpu.memref_slice %arg3[%dma_start3A_633, %dma_start3A_634] : memref<400128x32xf32, #tpu.memory_space<hbm>> -> memref<400128x32xf32, #tpu.memory_space<hbm>>
      tpu.enqueue_indirect_dma source(%dma_start3A_635 : memref<400128x32xf32, #tpu.memory_space<hbm>>) target(%dma_start3A_629 : memref<128x32xf32, #tpu.memory_space<vmem>>) offsets(%dma_start3A_632 : memref<128xi32, #tpu.memory_space<vmem>>) semaphore(%arg10 : memref<!tpu.dma_semaphore, #tpu.memory_space<semaphore_mem>>)
      %mul3A_636 = arith.constant 5 : i32
      %mul3A_637 = arith.muli %add3A_583, %mul3A_636 : i32
      %add3A_638 = arith.constant 4 : i32
      %add3A_639 = arith.addi %mul3A_637, %add3A_638 : i32
      %dma_start3A_640 = arith.constant 512 : i32
      %dma_start3A_641 = arith.constant 0 : i32
      %dma_start3A_642 = tpu.memref_slice %arg8[%dma_start3A_640, %dma_start3A_641] : memref<640x32xf32, #tpu.memory_space<vmem>> -> memref<128x32xf32, #tpu.memory_space<vmem>>
      %dma_start3A_643 = arith.constant 0 : i32
      %dma_start3A_644 = tpu.memref_slice %arg6[%add3A_639, %dma_start3A_643] : memref<50x128xi32, #tpu.memory_space<vmem>> -> memref<1x128xi32, #tpu.memory_space<vmem>>
      %dma_start3A_645 = tpu.memref_squeeze %dma_start3A_644 : memref<1x128xi32, #tpu.memory_space<vmem>> -> memref<128xi32, #tpu.memory_space<vmem>>
      %dma_start3A_646 = arith.constant 0 : i32
      %dma_start3A_647 = arith.constant 0 : i32
      %dma_start3A_648 = tpu.memref_slice %arg3[%dma_start3A_646, %dma_start3A_647] : memref<400128x32xf32, #tpu.memory_space<hbm>> -> memref<400128x32xf32, #tpu.memory_space<hbm>>
      tpu.enqueue_indirect_dma source(%dma_start3A_648 : memref<400128x32xf32, #tpu.memory_space<hbm>>) target(%dma_start3A_642 : memref<128x32xf32, #tpu.memory_space<vmem>>) offsets(%dma_start3A_645 : memref<128xi32, #tpu.memory_space<vmem>>) semaphore(%arg10 : memref<!tpu.dma_semaphore, #tpu.memory_space<semaphore_mem>>)
      %mul3A_649 = arith.constant 5 : i32
      %mul3A_650 = arith.muli %mul3A_581, %mul3A_649 : i32
      %add3A_651 = arith.constant 0 : i32
      %add3A_652 = arith.addi %mul3A_650, %add3A_651 : i32
      %dma_wait3A = arith.constant 0 : i32
      %dma_wait3A_653 = arith.constant 0 : i32
      %dma_wait3A_654 = tpu.memref_slice %arg7[%dma_wait3A, %dma_wait3A_653] : memref<640x32xf32, #tpu.memory_space<vmem>> -> memref<128x32xf32, #tpu.memory_space<vmem>>
      %dma_wait3A_655 = arith.constant 0 : i32
      %dma_wait3A_656 = tpu.memref_slice %arg6[%add3A_652, %dma_wait3A_655] : memref<50x128xi32, #tpu.memory_space<vmem>> -> memref<1x128xi32, #tpu.memory_space<vmem>>
      %dma_wait3A_657 = tpu.memref_squeeze %dma_wait3A_656 : memref<1x128xi32, #tpu.memory_space<vmem>> -> memref<128xi32, #tpu.memory_space<vmem>>
      %dma_wait3A_658 = arith.constant 0 : i32
      %dma_wait3A_659 = arith.constant 0 : i32
      %dma_wait3A_660 = tpu.memref_slice %arg3[%dma_wait3A_658, %dma_wait3A_659] : memref<400128x32xf32, #tpu.memory_space<hbm>> -> memref<400128x32xf32, #tpu.memory_space<hbm>>
      tpu.wait_indirect_dma semaphore(%arg9 : memref<!tpu.dma_semaphore, #tpu.memory_space<semaphore_mem>>) src(%dma_wait3A_660 : memref<400128x32xf32, #tpu.memory_space<hbm>>) dst(%dma_wait3A_654 : memref<128x32xf32, #tpu.memory_space<vmem>>)
      %mul3A_661 = arith.constant 5 : i32
      %mul3A_662 = arith.muli %mul3A_581, %mul3A_661 : i32
      %add3A_663 = arith.constant 1 : i32
      %add3A_664 = arith.addi %mul3A_662, %add3A_663 : i32
      %dma_wait3A_665 = arith.constant 128 : i32
      %dma_wait3A_666 = arith.constant 0 : i32
      %dma_wait3A_667 = tpu.memref_slice %arg7[%dma_wait3A_665, %dma_wait3A_666] : memref<640x32xf32, #tpu.memory_space<vmem>> -> memref<128x32xf32, #tpu.memory_space<vmem>>
      %dma_wait3A_668 = arith.constant 0 : i32
      %dma_wait3A_669 = tpu.memref_slice %arg6[%add3A_664, %dma_wait3A_668] : memref<50x128xi32, #tpu.memory_space<vmem>> -> memref<1x128xi32, #tpu.memory_space<vmem>>
      %dma_wait3A_670 = tpu.memref_squeeze %dma_wait3A_669 : memref<1x128xi32, #tpu.memory_space<vmem>> -> memref<128xi32, #tpu.memory_space<vmem>>
      %dma_wait3A_671 = arith.constant 0 : i32
      %dma_wait3A_672 = arith.constant 0 : i32
      %dma_wait3A_673 = tpu.memref_slice %arg3[%dma_wait3A_671, %dma_wait3A_672] : memref<400128x32xf32, #tpu.memory_space<hbm>> -> memref<400128x32xf32, #tpu.memory_space<hbm>>
      tpu.wait_indirect_dma semaphore(%arg9 : memref<!tpu.dma_semaphore, #tpu.memory_space<semaphore_mem>>) src(%dma_wait3A_673 : memref<400128x32xf32, #tpu.memory_space<hbm>>) dst(%dma_wait3A_667 : memref<128x32xf32, #tpu.memory_space<vmem>>)
      %mul3A_674 = arith.constant 5 : i32
      %mul3A_675 = arith.muli %mul3A_581, %mul3A_674 : i32
      %add3A_676 = arith.constant 2 : i32
      %add3A_677 = arith.addi %mul3A_675, %add3A_676 : i32
      %dma_wait3A_678 = arith.constant 256 : i32
      %dma_wait3A_679 = arith.constant 0 : i32
      %dma_wait3A_680 = tpu.memref_slice %arg7[%dma_wait3A_678, %dma_wait3A_679] : memref<640x32xf32, #tpu.memory_space<vmem>> -> memref<128x32xf32, #tpu.memory_space<vmem>>
      %dma_wait3A_681 = arith.constant 0 : i32
      %dma_wait3A_682 = tpu.memref_slice %arg6[%add3A_677, %dma_wait3A_681] : memref<50x128xi32, #tpu.memory_space<vmem>> -> memref<1x128xi32, #tpu.memory_space<vmem>>
      %dma_wait3A_683 = tpu.memref_squeeze %dma_wait3A_682 : memref<1x128xi32, #tpu.memory_space<vmem>> -> memref<128xi32, #tpu.memory_space<vmem>>
      %dma_wait3A_684 = arith.constant 0 : i32
      %dma_wait3A_685 = arith.constant 0 : i32
      %dma_wait3A_686 = tpu.memref_slice %arg3[%dma_wait3A_684, %dma_wait3A_685] : memref<400128x32xf32, #tpu.memory_space<hbm>> -> memref<400128x32xf32, #tpu.memory_space<hbm>>
      tpu.wait_indirect_dma semaphore(%arg9 : memref<!tpu.dma_semaphore, #tpu.memory_space<semaphore_mem>>) src(%dma_wait3A_686 : memref<400128x32xf32, #tpu.memory_space<hbm>>) dst(%dma_wait3A_680 : memref<128x32xf32, #tpu.memory_space<vmem>>)
      %mul3A_687 = arith.constant 5 : i32
      %mul3A_688 = arith.muli %mul3A_581, %mul3A_687 : i32
      %add3A_689 = arith.constant 3 : i32
      %add3A_690 = arith.addi %mul3A_688, %add3A_689 : i32
      %dma_wait3A_691 = arith.constant 384 : i32
      %dma_wait3A_692 = arith.constant 0 : i32
      %dma_wait3A_693 = tpu.memref_slice %arg7[%dma_wait3A_691, %dma_wait3A_692] : memref<640x32xf32, #tpu.memory_space<vmem>> -> memref<128x32xf32, #tpu.memory_space<vmem>>
      %dma_wait3A_694 = arith.constant 0 : i32
      %dma_wait3A_695 = tpu.memref_slice %arg6[%add3A_690, %dma_wait3A_694] : memref<50x128xi32, #tpu.memory_space<vmem>> -> memref<1x128xi32, #tpu.memory_space<vmem>>
      %dma_wait3A_696 = tpu.memref_squeeze %dma_wait3A_695 : memref<1x128xi32, #tpu.memory_space<vmem>> -> memref<128xi32, #tpu.memory_space<vmem>>
      %dma_wait3A_697 = arith.constant 0 : i32
      %dma_wait3A_698 = arith.constant 0 : i32
      %dma_wait3A_699 = tpu.memref_slice %arg3[%dma_wait3A_697, %dma_wait3A_698] : memref<400128x32xf32, #tpu.memory_space<hbm>> -> memref<400128x32xf32, #tpu.memory_space<hbm>>
      tpu.wait_indirect_dma semaphore(%arg9 : memref<!tpu.dma_semaphore, #tpu.memory_space<semaphore_mem>>) src(%dma_wait3A_699 : memref<400128x32xf32, #tpu.memory_space<hbm>>) dst(%dma_wait3A_693 : memref<128x32xf32, #tpu.memory_space<vmem>>)
      %mul3A_700 = arith.constant 5 : i32
      %mul3A_701 = arith.muli %mul3A_581, %mul3A_700 : i32
      %add3A_702 = arith.constant 4 : i32
      %add3A_703 = arith.addi %mul3A_701, %add3A_702 : i32
      %dma_wait3A_704 = arith.constant 512 : i32
      %dma_wait3A_705 = arith.constant 0 : i32
      %dma_wait3A_706 = tpu.memref_slice %arg7[%dma_wait3A_704, %dma_wait3A_705] : memref<640x32xf32, #tpu.memory_space<vmem>> -> memref<128x32xf32, #tpu.memory_space<vmem>>
      %dma_wait3A_707 = arith.constant 0 : i32
      %dma_wait3A_708 = tpu.memref_slice %arg6[%add3A_703, %dma_wait3A_707] : memref<50x128xi32, #tpu.memory_space<vmem>> -> memref<1x128xi32, #tpu.memory_space<vmem>>
      %dma_wait3A_709 = tpu.memref_squeeze %dma_wait3A_708 : memref<1x128xi32, #tpu.memory_space<vmem>> -> memref<128xi32, #tpu.memory_space<vmem>>
      %dma_wait3A_710 = arith.constant 0 : i32
      %dma_wait3A_711 = arith.constant 0 : i32
      %dma_wait3A_712 = tpu.memref_slice %arg3[%dma_wait3A_710, %dma_wait3A_711] : memref<400128x32xf32, #tpu.memory_space<hbm>> -> memref<400128x32xf32, #tpu.memory_space<hbm>>
      tpu.wait_indirect_dma semaphore(%arg9 : memref<!tpu.dma_semaphore, #tpu.memory_space<semaphore_mem>>) src(%dma_wait3A_712 : memref<400128x32xf32, #tpu.memory_space<hbm>>) dst(%dma_wait3A_706 : memref<128x32xf32, #tpu.memory_space<vmem>>)
      %mul3A_713 = arith.constant 640 : i32
      %mul3A_714 = arith.muli %mul3A_581, %mul3A_713 : i32
      %add3A_715 = arith.addi %mul3A_22, %mul3A_714 : i32
      "tpu.region"() ({
        %run_scoped3A = tpu.sem_alloc : memref<!tpu.dma_semaphore, #tpu.memory_space<semaphore_mem>>
        %dma_start3A_791 = arith.constant 0 : i32
        %dma_start3A_792 = tpu.memref_slice %arg4[%add3A_715, %dma_start3A_791] : memref<204800x32xf32, #tpu.memory_space<hbm>> -> memref<640x32xf32, #tpu.memory_space<hbm>>
        %dma_start3A_793 = arith.constant 0 : i32
        %dma_start3A_794 = tpu.memref_slice %arg4[%add3A_715, %dma_start3A_793] : memref<204800x32xf32, #tpu.memory_space<hbm>> -> memref<640x32xf32, #tpu.memory_space<hbm>>
        tpu.enqueue_dma source(%arg7 : memref<640x32xf32, #tpu.memory_space<vmem>>) target(%dma_start3A_794 : memref<640x32xf32, #tpu.memory_space<hbm>>) target_semaphore(%run_scoped3A : memref<!tpu.dma_semaphore, #tpu.memory_space<semaphore_mem>>)
        %dma_wait3A_795 = arith.constant 0 : i32
        %dma_wait3A_796 = tpu.memref_slice %arg4[%add3A_715, %dma_wait3A_795] : memref<204800x32xf32, #tpu.memory_space<hbm>> -> memref<640x32xf32, #tpu.memory_space<hbm>>
        %dma_wait3A_797 = arith.constant 0 : i32
        %dma_wait3A_798 = tpu.memref_slice %arg4[%add3A_715, %dma_wait3A_797] : memref<204800x32xf32, #tpu.memory_space<hbm>> -> memref<640x32xf32, #tpu.memory_space<hbm>>
        tpu.wait_dma2 semaphore(%run_scoped3A : memref<!tpu.dma_semaphore, #tpu.memory_space<semaphore_mem>>) src(%arg7 : memref<640x32xf32, #tpu.memory_space<vmem>>) dst(%dma_wait3A_798 : memref<640x32xf32, #tpu.memory_space<hbm>>)
        tpu.yield
      }) : () -> ()
      %add3A_716 = arith.constant 2 : i32
      %add3A_717 = arith.addi %mul3A_581, %add3A_716 : i32
      %lt3A_718 = arith.constant 10 : i32
      %lt3A_719 = arith.cmpi slt, %add3A_717, %lt3A_718 : i32
      %convert_element_type3A = arith.extui %lt3A_719 : i1 to i32
      %cond3A = arith.constant 0 : i32
      %cond3A_720 = arith.cmpi ne, %convert_element_type3A, %cond3A : i32
      scf.if %cond3A_720 {
        %add3A_791 = arith.constant 2 : i32
        %add3A_792 = arith.addi %mul3A_581, %add3A_791 : i32
        %mul3A_793 = arith.constant 5 : i32
        %mul3A_794 = arith.muli %add3A_792, %mul3A_793 : i32
        %add3A_795 = arith.constant 0 : i32
        %add3A_796 = arith.addi %mul3A_794, %add3A_795 : i32
        %dma_start3A_797 = arith.constant 0 : i32
        %dma_start3A_798 = arith.constant 0 : i32
        %dma_start3A_799 = tpu.memref_slice %arg7[%dma_start3A_797, %dma_start3A_798] : memref<640x32xf32, #tpu.memory_space<vmem>> -> memref<128x32xf32, #tpu.memory_space<vmem>>
        %dma_start3A_800 = arith.constant 0 : i32
        %dma_start3A_801 = tpu.memref_slice %arg6[%add3A_796, %dma_start3A_800] : memref<50x128xi32, #tpu.memory_space<vmem>> -> memref<1x128xi32, #tpu.memory_space<vmem>>
        %dma_start3A_802 = tpu.memref_squeeze %dma_start3A_801 : memref<1x128xi32, #tpu.memory_space<vmem>> -> memref<128xi32, #tpu.memory_space<vmem>>
        %dma_start3A_803 = arith.constant 0 : i32
        %dma_start3A_804 = arith.constant 0 : i32
        %dma_start3A_805 = tpu.memref_slice %arg3[%dma_start3A_803, %dma_start3A_804] : memref<400128x32xf32, #tpu.memory_space<hbm>> -> memref<400128x32xf32, #tpu.memory_space<hbm>>
        tpu.enqueue_indirect_dma source(%dma_start3A_805 : memref<400128x32xf32, #tpu.memory_space<hbm>>) target(%dma_start3A_799 : memref<128x32xf32, #tpu.memory_space<vmem>>) offsets(%dma_start3A_802 : memref<128xi32, #tpu.memory_space<vmem>>) semaphore(%arg9 : memref<!tpu.dma_semaphore, #tpu.memory_space<semaphore_mem>>)
        %mul3A_806 = arith.constant 5 : i32
        %mul3A_807 = arith.muli %add3A_792, %mul3A_806 : i32
        %add3A_808 = arith.constant 1 : i32
        %add3A_809 = arith.addi %mul3A_807, %add3A_808 : i32
        %dma_start3A_810 = arith.constant 128 : i32
        %dma_start3A_811 = arith.constant 0 : i32
        %dma_start3A_812 = tpu.memref_slice %arg7[%dma_start3A_810, %dma_start3A_811] : memref<640x32xf32, #tpu.memory_space<vmem>> -> memref<128x32xf32, #tpu.memory_space<vmem>>
        %dma_start3A_813 = arith.constant 0 : i32
        %dma_start3A_814 = tpu.memref_slice %arg6[%add3A_809, %dma_start3A_813] : memref<50x128xi32, #tpu.memory_space<vmem>> -> memref<1x128xi32, #tpu.memory_space<vmem>>
        %dma_start3A_815 = tpu.memref_squeeze %dma_start3A_814 : memref<1x128xi32, #tpu.memory_space<vmem>> -> memref<128xi32, #tpu.memory_space<vmem>>
        %dma_start3A_816 = arith.constant 0 : i32
        %dma_start3A_817 = arith.constant 0 : i32
        %dma_start3A_818 = tpu.memref_slice %arg3[%dma_start3A_816, %dma_start3A_817] : memref<400128x32xf32, #tpu.memory_space<hbm>> -> memref<400128x32xf32, #tpu.memory_space<hbm>>
        tpu.enqueue_indirect_dma source(%dma_start3A_818 : memref<400128x32xf32, #tpu.memory_space<hbm>>) target(%dma_start3A_812 : memref<128x32xf32, #tpu.memory_space<vmem>>) offsets(%dma_start3A_815 : memref<128xi32, #tpu.memory_space<vmem>>) semaphore(%arg9 : memref<!tpu.dma_semaphore, #tpu.memory_space<semaphore_mem>>)
        %mul3A_819 = arith.constant 5 : i32
        %mul3A_820 = arith.muli %add3A_792, %mul3A_819 : i32
        %add3A_821 = arith.constant 2 : i32
        %add3A_822 = arith.addi %mul3A_820, %add3A_821 : i32
        %dma_start3A_823 = arith.constant 256 : i32
        %dma_start3A_824 = arith.constant 0 : i32
        %dma_start3A_825 = tpu.memref_slice %arg7[%dma_start3A_823, %dma_start3A_824] : memref<640x32xf32, #tpu.memory_space<vmem>> -> memref<128x32xf32, #tpu.memory_space<vmem>>
        %dma_start3A_826 = arith.constant 0 : i32
        %dma_start3A_827 = tpu.memref_slice %arg6[%add3A_822, %dma_start3A_826] : memref<50x128xi32, #tpu.memory_space<vmem>> -> memref<1x128xi32, #tpu.memory_space<vmem>>
        %dma_start3A_828 = tpu.memref_squeeze %dma_start3A_827 : memref<1x128xi32, #tpu.memory_space<vmem>> -> memref<128xi32, #tpu.memory_space<vmem>>
        %dma_start3A_829 = arith.constant 0 : i32
        %dma_start3A_830 = arith.constant 0 : i32
        %dma_start3A_831 = tpu.memref_slice %arg3[%dma_start3A_829, %dma_start3A_830] : memref<400128x32xf32, #tpu.memory_space<hbm>> -> memref<400128x32xf32, #tpu.memory_space<hbm>>
        tpu.enqueue_indirect_dma source(%dma_start3A_831 : memref<400128x32xf32, #tpu.memory_space<hbm>>) target(%dma_start3A_825 : memref<128x32xf32, #tpu.memory_space<vmem>>) offsets(%dma_start3A_828 : memref<128xi32, #tpu.memory_space<vmem>>) semaphore(%arg9 : memref<!tpu.dma_semaphore, #tpu.memory_space<semaphore_mem>>)
        %mul3A_832 = arith.constant 5 : i32
        %mul3A_833 = arith.muli %add3A_792, %mul3A_832 : i32
        %add3A_834 = arith.constant 3 : i32
        %add3A_835 = arith.addi %mul3A_833, %add3A_834 : i32
        %dma_start3A_836 = arith.constant 384 : i32
        %dma_start3A_837 = arith.constant 0 : i32
        %dma_start3A_838 = tpu.memref_slice %arg7[%dma_start3A_836, %dma_start3A_837] : memref<640x32xf32, #tpu.memory_space<vmem>> -> memref<128x32xf32, #tpu.memory_space<vmem>>
        %dma_start3A_839 = arith.constant 0 : i32
        %dma_start3A_840 = tpu.memref_slice %arg6[%add3A_835, %dma_start3A_839] : memref<50x128xi32, #tpu.memory_space<vmem>> -> memref<1x128xi32, #tpu.memory_space<vmem>>
        %dma_start3A_841 = tpu.memref_squeeze %dma_start3A_840 : memref<1x128xi32, #tpu.memory_space<vmem>> -> memref<128xi32, #tpu.memory_space<vmem>>
        %dma_start3A_842 = arith.constant 0 : i32
        %dma_start3A_843 = arith.constant 0 : i32
        %dma_start3A_844 = tpu.memref_slice %arg3[%dma_start3A_842, %dma_start3A_843] : memref<400128x32xf32, #tpu.memory_space<hbm>> -> memref<400128x32xf32, #tpu.memory_space<hbm>>
        tpu.enqueue_indirect_dma source(%dma_start3A_844 : memref<400128x32xf32, #tpu.memory_space<hbm>>) target(%dma_start3A_838 : memref<128x32xf32, #tpu.memory_space<vmem>>) offsets(%dma_start3A_841 : memref<128xi32, #tpu.memory_space<vmem>>) semaphore(%arg9 : memref<!tpu.dma_semaphore, #tpu.memory_space<semaphore_mem>>)
        %mul3A_845 = arith.constant 5 : i32
        %mul3A_846 = arith.muli %add3A_792, %mul3A_845 : i32
        %add3A_847 = arith.constant 4 : i32
        %add3A_848 = arith.addi %mul3A_846, %add3A_847 : i32
        %dma_start3A_849 = arith.constant 512 : i32
        %dma_start3A_850 = arith.constant 0 : i32
        %dma_start3A_851 = tpu.memref_slice %arg7[%dma_start3A_849, %dma_start3A_850] : memref<640x32xf32, #tpu.memory_space<vmem>> -> memref<128x32xf32, #tpu.memory_space<vmem>>
        %dma_start3A_852 = arith.constant 0 : i32
        %dma_start3A_853 = tpu.memref_slice %arg6[%add3A_848, %dma_start3A_852] : memref<50x128xi32, #tpu.memory_space<vmem>> -> memref<1x128xi32, #tpu.memory_space<vmem>>
        %dma_start3A_854 = tpu.memref_squeeze %dma_start3A_853 : memref<1x128xi32, #tpu.memory_space<vmem>> -> memref<128xi32, #tpu.memory_space<vmem>>
        %dma_start3A_855 = arith.constant 0 : i32
        %dma_start3A_856 = arith.constant 0 : i32
        %dma_start3A_857 = tpu.memref_slice %arg3[%dma_start3A_855, %dma_start3A_856] : memref<400128x32xf32, #tpu.memory_space<hbm>> -> memref<400128x32xf32, #tpu.memory_space<hbm>>
        tpu.enqueue_indirect_dma source(%dma_start3A_857 : memref<400128x32xf32, #tpu.memory_space<hbm>>) target(%dma_start3A_851 : memref<128x32xf32, #tpu.memory_space<vmem>>) offsets(%dma_start3A_854 : memref<128xi32, #tpu.memory_space<vmem>>) semaphore(%arg9 : memref<!tpu.dma_semaphore, #tpu.memory_space<semaphore_mem>>)
      } else {
      }
      %add3A_721 = arith.constant 1 : i32
      %add3A_722 = arith.addi %mul3A_581, %add3A_721 : i32
      %mul3A_723 = arith.constant 5 : i32
      %mul3A_724 = arith.muli %add3A_722, %mul3A_723 : i32
      %add3A_725 = arith.constant 0 : i32
      %add3A_726 = arith.addi %mul3A_724, %add3A_725 : i32
      %dma_wait3A_727 = arith.constant 0 : i32
      %dma_wait3A_728 = arith.constant 0 : i32
      %dma_wait3A_729 = tpu.memref_slice %arg8[%dma_wait3A_727, %dma_wait3A_728] : memref<640x32xf32, #tpu.memory_space<vmem>> -> memref<128x32xf32, #tpu.memory_space<vmem>>
      %dma_wait3A_730 = arith.constant 0 : i32
      %dma_wait3A_731 = tpu.memref_slice %arg6[%add3A_726, %dma_wait3A_730] : memref<50x128xi32, #tpu.memory_space<vmem>> -> memref<1x128xi32, #tpu.memory_space<vmem>>
      %dma_wait3A_732 = tpu.memref_squeeze %dma_wait3A_731 : memref<1x128xi32, #tpu.memory_space<vmem>> -> memref<128xi32, #tpu.memory_space<vmem>>
      %dma_wait3A_733 = arith.constant 0 : i32
      %dma_wait3A_734 = arith.constant 0 : i32
      %dma_wait3A_735 = tpu.memref_slice %arg3[%dma_wait3A_733, %dma_wait3A_734] : memref<400128x32xf32, #tpu.memory_space<hbm>> -> memref<400128x32xf32, #tpu.memory_space<hbm>>
      tpu.wait_indirect_dma semaphore(%arg10 : memref<!tpu.dma_semaphore, #tpu.memory_space<semaphore_mem>>) src(%dma_wait3A_735 : memref<400128x32xf32, #tpu.memory_space<hbm>>) dst(%dma_wait3A_729 : memref<128x32xf32, #tpu.memory_space<vmem>>)
      %mul3A_736 = arith.constant 5 : i32
      %mul3A_737 = arith.muli %add3A_722, %mul3A_736 : i32
      %add3A_738 = arith.constant 1 : i32
      %add3A_739 = arith.addi %mul3A_737, %add3A_738 : i32
      %dma_wait3A_740 = arith.constant 128 : i32
      %dma_wait3A_741 = arith.constant 0 : i32
      %dma_wait3A_742 = tpu.memref_slice %arg8[%dma_wait3A_740, %dma_wait3A_741] : memref<640x32xf32, #tpu.memory_space<vmem>> -> memref<128x32xf32, #tpu.memory_space<vmem>>
      %dma_wait3A_743 = arith.constant 0 : i32
      %dma_wait3A_744 = tpu.memref_slice %arg6[%add3A_739, %dma_wait3A_743] : memref<50x128xi32, #tpu.memory_space<vmem>> -> memref<1x128xi32, #tpu.memory_space<vmem>>
      %dma_wait3A_745 = tpu.memref_squeeze %dma_wait3A_744 : memref<1x128xi32, #tpu.memory_space<vmem>> -> memref<128xi32, #tpu.memory_space<vmem>>
      %dma_wait3A_746 = arith.constant 0 : i32
      %dma_wait3A_747 = arith.constant 0 : i32
      %dma_wait3A_748 = tpu.memref_slice %arg3[%dma_wait3A_746, %dma_wait3A_747] : memref<400128x32xf32, #tpu.memory_space<hbm>> -> memref<400128x32xf32, #tpu.memory_space<hbm>>
      tpu.wait_indirect_dma semaphore(%arg10 : memref<!tpu.dma_semaphore, #tpu.memory_space<semaphore_mem>>) src(%dma_wait3A_748 : memref<400128x32xf32, #tpu.memory_space<hbm>>) dst(%dma_wait3A_742 : memref<128x32xf32, #tpu.memory_space<vmem>>)
      %mul3A_749 = arith.constant 5 : i32
      %mul3A_750 = arith.muli %add3A_722, %mul3A_749 : i32
      %add3A_751 = arith.constant 2 : i32
      %add3A_752 = arith.addi %mul3A_750, %add3A_751 : i32
      %dma_wait3A_753 = arith.constant 256 : i32
      %dma_wait3A_754 = arith.constant 0 : i32
      %dma_wait3A_755 = tpu.memref_slice %arg8[%dma_wait3A_753, %dma_wait3A_754] : memref<640x32xf32, #tpu.memory_space<vmem>> -> memref<128x32xf32, #tpu.memory_space<vmem>>
      %dma_wait3A_756 = arith.constant 0 : i32
      %dma_wait3A_757 = tpu.memref_slice %arg6[%add3A_752, %dma_wait3A_756] : memref<50x128xi32, #tpu.memory_space<vmem>> -> memref<1x128xi32, #tpu.memory_space<vmem>>
      %dma_wait3A_758 = tpu.memref_squeeze %dma_wait3A_757 : memref<1x128xi32, #tpu.memory_space<vmem>> -> memref<128xi32, #tpu.memory_space<vmem>>
      %dma_wait3A_759 = arith.constant 0 : i32
      %dma_wait3A_760 = arith.constant 0 : i32
      %dma_wait3A_761 = tpu.memref_slice %arg3[%dma_wait3A_759, %dma_wait3A_760] : memref<400128x32xf32, #tpu.memory_space<hbm>> -> memref<400128x32xf32, #tpu.memory_space<hbm>>
      tpu.wait_indirect_dma semaphore(%arg10 : memref<!tpu.dma_semaphore, #tpu.memory_space<semaphore_mem>>) src(%dma_wait3A_761 : memref<400128x32xf32, #tpu.memory_space<hbm>>) dst(%dma_wait3A_755 : memref<128x32xf32, #tpu.memory_space<vmem>>)
      %mul3A_762 = arith.constant 5 : i32
      %mul3A_763 = arith.muli %add3A_722, %mul3A_762 : i32
      %add3A_764 = arith.constant 3 : i32
      %add3A_765 = arith.addi %mul3A_763, %add3A_764 : i32
      %dma_wait3A_766 = arith.constant 384 : i32
      %dma_wait3A_767 = arith.constant 0 : i32
      %dma_wait3A_768 = tpu.memref_slice %arg8[%dma_wait3A_766, %dma_wait3A_767] : memref<640x32xf32, #tpu.memory_space<vmem>> -> memref<128x32xf32, #tpu.memory_space<vmem>>
      %dma_wait3A_769 = arith.constant 0 : i32
      %dma_wait3A_770 = tpu.memref_slice %arg6[%add3A_765, %dma_wait3A_769] : memref<50x128xi32, #tpu.memory_space<vmem>> -> memref<1x128xi32, #tpu.memory_space<vmem>>
      %dma_wait3A_771 = tpu.memref_squeeze %dma_wait3A_770 : memref<1x128xi32, #tpu.memory_space<vmem>> -> memref<128xi32, #tpu.memory_space<vmem>>
      %dma_wait3A_772 = arith.constant 0 : i32
      %dma_wait3A_773 = arith.constant 0 : i32
      %dma_wait3A_774 = tpu.memref_slice %arg3[%dma_wait3A_772, %dma_wait3A_773] : memref<400128x32xf32, #tpu.memory_space<hbm>> -> memref<400128x32xf32, #tpu.memory_space<hbm>>
      tpu.wait_indirect_dma semaphore(%arg10 : memref<!tpu.dma_semaphore, #tpu.memory_space<semaphore_mem>>) src(%dma_wait3A_774 : memref<400128x32xf32, #tpu.memory_space<hbm>>) dst(%dma_wait3A_768 : memref<128x32xf32, #tpu.memory_space<vmem>>)
      %mul3A_775 = arith.constant 5 : i32
      %mul3A_776 = arith.muli %add3A_722, %mul3A_775 : i32
      %add3A_777 = arith.constant 4 : i32
      %add3A_778 = arith.addi %mul3A_776, %add3A_777 : i32
      %dma_wait3A_779 = arith.constant 512 : i32
      %dma_wait3A_780 = arith.constant 0 : i32
      %dma_wait3A_781 = tpu.memref_slice %arg8[%dma_wait3A_779, %dma_wait3A_780] : memref<640x32xf32, #tpu.memory_space<vmem>> -> memref<128x32xf32, #tpu.memory_space<vmem>>
      %dma_wait3A_782 = arith.constant 0 : i32
      %dma_wait3A_783 = tpu.memref_slice %arg6[%add3A_778, %dma_wait3A_782] : memref<50x128xi32, #tpu.memory_space<vmem>> -> memref<1x128xi32, #tpu.memory_space<vmem>>
      %dma_wait3A_784 = tpu.memref_squeeze %dma_wait3A_783 : memref<1x128xi32, #tpu.memory_space<vmem>> -> memref<128xi32, #tpu.memory_space<vmem>>
      %dma_wait3A_785 = arith.constant 0 : i32
      %dma_wait3A_786 = arith.constant 0 : i32
      %dma_wait3A_787 = tpu.memref_slice %arg3[%dma_wait3A_785, %dma_wait3A_786] : memref<400128x32xf32, #tpu.memory_space<hbm>> -> memref<400128x32xf32, #tpu.memory_space<hbm>>
      tpu.wait_indirect_dma semaphore(%arg10 : memref<!tpu.dma_semaphore, #tpu.memory_space<semaphore_mem>>) src(%dma_wait3A_787 : memref<400128x32xf32, #tpu.memory_space<hbm>>) dst(%dma_wait3A_781 : memref<128x32xf32, #tpu.memory_space<vmem>>)
      %mul3A_788 = arith.constant 640 : i32
      %mul3A_789 = arith.muli %add3A_722, %mul3A_788 : i32
      %add3A_790 = arith.addi %mul3A_22, %mul3A_789 : i32
      "tpu.region"() ({
        %run_scoped3A = tpu.sem_alloc : memref<!tpu.dma_semaphore, #tpu.memory_space<semaphore_mem>>
        %dma_start3A_791 = arith.constant 0 : i32
        %dma_start3A_792 = tpu.memref_slice %arg4[%add3A_790, %dma_start3A_791] : memref<204800x32xf32, #tpu.memory_space<hbm>> -> memref<640x32xf32, #tpu.memory_space<hbm>>
        %dma_start3A_793 = arith.constant 0 : i32
        %dma_start3A_794 = tpu.memref_slice %arg4[%add3A_790, %dma_start3A_793] : memref<204800x32xf32, #tpu.memory_space<hbm>> -> memref<640x32xf32, #tpu.memory_space<hbm>>
        tpu.enqueue_dma source(%arg8 : memref<640x32xf32, #tpu.memory_space<vmem>>) target(%dma_start3A_794 : memref<640x32xf32, #tpu.memory_space<hbm>>) target_semaphore(%run_scoped3A : memref<!tpu.dma_semaphore, #tpu.memory_space<semaphore_mem>>)
        %dma_wait3A_795 = arith.constant 0 : i32
        %dma_wait3A_796 = tpu.memref_slice %arg4[%add3A_790, %dma_wait3A_795] : memref<204800x32xf32, #tpu.memory_space<hbm>> -> memref<640x32xf32, #tpu.memory_space<hbm>>
        %dma_wait3A_797 = arith.constant 0 : i32
        %dma_wait3A_798 = tpu.memref_slice %arg4[%add3A_790, %dma_wait3A_797] : memref<204800x32xf32, #tpu.memory_space<hbm>> -> memref<640x32xf32, #tpu.memory_space<hbm>>
        tpu.wait_dma2 semaphore(%run_scoped3A : memref<!tpu.dma_semaphore, #tpu.memory_space<semaphore_mem>>) src(%arg8 : memref<640x32xf32, #tpu.memory_space<vmem>>) dst(%dma_wait3A_798 : memref<640x32xf32, #tpu.memory_space<hbm>>)
        tpu.yield
      }) : () -> ()
    }
    %scan3A_578 = arith.constant 5 : i32
    return
  }
}

#map = affine_map<(d0, d1) -> (0, 0)>
module attributes {stable_mosaic.version = 14 : i64} {
  func.func @gather_kernel(%arg0: i32, %arg1: i32, %arg2: memref<4096x128xi32, #tpu.memory_space<hbm>>, %arg3: memref<400128x32xf32, #tpu.memory_space<hbm>>, %arg4: memref<204800x32xf32, #tpu.memory_space<hbm>>, %arg5: memref<128x128xi32, #tpu.memory_space<vmem>>, %arg6: memref<50x128xi32, #tpu.memory_space<vmem>>, %arg7: memref<640x32xf32, #tpu.memory_space<vmem>>, %arg8: memref<640x32xf32, #tpu.memory_space<vmem>>, %arg9: memref<!tpu.dma_semaphore, #tpu.memory_space<semaphore_mem>>, %arg10: memref<!tpu.dma_semaphore, #tpu.memory_space<semaphore_mem>>) attributes {dimension_semantics = [#tpu.dimension_semantics<core_parallel>, #tpu.dimension_semantics<subcore_parallel>], iteration_bounds = array<i64: 2, 16>, scalar_prefetch = 0 : i64, scratch_operands = 6 : i64, tpu.core_type = #tpu.core_type<sc_vector_subcore>, window_params = [{transform_indices = #map}, {transform_indices = #map}, {transform_indices = #map}]} {
    %mul3A = arith.constant 2 : i32
    %mul3A_0 = arith.muli %arg1, %mul3A : i32
    %add3A = arith.addi %mul3A_0, %arg0 : i32
    %jit3A = arith.constant 2 : i32
    %div3A = arith.divsi %add3A, %jit3A : i32
    %sign3A = arith.constant 0 : i32
    %sign3A_1 = arith.cmpi sgt, %add3A, %sign3A : i32
    %sign3A_2 = arith.extui %sign3A_1 : i1 to i32
    %sign3A_3 = arith.constant 0 : i32
    %sign3A_4 = arith.cmpi slt, %add3A, %sign3A_3 : i32
    %sign3A_5 = arith.extui %sign3A_4 : i1 to i32
    %sign3A_6 = arith.subi %sign3A_2, %sign3A_5 : i32
    %sign3A_7 = arith.constant 0 : i32
    %sign3A_8 = arith.cmpi sgt, %jit3A, %sign3A_7 : i32
    %sign3A_9 = arith.extui %sign3A_8 : i1 to i32
    %sign3A_10 = arith.constant 0 : i32
    %sign3A_11 = arith.cmpi slt, %jit3A, %sign3A_10 : i32
    %sign3A_12 = arith.extui %sign3A_11 : i1 to i32
    %sign3A_13 = arith.subi %sign3A_9, %sign3A_12 : i32
    %ne3A = arith.cmpi ne, %sign3A_6, %sign3A_13 : i32
    %rem3A = arith.remsi %add3A, %jit3A : i32
    %ne3A_14 = arith.constant 0 : i32
    %ne3A_15 = arith.cmpi ne, %rem3A, %ne3A_14 : i32
    %and3A = arith.andi %ne3A, %ne3A_15 : i1
    %sub3A = arith.constant 1 : i32
    %sub3A_16 = arith.subi %div3A, %sub3A : i32
    %select_n3A = arith.select %and3A, %sub3A_16, %div3A : i32
    %mul3A_17 = arith.constant 128 : i32
    %mul3A_18 = arith.muli %mul3A_17, %select_n3A : i32
    %add3A_19 = arith.constant 2048 : i32
    %add3A_20 = arith.addi %add3A_19, %mul3A_18 : i32
    "tpu.region"() ({
      %run_scoped3A = tpu.sem_alloc : memref<!tpu.dma_semaphore, #tpu.memory_space<semaphore_mem>>
      %dma_start3A_579 = arith.constant 0 : i32
      %dma_start3A_580 = tpu.memref_slice %arg2[%add3A_20, %dma_start3A_579] : memref<4096x128xi32, #tpu.memory_space<hbm>> -> memref<128x128xi32, #tpu.memory_space<hbm>>
      %dma_start3A_581 = arith.constant 0 : i32
      %dma_start3A_582 = tpu.memref_slice %arg2[%add3A_20, %dma_start3A_581] : memref<4096x128xi32, #tpu.memory_space<hbm>> -> memref<128x128xi32, #tpu.memory_space<hbm>>
      tpu.enqueue_dma source(%dma_start3A_582 : memref<128x128xi32, #tpu.memory_space<hbm>>) target(%arg5 : memref<128x128xi32, #tpu.memory_space<vmem>>) target_semaphore(%run_scoped3A : memref<!tpu.dma_semaphore, #tpu.memory_space<semaphore_mem>>)
      %dma_wait3A = arith.constant 0 : i32
      %dma_wait3A_583 = tpu.memref_slice %arg2[%add3A_20, %dma_wait3A] : memref<4096x128xi32, #tpu.memory_space<hbm>> -> memref<128x128xi32, #tpu.memory_space<hbm>>
      %dma_wait3A_584 = arith.constant 0 : i32
      %dma_wait3A_585 = tpu.memref_slice %arg2[%add3A_20, %dma_wait3A_584] : memref<4096x128xi32, #tpu.memory_space<hbm>> -> memref<128x128xi32, #tpu.memory_space<hbm>>
      tpu.wait_dma2 semaphore(%run_scoped3A : memref<!tpu.dma_semaphore, #tpu.memory_space<semaphore_mem>>) src(%dma_wait3A_585 : memref<128x128xi32, #tpu.memory_space<hbm>>) dst(%arg5 : memref<128x128xi32, #tpu.memory_space<vmem>>)
      tpu.yield
    }) : () -> ()
    %mul3A_21 = arith.constant 6400 : i32
    %mul3A_22 = arith.muli %mul3A_21, %add3A : i32
    %jit3A_23 = arith.constant 2 : i32
    %eq3A = arith.constant 0 : i32
    %eq3A_24 = arith.cmpi eq, %jit3A_23, %eq3A : i32
    %jit3A_25 = arith.constant 1 : i32
    %select_n3A_26 = arith.select %eq3A_24, %jit3A_25, %jit3A_23 : i32
    %rem3A_27 = arith.remsi %add3A, %select_n3A_26 : i32
    %ne3A_28 = arith.constant 0 : i32
    %ne3A_29 = arith.cmpi ne, %rem3A_27, %ne3A_28 : i32
    %lt3A = arith.constant 0 : i32
    %lt3A_30 = arith.cmpi slt, %rem3A_27, %lt3A : i32
    %lt3A_31 = arith.constant 0 : i32
    %lt3A_32 = arith.cmpi slt, %select_n3A_26, %lt3A_31 : i32
    %ne3A_33 = arith.xori %lt3A_30, %lt3A_32 : i1
    %and3A_34 = arith.andi %ne3A_33, %ne3A_29 : i1
    %add3A_35 = arith.addi %rem3A_27, %select_n3A_26 : i32
    %select_n3A_36 = arith.select %and3A_34, %add3A_35, %rem3A_27 : i32
    %mul3A_37 = arith.constant 50 : i32
    %mul3A_38 = arith.muli %select_n3A_36, %mul3A_37 : i32
    %iota3A = tpu.iota {dimensions = array<i32: 0>} : vector<16xi32>
    %add3A_39 = arith.constant 0 : i32
    %add3A_40 = vector.broadcast %add3A_39 : i32 to vector<16xi32>
    %add3A_41 = arith.addi %add3A_40, %iota3A : vector<16xi32>
    %jit3A_42 = arith.constant 4 : i32
    %eq3A_43 = arith.constant 0 : i32
    %eq3A_44 = arith.cmpi eq, %jit3A_42, %eq3A_43 : i32
    %jit3A_45 = arith.constant 1 : i32
    %select_n3A_46 = arith.select %eq3A_44, %jit3A_45, %jit3A_42 : i32
    %rem3A_47 = vector.broadcast %select_n3A_46 : i32 to vector<16xi32>
    %rem3A_48 = arith.remsi %add3A_41, %rem3A_47 : vector<16xi32>
    %ne3A_49 = arith.constant 0 : i32
    %ne3A_50 = vector.broadcast %ne3A_49 : i32 to vector<16xi32>
    %ne3A_51 = arith.cmpi ne, %rem3A_48, %ne3A_50 : vector<16xi32>
    %lt3A_52 = arith.constant 0 : i32
    %lt3A_53 = vector.broadcast %lt3A_52 : i32 to vector<16xi32>
    %lt3A_54 = arith.cmpi slt, %rem3A_48, %lt3A_53 : vector<16xi32>
    %lt3A_55 = arith.constant 0 : i32
    %lt3A_56 = arith.cmpi slt, %select_n3A_46, %lt3A_55 : i32
    %ne3A_57 = vector.broadcast %lt3A_56 : i1 to vector<16xi1>
    %ne3A_58 = vector.broadcast %ne3A_57 : vector<16xi1> to vector<16xi1>
    %ne3A_59 = arith.xori %lt3A_54, %ne3A_58 : vector<16xi1>
    %and3A_60 = arith.andi %ne3A_59, %ne3A_51 : vector<16xi1>
    %add3A_61 = vector.broadcast %select_n3A_46 : i32 to vector<16xi32>
    %add3A_62 = arith.addi %rem3A_48, %add3A_61 : vector<16xi32>
    %select_n3A_63 = arith.select %and3A_60, %add3A_62, %rem3A_48 : vector<16xi1>, vector<16xi32>
    %mul3A_64 = arith.constant 32 : i32
    %mul3A_65 = vector.broadcast %mul3A_64 : i32 to vector<16xi32>
    %mul3A_66 = arith.muli %mul3A_65, %select_n3A_63 : vector<16xi32>
    %jit3A_67 = arith.constant 4 : i32
    %div3A_68 = vector.broadcast %jit3A_67 : i32 to vector<16xi32>
    %div3A_69 = arith.divsi %add3A_41, %div3A_68 : vector<16xi32>
    %sign3A_70 = arith.constant 0 : i32
    %sign3A_71 = vector.broadcast %sign3A_70 : i32 to vector<16xi32>
    %sign3A_72 = arith.cmpi sgt, %add3A_41, %sign3A_71 : vector<16xi32>
    %sign3A_73 = arith.extui %sign3A_72 : vector<16xi1> to vector<16xi32>
    %sign3A_74 = arith.constant 0 : i32
    %sign3A_75 = vector.broadcast %sign3A_74 : i32 to vector<16xi32>
    %sign3A_76 = arith.cmpi slt, %add3A_41, %sign3A_75 : vector<16xi32>
    %sign3A_77 = arith.extui %sign3A_76 : vector<16xi1> to vector<16xi32>
    %sign3A_78 = arith.subi %sign3A_73, %sign3A_77 : vector<16xi32>
    %sign3A_79 = arith.constant 0 : i32
    %sign3A_80 = arith.cmpi sgt, %jit3A_67, %sign3A_79 : i32
    %sign3A_81 = arith.extui %sign3A_80 : i1 to i32
    %sign3A_82 = arith.constant 0 : i32
    %sign3A_83 = arith.cmpi slt, %jit3A_67, %sign3A_82 : i32
    %sign3A_84 = arith.extui %sign3A_83 : i1 to i32
    %sign3A_85 = arith.subi %sign3A_81, %sign3A_84 : i32
    %ne3A_86 = vector.broadcast %sign3A_85 : i32 to vector<16xi32>
    %ne3A_87 = arith.cmpi ne, %sign3A_78, %ne3A_86 : vector<16xi32>
    %rem3A_88 = vector.broadcast %jit3A_67 : i32 to vector<16xi32>
    %rem3A_89 = arith.remsi %add3A_41, %rem3A_88 : vector<16xi32>
    %ne3A_90 = arith.constant 0 : i32
    %ne3A_91 = vector.broadcast %ne3A_90 : i32 to vector<16xi32>
    %ne3A_92 = arith.cmpi ne, %rem3A_89, %ne3A_91 : vector<16xi32>
    %and3A_93 = arith.andi %ne3A_87, %ne3A_92 : vector<16xi1>
    %sub3A_94 = arith.constant 1 : i32
    %sub3A_95 = vector.broadcast %sub3A_94 : i32 to vector<16xi32>
    %sub3A_96 = arith.subi %div3A_69, %sub3A_95 : vector<16xi32>
    %select_n3A_97 = arith.select %and3A_93, %sub3A_96, %div3A_69 : vector<16xi1>, vector<16xi32>
    %add3A_98 = arith.addi %mul3A_66, %select_n3A_97 : vector<16xi32>
    %add3A_99 = arith.constant 16 : i32
    %add3A_100 = vector.broadcast %add3A_99 : i32 to vector<16xi32>
    %add3A_101 = arith.addi %add3A_100, %iota3A : vector<16xi32>
    %jit3A_102 = arith.constant 4 : i32
    %eq3A_103 = arith.constant 0 : i32
    %eq3A_104 = arith.cmpi eq, %jit3A_102, %eq3A_103 : i32
    %jit3A_105 = arith.constant 1 : i32
    %select_n3A_106 = arith.select %eq3A_104, %jit3A_105, %jit3A_102 : i32
    %rem3A_107 = vector.broadcast %select_n3A_106 : i32 to vector<16xi32>
    %rem3A_108 = arith.remsi %add3A_101, %rem3A_107 : vector<16xi32>
    %ne3A_109 = arith.constant 0 : i32
    %ne3A_110 = vector.broadcast %ne3A_109 : i32 to vector<16xi32>
    %ne3A_111 = arith.cmpi ne, %rem3A_108, %ne3A_110 : vector<16xi32>
    %lt3A_112 = arith.constant 0 : i32
    %lt3A_113 = vector.broadcast %lt3A_112 : i32 to vector<16xi32>
    %lt3A_114 = arith.cmpi slt, %rem3A_108, %lt3A_113 : vector<16xi32>
    %lt3A_115 = arith.constant 0 : i32
    %lt3A_116 = arith.cmpi slt, %select_n3A_106, %lt3A_115 : i32
    %ne3A_117 = vector.broadcast %lt3A_116 : i1 to vector<16xi1>
    %ne3A_118 = vector.broadcast %ne3A_117 : vector<16xi1> to vector<16xi1>
    %ne3A_119 = arith.xori %lt3A_114, %ne3A_118 : vector<16xi1>
    %and3A_120 = arith.andi %ne3A_119, %ne3A_111 : vector<16xi1>
    %add3A_121 = vector.broadcast %select_n3A_106 : i32 to vector<16xi32>
    %add3A_122 = arith.addi %rem3A_108, %add3A_121 : vector<16xi32>
    %select_n3A_123 = arith.select %and3A_120, %add3A_122, %rem3A_108 : vector<16xi1>, vector<16xi32>
    %mul3A_124 = arith.constant 32 : i32
    %mul3A_125 = vector.broadcast %mul3A_124 : i32 to vector<16xi32>
    %mul3A_126 = arith.muli %mul3A_125, %select_n3A_123 : vector<16xi32>
    %jit3A_127 = arith.constant 4 : i32
    %div3A_128 = vector.broadcast %jit3A_127 : i32 to vector<16xi32>
    %div3A_129 = arith.divsi %add3A_101, %div3A_128 : vector<16xi32>
    %sign3A_130 = arith.constant 0 : i32
    %sign3A_131 = vector.broadcast %sign3A_130 : i32 to vector<16xi32>
    %sign3A_132 = arith.cmpi sgt, %add3A_101, %sign3A_131 : vector<16xi32>
    %sign3A_133 = arith.extui %sign3A_132 : vector<16xi1> to vector<16xi32>
    %sign3A_134 = arith.constant 0 : i32
    %sign3A_135 = vector.broadcast %sign3A_134 : i32 to vector<16xi32>
    %sign3A_136 = arith.cmpi slt, %add3A_101, %sign3A_135 : vector<16xi32>
    %sign3A_137 = arith.extui %sign3A_136 : vector<16xi1> to vector<16xi32>
    %sign3A_138 = arith.subi %sign3A_133, %sign3A_137 : vector<16xi32>
    %sign3A_139 = arith.constant 0 : i32
    %sign3A_140 = arith.cmpi sgt, %jit3A_127, %sign3A_139 : i32
    %sign3A_141 = arith.extui %sign3A_140 : i1 to i32
    %sign3A_142 = arith.constant 0 : i32
    %sign3A_143 = arith.cmpi slt, %jit3A_127, %sign3A_142 : i32
    %sign3A_144 = arith.extui %sign3A_143 : i1 to i32
    %sign3A_145 = arith.subi %sign3A_141, %sign3A_144 : i32
    %ne3A_146 = vector.broadcast %sign3A_145 : i32 to vector<16xi32>
    %ne3A_147 = arith.cmpi ne, %sign3A_138, %ne3A_146 : vector<16xi32>
    %rem3A_148 = vector.broadcast %jit3A_127 : i32 to vector<16xi32>
    %rem3A_149 = arith.remsi %add3A_101, %rem3A_148 : vector<16xi32>
    %ne3A_150 = arith.constant 0 : i32
    %ne3A_151 = vector.broadcast %ne3A_150 : i32 to vector<16xi32>
    %ne3A_152 = arith.cmpi ne, %rem3A_149, %ne3A_151 : vector<16xi32>
    %and3A_153 = arith.andi %ne3A_147, %ne3A_152 : vector<16xi1>
    %sub3A_154 = arith.constant 1 : i32
    %sub3A_155 = vector.broadcast %sub3A_154 : i32 to vector<16xi32>
    %sub3A_156 = arith.subi %div3A_129, %sub3A_155 : vector<16xi32>
    %select_n3A_157 = arith.select %and3A_153, %sub3A_156, %div3A_129 : vector<16xi1>, vector<16xi32>
    %add3A_158 = arith.addi %mul3A_126, %select_n3A_157 : vector<16xi32>
    %add3A_159 = arith.constant 32 : i32
    %add3A_160 = vector.broadcast %add3A_159 : i32 to vector<16xi32>
    %add3A_161 = arith.addi %add3A_160, %iota3A : vector<16xi32>
    %jit3A_162 = arith.constant 4 : i32
    %eq3A_163 = arith.constant 0 : i32
    %eq3A_164 = arith.cmpi eq, %jit3A_162, %eq3A_163 : i32
    %jit3A_165 = arith.constant 1 : i32
    %select_n3A_166 = arith.select %eq3A_164, %jit3A_165, %jit3A_162 : i32
    %rem3A_167 = vector.broadcast %select_n3A_166 : i32 to vector<16xi32>
    %rem3A_168 = arith.remsi %add3A_161, %rem3A_167 : vector<16xi32>
    %ne3A_169 = arith.constant 0 : i32
    %ne3A_170 = vector.broadcast %ne3A_169 : i32 to vector<16xi32>
    %ne3A_171 = arith.cmpi ne, %rem3A_168, %ne3A_170 : vector<16xi32>
    %lt3A_172 = arith.constant 0 : i32
    %lt3A_173 = vector.broadcast %lt3A_172 : i32 to vector<16xi32>
    %lt3A_174 = arith.cmpi slt, %rem3A_168, %lt3A_173 : vector<16xi32>
    %lt3A_175 = arith.constant 0 : i32
    %lt3A_176 = arith.cmpi slt, %select_n3A_166, %lt3A_175 : i32
    %ne3A_177 = vector.broadcast %lt3A_176 : i1 to vector<16xi1>
    %ne3A_178 = vector.broadcast %ne3A_177 : vector<16xi1> to vector<16xi1>
    %ne3A_179 = arith.xori %lt3A_174, %ne3A_178 : vector<16xi1>
    %and3A_180 = arith.andi %ne3A_179, %ne3A_171 : vector<16xi1>
    %add3A_181 = vector.broadcast %select_n3A_166 : i32 to vector<16xi32>
    %add3A_182 = arith.addi %rem3A_168, %add3A_181 : vector<16xi32>
    %select_n3A_183 = arith.select %and3A_180, %add3A_182, %rem3A_168 : vector<16xi1>, vector<16xi32>
    %mul3A_184 = arith.constant 32 : i32
    %mul3A_185 = vector.broadcast %mul3A_184 : i32 to vector<16xi32>
    %mul3A_186 = arith.muli %mul3A_185, %select_n3A_183 : vector<16xi32>
    %jit3A_187 = arith.constant 4 : i32
    %div3A_188 = vector.broadcast %jit3A_187 : i32 to vector<16xi32>
    %div3A_189 = arith.divsi %add3A_161, %div3A_188 : vector<16xi32>
    %sign3A_190 = arith.constant 0 : i32
    %sign3A_191 = vector.broadcast %sign3A_190 : i32 to vector<16xi32>
    %sign3A_192 = arith.cmpi sgt, %add3A_161, %sign3A_191 : vector<16xi32>
    %sign3A_193 = arith.extui %sign3A_192 : vector<16xi1> to vector<16xi32>
    %sign3A_194 = arith.constant 0 : i32
    %sign3A_195 = vector.broadcast %sign3A_194 : i32 to vector<16xi32>
    %sign3A_196 = arith.cmpi slt, %add3A_161, %sign3A_195 : vector<16xi32>
    %sign3A_197 = arith.extui %sign3A_196 : vector<16xi1> to vector<16xi32>
    %sign3A_198 = arith.subi %sign3A_193, %sign3A_197 : vector<16xi32>
    %sign3A_199 = arith.constant 0 : i32
    %sign3A_200 = arith.cmpi sgt, %jit3A_187, %sign3A_199 : i32
    %sign3A_201 = arith.extui %sign3A_200 : i1 to i32
    %sign3A_202 = arith.constant 0 : i32
    %sign3A_203 = arith.cmpi slt, %jit3A_187, %sign3A_202 : i32
    %sign3A_204 = arith.extui %sign3A_203 : i1 to i32
    %sign3A_205 = arith.subi %sign3A_201, %sign3A_204 : i32
    %ne3A_206 = vector.broadcast %sign3A_205 : i32 to vector<16xi32>
    %ne3A_207 = arith.cmpi ne, %sign3A_198, %ne3A_206 : vector<16xi32>
    %rem3A_208 = vector.broadcast %jit3A_187 : i32 to vector<16xi32>
    %rem3A_209 = arith.remsi %add3A_161, %rem3A_208 : vector<16xi32>
    %ne3A_210 = arith.constant 0 : i32
    %ne3A_211 = vector.broadcast %ne3A_210 : i32 to vector<16xi32>
    %ne3A_212 = arith.cmpi ne, %rem3A_209, %ne3A_211 : vector<16xi32>
    %and3A_213 = arith.andi %ne3A_207, %ne3A_212 : vector<16xi1>
    %sub3A_214 = arith.constant 1 : i32
    %sub3A_215 = vector.broadcast %sub3A_214 : i32 to vector<16xi32>
    %sub3A_216 = arith.subi %div3A_189, %sub3A_215 : vector<16xi32>
    %select_n3A_217 = arith.select %and3A_213, %sub3A_216, %div3A_189 : vector<16xi1>, vector<16xi32>
    %add3A_218 = arith.addi %mul3A_186, %select_n3A_217 : vector<16xi32>
    %add3A_219 = arith.constant 48 : i32
    %add3A_220 = vector.broadcast %add3A_219 : i32 to vector<16xi32>
    %add3A_221 = arith.addi %add3A_220, %iota3A : vector<16xi32>
    %jit3A_222 = arith.constant 4 : i32
    %eq3A_223 = arith.constant 0 : i32
    %eq3A_224 = arith.cmpi eq, %jit3A_222, %eq3A_223 : i32
    %jit3A_225 = arith.constant 1 : i32
    %select_n3A_226 = arith.select %eq3A_224, %jit3A_225, %jit3A_222 : i32
    %rem3A_227 = vector.broadcast %select_n3A_226 : i32 to vector<16xi32>
    %rem3A_228 = arith.remsi %add3A_221, %rem3A_227 : vector<16xi32>
    %ne3A_229 = arith.constant 0 : i32
    %ne3A_230 = vector.broadcast %ne3A_229 : i32 to vector<16xi32>
    %ne3A_231 = arith.cmpi ne, %rem3A_228, %ne3A_230 : vector<16xi32>
    %lt3A_232 = arith.constant 0 : i32
    %lt3A_233 = vector.broadcast %lt3A_232 : i32 to vector<16xi32>
    %lt3A_234 = arith.cmpi slt, %rem3A_228, %lt3A_233 : vector<16xi32>
    %lt3A_235 = arith.constant 0 : i32
    %lt3A_236 = arith.cmpi slt, %select_n3A_226, %lt3A_235 : i32
    %ne3A_237 = vector.broadcast %lt3A_236 : i1 to vector<16xi1>
    %ne3A_238 = vector.broadcast %ne3A_237 : vector<16xi1> to vector<16xi1>
    %ne3A_239 = arith.xori %lt3A_234, %ne3A_238 : vector<16xi1>
    %and3A_240 = arith.andi %ne3A_239, %ne3A_231 : vector<16xi1>
    %add3A_241 = vector.broadcast %select_n3A_226 : i32 to vector<16xi32>
    %add3A_242 = arith.addi %rem3A_228, %add3A_241 : vector<16xi32>
    %select_n3A_243 = arith.select %and3A_240, %add3A_242, %rem3A_228 : vector<16xi1>, vector<16xi32>
    %mul3A_244 = arith.constant 32 : i32
    %mul3A_245 = vector.broadcast %mul3A_244 : i32 to vector<16xi32>
    %mul3A_246 = arith.muli %mul3A_245, %select_n3A_243 : vector<16xi32>
    %jit3A_247 = arith.constant 4 : i32
    %div3A_248 = vector.broadcast %jit3A_247 : i32 to vector<16xi32>
    %div3A_249 = arith.divsi %add3A_221, %div3A_248 : vector<16xi32>
    %sign3A_250 = arith.constant 0 : i32
    %sign3A_251 = vector.broadcast %sign3A_250 : i32 to vector<16xi32>
    %sign3A_252 = arith.cmpi sgt, %add3A_221, %sign3A_251 : vector<16xi32>
    %sign3A_253 = arith.extui %sign3A_252 : vector<16xi1> to vector<16xi32>
    %sign3A_254 = arith.constant 0 : i32
    %sign3A_255 = vector.broadcast %sign3A_254 : i32 to vector<16xi32>
    %sign3A_256 = arith.cmpi slt, %add3A_221, %sign3A_255 : vector<16xi32>
    %sign3A_257 = arith.extui %sign3A_256 : vector<16xi1> to vector<16xi32>
    %sign3A_258 = arith.subi %sign3A_253, %sign3A_257 : vector<16xi32>
    %sign3A_259 = arith.constant 0 : i32
    %sign3A_260 = arith.cmpi sgt, %jit3A_247, %sign3A_259 : i32
    %sign3A_261 = arith.extui %sign3A_260 : i1 to i32
    %sign3A_262 = arith.constant 0 : i32
    %sign3A_263 = arith.cmpi slt, %jit3A_247, %sign3A_262 : i32
    %sign3A_264 = arith.extui %sign3A_263 : i1 to i32
    %sign3A_265 = arith.subi %sign3A_261, %sign3A_264 : i32
    %ne3A_266 = vector.broadcast %sign3A_265 : i32 to vector<16xi32>
    %ne3A_267 = arith.cmpi ne, %sign3A_258, %ne3A_266 : vector<16xi32>
    %rem3A_268 = vector.broadcast %jit3A_247 : i32 to vector<16xi32>
    %rem3A_269 = arith.remsi %add3A_221, %rem3A_268 : vector<16xi32>
    %ne3A_270 = arith.constant 0 : i32
    %ne3A_271 = vector.broadcast %ne3A_270 : i32 to vector<16xi32>
    %ne3A_272 = arith.cmpi ne, %rem3A_269, %ne3A_271 : vector<16xi32>
    %and3A_273 = arith.andi %ne3A_267, %ne3A_272 : vector<16xi1>
    %sub3A_274 = arith.constant 1 : i32
    %sub3A_275 = vector.broadcast %sub3A_274 : i32 to vector<16xi32>
    %sub3A_276 = arith.subi %div3A_249, %sub3A_275 : vector<16xi32>
    %select_n3A_277 = arith.select %and3A_273, %sub3A_276, %div3A_249 : vector<16xi1>, vector<16xi32>
    %add3A_278 = arith.addi %mul3A_246, %select_n3A_277 : vector<16xi32>
    %add3A_279 = arith.constant 64 : i32
    %add3A_280 = vector.broadcast %add3A_279 : i32 to vector<16xi32>
    %add3A_281 = arith.addi %add3A_280, %iota3A : vector<16xi32>
    %jit3A_282 = arith.constant 4 : i32
    %eq3A_283 = arith.constant 0 : i32
    %eq3A_284 = arith.cmpi eq, %jit3A_282, %eq3A_283 : i32
    %jit3A_285 = arith.constant 1 : i32
    %select_n3A_286 = arith.select %eq3A_284, %jit3A_285, %jit3A_282 : i32
    %rem3A_287 = vector.broadcast %select_n3A_286 : i32 to vector<16xi32>
    %rem3A_288 = arith.remsi %add3A_281, %rem3A_287 : vector<16xi32>
    %ne3A_289 = arith.constant 0 : i32
    %ne3A_290 = vector.broadcast %ne3A_289 : i32 to vector<16xi32>
    %ne3A_291 = arith.cmpi ne, %rem3A_288, %ne3A_290 : vector<16xi32>
    %lt3A_292 = arith.constant 0 : i32
    %lt3A_293 = vector.broadcast %lt3A_292 : i32 to vector<16xi32>
    %lt3A_294 = arith.cmpi slt, %rem3A_288, %lt3A_293 : vector<16xi32>
    %lt3A_295 = arith.constant 0 : i32
    %lt3A_296 = arith.cmpi slt, %select_n3A_286, %lt3A_295 : i32
    %ne3A_297 = vector.broadcast %lt3A_296 : i1 to vector<16xi1>
    %ne3A_298 = vector.broadcast %ne3A_297 : vector<16xi1> to vector<16xi1>
    %ne3A_299 = arith.xori %lt3A_294, %ne3A_298 : vector<16xi1>
    %and3A_300 = arith.andi %ne3A_299, %ne3A_291 : vector<16xi1>
    %add3A_301 = vector.broadcast %select_n3A_286 : i32 to vector<16xi32>
    %add3A_302 = arith.addi %rem3A_288, %add3A_301 : vector<16xi32>
    %select_n3A_303 = arith.select %and3A_300, %add3A_302, %rem3A_288 : vector<16xi1>, vector<16xi32>
    %mul3A_304 = arith.constant 32 : i32
    %mul3A_305 = vector.broadcast %mul3A_304 : i32 to vector<16xi32>
    %mul3A_306 = arith.muli %mul3A_305, %select_n3A_303 : vector<16xi32>
    %jit3A_307 = arith.constant 4 : i32
    %div3A_308 = vector.broadcast %jit3A_307 : i32 to vector<16xi32>
    %div3A_309 = arith.divsi %add3A_281, %div3A_308 : vector<16xi32>
    %sign3A_310 = arith.constant 0 : i32
    %sign3A_311 = vector.broadcast %sign3A_310 : i32 to vector<16xi32>
    %sign3A_312 = arith.cmpi sgt, %add3A_281, %sign3A_311 : vector<16xi32>
    %sign3A_313 = arith.extui %sign3A_312 : vector<16xi1> to vector<16xi32>
    %sign3A_314 = arith.constant 0 : i32
    %sign3A_315 = vector.broadcast %sign3A_314 : i32 to vector<16xi32>
    %sign3A_316 = arith.cmpi slt, %add3A_281, %sign3A_315 : vector<16xi32>
    %sign3A_317 = arith.extui %sign3A_316 : vector<16xi1> to vector<16xi32>
    %sign3A_318 = arith.subi %sign3A_313, %sign3A_317 : vector<16xi32>
    %sign3A_319 = arith.constant 0 : i32
    %sign3A_320 = arith.cmpi sgt, %jit3A_307, %sign3A_319 : i32
    %sign3A_321 = arith.extui %sign3A_320 : i1 to i32
    %sign3A_322 = arith.constant 0 : i32
    %sign3A_323 = arith.cmpi slt, %jit3A_307, %sign3A_322 : i32
    %sign3A_324 = arith.extui %sign3A_323 : i1 to i32
    %sign3A_325 = arith.subi %sign3A_321, %sign3A_324 : i32
    %ne3A_326 = vector.broadcast %sign3A_325 : i32 to vector<16xi32>
    %ne3A_327 = arith.cmpi ne, %sign3A_318, %ne3A_326 : vector<16xi32>
    %rem3A_328 = vector.broadcast %jit3A_307 : i32 to vector<16xi32>
    %rem3A_329 = arith.remsi %add3A_281, %rem3A_328 : vector<16xi32>
    %ne3A_330 = arith.constant 0 : i32
    %ne3A_331 = vector.broadcast %ne3A_330 : i32 to vector<16xi32>
    %ne3A_332 = arith.cmpi ne, %rem3A_329, %ne3A_331 : vector<16xi32>
    %and3A_333 = arith.andi %ne3A_327, %ne3A_332 : vector<16xi1>
    %sub3A_334 = arith.constant 1 : i32
    %sub3A_335 = vector.broadcast %sub3A_334 : i32 to vector<16xi32>
    %sub3A_336 = arith.subi %div3A_309, %sub3A_335 : vector<16xi32>
    %select_n3A_337 = arith.select %and3A_333, %sub3A_336, %div3A_309 : vector<16xi1>, vector<16xi32>
    %add3A_338 = arith.addi %mul3A_306, %select_n3A_337 : vector<16xi32>
    %add3A_339 = arith.constant 80 : i32
    %add3A_340 = vector.broadcast %add3A_339 : i32 to vector<16xi32>
    %add3A_341 = arith.addi %add3A_340, %iota3A : vector<16xi32>
    %jit3A_342 = arith.constant 4 : i32
    %eq3A_343 = arith.constant 0 : i32
    %eq3A_344 = arith.cmpi eq, %jit3A_342, %eq3A_343 : i32
    %jit3A_345 = arith.constant 1 : i32
    %select_n3A_346 = arith.select %eq3A_344, %jit3A_345, %jit3A_342 : i32
    %rem3A_347 = vector.broadcast %select_n3A_346 : i32 to vector<16xi32>
    %rem3A_348 = arith.remsi %add3A_341, %rem3A_347 : vector<16xi32>
    %ne3A_349 = arith.constant 0 : i32
    %ne3A_350 = vector.broadcast %ne3A_349 : i32 to vector<16xi32>
    %ne3A_351 = arith.cmpi ne, %rem3A_348, %ne3A_350 : vector<16xi32>
    %lt3A_352 = arith.constant 0 : i32
    %lt3A_353 = vector.broadcast %lt3A_352 : i32 to vector<16xi32>
    %lt3A_354 = arith.cmpi slt, %rem3A_348, %lt3A_353 : vector<16xi32>
    %lt3A_355 = arith.constant 0 : i32
    %lt3A_356 = arith.cmpi slt, %select_n3A_346, %lt3A_355 : i32
    %ne3A_357 = vector.broadcast %lt3A_356 : i1 to vector<16xi1>
    %ne3A_358 = vector.broadcast %ne3A_357 : vector<16xi1> to vector<16xi1>
    %ne3A_359 = arith.xori %lt3A_354, %ne3A_358 : vector<16xi1>
    %and3A_360 = arith.andi %ne3A_359, %ne3A_351 : vector<16xi1>
    %add3A_361 = vector.broadcast %select_n3A_346 : i32 to vector<16xi32>
    %add3A_362 = arith.addi %rem3A_348, %add3A_361 : vector<16xi32>
    %select_n3A_363 = arith.select %and3A_360, %add3A_362, %rem3A_348 : vector<16xi1>, vector<16xi32>
    %mul3A_364 = arith.constant 32 : i32
    %mul3A_365 = vector.broadcast %mul3A_364 : i32 to vector<16xi32>
    %mul3A_366 = arith.muli %mul3A_365, %select_n3A_363 : vector<16xi32>
    %jit3A_367 = arith.constant 4 : i32
    %div3A_368 = vector.broadcast %jit3A_367 : i32 to vector<16xi32>
    %div3A_369 = arith.divsi %add3A_341, %div3A_368 : vector<16xi32>
    %sign3A_370 = arith.constant 0 : i32
    %sign3A_371 = vector.broadcast %sign3A_370 : i32 to vector<16xi32>
    %sign3A_372 = arith.cmpi sgt, %add3A_341, %sign3A_371 : vector<16xi32>
    %sign3A_373 = arith.extui %sign3A_372 : vector<16xi1> to vector<16xi32>
    %sign3A_374 = arith.constant 0 : i32
    %sign3A_375 = vector.broadcast %sign3A_374 : i32 to vector<16xi32>
    %sign3A_376 = arith.cmpi slt, %add3A_341, %sign3A_375 : vector<16xi32>
    %sign3A_377 = arith.extui %sign3A_376 : vector<16xi1> to vector<16xi32>
    %sign3A_378 = arith.subi %sign3A_373, %sign3A_377 : vector<16xi32>
    %sign3A_379 = arith.constant 0 : i32
    %sign3A_380 = arith.cmpi sgt, %jit3A_367, %sign3A_379 : i32
    %sign3A_381 = arith.extui %sign3A_380 : i1 to i32
    %sign3A_382 = arith.constant 0 : i32
    %sign3A_383 = arith.cmpi slt, %jit3A_367, %sign3A_382 : i32
    %sign3A_384 = arith.extui %sign3A_383 : i1 to i32
    %sign3A_385 = arith.subi %sign3A_381, %sign3A_384 : i32
    %ne3A_386 = vector.broadcast %sign3A_385 : i32 to vector<16xi32>
    %ne3A_387 = arith.cmpi ne, %sign3A_378, %ne3A_386 : vector<16xi32>
    %rem3A_388 = vector.broadcast %jit3A_367 : i32 to vector<16xi32>
    %rem3A_389 = arith.remsi %add3A_341, %rem3A_388 : vector<16xi32>
    %ne3A_390 = arith.constant 0 : i32
    %ne3A_391 = vector.broadcast %ne3A_390 : i32 to vector<16xi32>
    %ne3A_392 = arith.cmpi ne, %rem3A_389, %ne3A_391 : vector<16xi32>
    %and3A_393 = arith.andi %ne3A_387, %ne3A_392 : vector<16xi1>
    %sub3A_394 = arith.constant 1 : i32
    %sub3A_395 = vector.broadcast %sub3A_394 : i32 to vector<16xi32>
    %sub3A_396 = arith.subi %div3A_369, %sub3A_395 : vector<16xi32>
    %select_n3A_397 = arith.select %and3A_393, %sub3A_396, %div3A_369 : vector<16xi1>, vector<16xi32>
    %add3A_398 = arith.addi %mul3A_366, %select_n3A_397 : vector<16xi32>
    %add3A_399 = arith.constant 96 : i32
    %add3A_400 = vector.broadcast %add3A_399 : i32 to vector<16xi32>
    %add3A_401 = arith.addi %add3A_400, %iota3A : vector<16xi32>
    %jit3A_402 = arith.constant 4 : i32
    %eq3A_403 = arith.constant 0 : i32
    %eq3A_404 = arith.cmpi eq, %jit3A_402, %eq3A_403 : i32
    %jit3A_405 = arith.constant 1 : i32
    %select_n3A_406 = arith.select %eq3A_404, %jit3A_405, %jit3A_402 : i32
    %rem3A_407 = vector.broadcast %select_n3A_406 : i32 to vector<16xi32>
    %rem3A_408 = arith.remsi %add3A_401, %rem3A_407 : vector<16xi32>
    %ne3A_409 = arith.constant 0 : i32
    %ne3A_410 = vector.broadcast %ne3A_409 : i32 to vector<16xi32>
    %ne3A_411 = arith.cmpi ne, %rem3A_408, %ne3A_410 : vector<16xi32>
    %lt3A_412 = arith.constant 0 : i32
    %lt3A_413 = vector.broadcast %lt3A_412 : i32 to vector<16xi32>
    %lt3A_414 = arith.cmpi slt, %rem3A_408, %lt3A_413 : vector<16xi32>
    %lt3A_415 = arith.constant 0 : i32
    %lt3A_416 = arith.cmpi slt, %select_n3A_406, %lt3A_415 : i32
    %ne3A_417 = vector.broadcast %lt3A_416 : i1 to vector<16xi1>
    %ne3A_418 = vector.broadcast %ne3A_417 : vector<16xi1> to vector<16xi1>
    %ne3A_419 = arith.xori %lt3A_414, %ne3A_418 : vector<16xi1>
    %and3A_420 = arith.andi %ne3A_419, %ne3A_411 : vector<16xi1>
    %add3A_421 = vector.broadcast %select_n3A_406 : i32 to vector<16xi32>
    %add3A_422 = arith.addi %rem3A_408, %add3A_421 : vector<16xi32>
    %select_n3A_423 = arith.select %and3A_420, %add3A_422, %rem3A_408 : vector<16xi1>, vector<16xi32>
    %mul3A_424 = arith.constant 32 : i32
    %mul3A_425 = vector.broadcast %mul3A_424 : i32 to vector<16xi32>
    %mul3A_426 = arith.muli %mul3A_425, %select_n3A_423 : vector<16xi32>
    %jit3A_427 = arith.constant 4 : i32
    %div3A_428 = vector.broadcast %jit3A_427 : i32 to vector<16xi32>
    %div3A_429 = arith.divsi %add3A_401, %div3A_428 : vector<16xi32>
    %sign3A_430 = arith.constant 0 : i32
    %sign3A_431 = vector.broadcast %sign3A_430 : i32 to vector<16xi32>
    %sign3A_432 = arith.cmpi sgt, %add3A_401, %sign3A_431 : vector<16xi32>
    %sign3A_433 = arith.extui %sign3A_432 : vector<16xi1> to vector<16xi32>
    %sign3A_434 = arith.constant 0 : i32
    %sign3A_435 = vector.broadcast %sign3A_434 : i32 to vector<16xi32>
    %sign3A_436 = arith.cmpi slt, %add3A_401, %sign3A_435 : vector<16xi32>
    %sign3A_437 = arith.extui %sign3A_436 : vector<16xi1> to vector<16xi32>
    %sign3A_438 = arith.subi %sign3A_433, %sign3A_437 : vector<16xi32>
    %sign3A_439 = arith.constant 0 : i32
    %sign3A_440 = arith.cmpi sgt, %jit3A_427, %sign3A_439 : i32
    %sign3A_441 = arith.extui %sign3A_440 : i1 to i32
    %sign3A_442 = arith.constant 0 : i32
    %sign3A_443 = arith.cmpi slt, %jit3A_427, %sign3A_442 : i32
    %sign3A_444 = arith.extui %sign3A_443 : i1 to i32
    %sign3A_445 = arith.subi %sign3A_441, %sign3A_444 : i32
    %ne3A_446 = vector.broadcast %sign3A_445 : i32 to vector<16xi32>
    %ne3A_447 = arith.cmpi ne, %sign3A_438, %ne3A_446 : vector<16xi32>
    %rem3A_448 = vector.broadcast %jit3A_427 : i32 to vector<16xi32>
    %rem3A_449 = arith.remsi %add3A_401, %rem3A_448 : vector<16xi32>
    %ne3A_450 = arith.constant 0 : i32
    %ne3A_451 = vector.broadcast %ne3A_450 : i32 to vector<16xi32>
    %ne3A_452 = arith.cmpi ne, %rem3A_449, %ne3A_451 : vector<16xi32>
    %and3A_453 = arith.andi %ne3A_447, %ne3A_452 : vector<16xi1>
    %sub3A_454 = arith.constant 1 : i32
    %sub3A_455 = vector.broadcast %sub3A_454 : i32 to vector<16xi32>
    %sub3A_456 = arith.subi %div3A_429, %sub3A_455 : vector<16xi32>
    %select_n3A_457 = arith.select %and3A_453, %sub3A_456, %div3A_429 : vector<16xi1>, vector<16xi32>
    %add3A_458 = arith.addi %mul3A_426, %select_n3A_457 : vector<16xi32>
    %add3A_459 = arith.constant 112 : i32
    %add3A_460 = vector.broadcast %add3A_459 : i32 to vector<16xi32>
    %add3A_461 = arith.addi %add3A_460, %iota3A : vector<16xi32>
    %jit3A_462 = arith.constant 4 : i32
    %eq3A_463 = arith.constant 0 : i32
    %eq3A_464 = arith.cmpi eq, %jit3A_462, %eq3A_463 : i32
    %jit3A_465 = arith.constant 1 : i32
    %select_n3A_466 = arith.select %eq3A_464, %jit3A_465, %jit3A_462 : i32
    %rem3A_467 = vector.broadcast %select_n3A_466 : i32 to vector<16xi32>
    %rem3A_468 = arith.remsi %add3A_461, %rem3A_467 : vector<16xi32>
    %ne3A_469 = arith.constant 0 : i32
    %ne3A_470 = vector.broadcast %ne3A_469 : i32 to vector<16xi32>
    %ne3A_471 = arith.cmpi ne, %rem3A_468, %ne3A_470 : vector<16xi32>
    %lt3A_472 = arith.constant 0 : i32
    %lt3A_473 = vector.broadcast %lt3A_472 : i32 to vector<16xi32>
    %lt3A_474 = arith.cmpi slt, %rem3A_468, %lt3A_473 : vector<16xi32>
    %lt3A_475 = arith.constant 0 : i32
    %lt3A_476 = arith.cmpi slt, %select_n3A_466, %lt3A_475 : i32
    %ne3A_477 = vector.broadcast %lt3A_476 : i1 to vector<16xi1>
    %ne3A_478 = vector.broadcast %ne3A_477 : vector<16xi1> to vector<16xi1>
    %ne3A_479 = arith.xori %lt3A_474, %ne3A_478 : vector<16xi1>
    %and3A_480 = arith.andi %ne3A_479, %ne3A_471 : vector<16xi1>
    %add3A_481 = vector.broadcast %select_n3A_466 : i32 to vector<16xi32>
    %add3A_482 = arith.addi %rem3A_468, %add3A_481 : vector<16xi32>
    %select_n3A_483 = arith.select %and3A_480, %add3A_482, %rem3A_468 : vector<16xi1>, vector<16xi32>
    %mul3A_484 = arith.constant 32 : i32
    %mul3A_485 = vector.broadcast %mul3A_484 : i32 to vector<16xi32>
    %mul3A_486 = arith.muli %mul3A_485, %select_n3A_483 : vector<16xi32>
    %jit3A_487 = arith.constant 4 : i32
    %div3A_488 = vector.broadcast %jit3A_487 : i32 to vector<16xi32>
    %div3A_489 = arith.divsi %add3A_461, %div3A_488 : vector<16xi32>
    %sign3A_490 = arith.constant 0 : i32
    %sign3A_491 = vector.broadcast %sign3A_490 : i32 to vector<16xi32>
    %sign3A_492 = arith.cmpi sgt, %add3A_461, %sign3A_491 : vector<16xi32>
    %sign3A_493 = arith.extui %sign3A_492 : vector<16xi1> to vector<16xi32>
    %sign3A_494 = arith.constant 0 : i32
    %sign3A_495 = vector.broadcast %sign3A_494 : i32 to vector<16xi32>
    %sign3A_496 = arith.cmpi slt, %add3A_461, %sign3A_495 : vector<16xi32>
    %sign3A_497 = arith.extui %sign3A_496 : vector<16xi1> to vector<16xi32>
    %sign3A_498 = arith.subi %sign3A_493, %sign3A_497 : vector<16xi32>
    %sign3A_499 = arith.constant 0 : i32
    %sign3A_500 = arith.cmpi sgt, %jit3A_487, %sign3A_499 : i32
    %sign3A_501 = arith.extui %sign3A_500 : i1 to i32
    %sign3A_502 = arith.constant 0 : i32
    %sign3A_503 = arith.cmpi slt, %jit3A_487, %sign3A_502 : i32
    %sign3A_504 = arith.extui %sign3A_503 : i1 to i32
    %sign3A_505 = arith.subi %sign3A_501, %sign3A_504 : i32
    %ne3A_506 = vector.broadcast %sign3A_505 : i32 to vector<16xi32>
    %ne3A_507 = arith.cmpi ne, %sign3A_498, %ne3A_506 : vector<16xi32>
    %rem3A_508 = vector.broadcast %jit3A_487 : i32 to vector<16xi32>
    %rem3A_509 = arith.remsi %add3A_461, %rem3A_508 : vector<16xi32>
    %ne3A_510 = arith.constant 0 : i32
    %ne3A_511 = vector.broadcast %ne3A_510 : i32 to vector<16xi32>
    %ne3A_512 = arith.cmpi ne, %rem3A_509, %ne3A_511 : vector<16xi32>
    %and3A_513 = arith.andi %ne3A_507, %ne3A_512 : vector<16xi1>
    %sub3A_514 = arith.constant 1 : i32
    %sub3A_515 = vector.broadcast %sub3A_514 : i32 to vector<16xi32>
    %sub3A_516 = arith.subi %div3A_489, %sub3A_515 : vector<16xi32>
    %select_n3A_517 = arith.select %and3A_513, %sub3A_516, %div3A_489 : vector<16xi1>, vector<16xi32>
    %add3A_518 = arith.addi %mul3A_486, %select_n3A_517 : vector<16xi32>
    %scan3A = arith.constant 0 : i32
    %scan3A_519 = arith.constant 0 : i32
    %scan3A_520 = arith.constant 50 : i32
    %scan3A_521 = arith.addi %scan3A_519, %scan3A_520 : i32
    %scan3A_522 = arith.constant 1 : i32
    scf.for %scan3A_579 = %scan3A_519 to %scan3A_521 step %scan3A_522  : i32 {
      %add3A_580 = arith.addi %mul3A_38, %scan3A_579 : i32
      %mul3A_581 = arith.constant 1 : i32
      %mul3A_582 = arith.muli %add3A_580, %mul3A_581 : i32
      %add3A_583 = arith.constant 0 : i32
      %add3A_584 = arith.addi %mul3A_582, %add3A_583 : i32
      %broadcast_in_dim3A = vector.broadcast %add3A_584 : i32 to vector<16xi32>
      %gather3A = tpu.vector_load_idx %arg5[%add3A_98, %broadcast_in_dim3A] : memref<128x128xi32, #tpu.memory_space<vmem>>[vector<16xi32>, vector<16xi32>], vector<16xi32>,
      %mul3A_585 = arith.constant 4 : i32
      %mul3A_586 = vector.broadcast %mul3A_585 : i32 to vector<16xi32>
      %mul3A_587 = arith.muli %mul3A_586, %gather3A : vector<16xi32>
      %swap3A = arith.index_cast %scan3A_579 : i32 to index
      %swap3A_588 = arith.constant 0 : index
      %swap3A_589 = tpu.vector_load %arg6[%swap3A, %swap3A_588] {strides = array<i32>} : memref<50x128xi32, #tpu.memory_space<vmem>>, vector<16xi32>,
      tpu.vector_store %arg6[%swap3A, %swap3A_588], %mul3A_587 {strides = array<i32>} : memref<50x128xi32, #tpu.memory_space<vmem>>, vector<16xi32>,
      %add3A_590 = arith.constant 0 : i32
      %add3A_591 = arith.addi %mul3A_582, %add3A_590 : i32
      %broadcast_in_dim3A_592 = vector.broadcast %add3A_591 : i32 to vector<16xi32>
      %gather3A_593 = tpu.vector_load_idx %arg5[%add3A_158, %broadcast_in_dim3A_592] : memref<128x128xi32, #tpu.memory_space<vmem>>[vector<16xi32>, vector<16xi32>], vector<16xi32>,
      %mul3A_594 = arith.constant 4 : i32
      %mul3A_595 = vector.broadcast %mul3A_594 : i32 to vector<16xi32>
      %mul3A_596 = arith.muli %mul3A_595, %gather3A_593 : vector<16xi32>
      %swap3A_597 = arith.index_cast %scan3A_579 : i32 to index
      %swap3A_598 = arith.constant 16 : index
      %swap3A_599 = tpu.vector_load %arg6[%swap3A_597, %swap3A_598] {strides = array<i32>} : memref<50x128xi32, #tpu.memory_space<vmem>>, vector<16xi32>,
      tpu.vector_store %arg6[%swap3A_597, %swap3A_598], %mul3A_596 {strides = array<i32>} : memref<50x128xi32, #tpu.memory_space<vmem>>, vector<16xi32>,
      %add3A_600 = arith.constant 0 : i32
      %add3A_601 = arith.addi %mul3A_582, %add3A_600 : i32
      %broadcast_in_dim3A_602 = vector.broadcast %add3A_601 : i32 to vector<16xi32>
      %gather3A_603 = tpu.vector_load_idx %arg5[%add3A_218, %broadcast_in_dim3A_602] : memref<128x128xi32, #tpu.memory_space<vmem>>[vector<16xi32>, vector<16xi32>], vector<16xi32>,
      %mul3A_604 = arith.constant 4 : i32
      %mul3A_605 = vector.broadcast %mul3A_604 : i32 to vector<16xi32>
      %mul3A_606 = arith.muli %mul3A_605, %gather3A_603 : vector<16xi32>
      %swap3A_607 = arith.index_cast %scan3A_579 : i32 to index
      %swap3A_608 = arith.constant 32 : index
      %swap3A_609 = tpu.vector_load %arg6[%swap3A_607, %swap3A_608] {strides = array<i32>} : memref<50x128xi32, #tpu.memory_space<vmem>>, vector<16xi32>,
      tpu.vector_store %arg6[%swap3A_607, %swap3A_608], %mul3A_606 {strides = array<i32>} : memref<50x128xi32, #tpu.memory_space<vmem>>, vector<16xi32>,
      %add3A_610 = arith.constant 0 : i32
      %add3A_611 = arith.addi %mul3A_582, %add3A_610 : i32
      %broadcast_in_dim3A_612 = vector.broadcast %add3A_611 : i32 to vector<16xi32>
      %gather3A_613 = tpu.vector_load_idx %arg5[%add3A_278, %broadcast_in_dim3A_612] : memref<128x128xi32, #tpu.memory_space<vmem>>[vector<16xi32>, vector<16xi32>], vector<16xi32>,
      %mul3A_614 = arith.constant 4 : i32
      %mul3A_615 = vector.broadcast %mul3A_614 : i32 to vector<16xi32>
      %mul3A_616 = arith.muli %mul3A_615, %gather3A_613 : vector<16xi32>
      %swap3A_617 = arith.index_cast %scan3A_579 : i32 to index
      %swap3A_618 = arith.constant 48 : index
      %swap3A_619 = tpu.vector_load %arg6[%swap3A_617, %swap3A_618] {strides = array<i32>} : memref<50x128xi32, #tpu.memory_space<vmem>>, vector<16xi32>,
      tpu.vector_store %arg6[%swap3A_617, %swap3A_618], %mul3A_616 {strides = array<i32>} : memref<50x128xi32, #tpu.memory_space<vmem>>, vector<16xi32>,
      %add3A_620 = arith.constant 0 : i32
      %add3A_621 = arith.addi %mul3A_582, %add3A_620 : i32
      %broadcast_in_dim3A_622 = vector.broadcast %add3A_621 : i32 to vector<16xi32>
      %gather3A_623 = tpu.vector_load_idx %arg5[%add3A_338, %broadcast_in_dim3A_622] : memref<128x128xi32, #tpu.memory_space<vmem>>[vector<16xi32>, vector<16xi32>], vector<16xi32>,
      %mul3A_624 = arith.constant 4 : i32
      %mul3A_625 = vector.broadcast %mul3A_624 : i32 to vector<16xi32>
      %mul3A_626 = arith.muli %mul3A_625, %gather3A_623 : vector<16xi32>
      %swap3A_627 = arith.index_cast %scan3A_579 : i32 to index
      %swap3A_628 = arith.constant 64 : index
      %swap3A_629 = tpu.vector_load %arg6[%swap3A_627, %swap3A_628] {strides = array<i32>} : memref<50x128xi32, #tpu.memory_space<vmem>>, vector<16xi32>,
      tpu.vector_store %arg6[%swap3A_627, %swap3A_628], %mul3A_626 {strides = array<i32>} : memref<50x128xi32, #tpu.memory_space<vmem>>, vector<16xi32>,
      %add3A_630 = arith.constant 0 : i32
      %add3A_631 = arith.addi %mul3A_582, %add3A_630 : i32
      %broadcast_in_dim3A_632 = vector.broadcast %add3A_631 : i32 to vector<16xi32>
      %gather3A_633 = tpu.vector_load_idx %arg5[%add3A_398, %broadcast_in_dim3A_632] : memref<128x128xi32, #tpu.memory_space<vmem>>[vector<16xi32>, vector<16xi32>], vector<16xi32>,
      %mul3A_634 = arith.constant 4 : i32
      %mul3A_635 = vector.broadcast %mul3A_634 : i32 to vector<16xi32>
      %mul3A_636 = arith.muli %mul3A_635, %gather3A_633 : vector<16xi32>
      %swap3A_637 = arith.index_cast %scan3A_579 : i32 to index
      %swap3A_638 = arith.constant 80 : index
      %swap3A_639 = tpu.vector_load %arg6[%swap3A_637, %swap3A_638] {strides = array<i32>} : memref<50x128xi32, #tpu.memory_space<vmem>>, vector<16xi32>,
      tpu.vector_store %arg6[%swap3A_637, %swap3A_638], %mul3A_636 {strides = array<i32>} : memref<50x128xi32, #tpu.memory_space<vmem>>, vector<16xi32>,
      %add3A_640 = arith.constant 0 : i32
      %add3A_641 = arith.addi %mul3A_582, %add3A_640 : i32
      %broadcast_in_dim3A_642 = vector.broadcast %add3A_641 : i32 to vector<16xi32>
      %gather3A_643 = tpu.vector_load_idx %arg5[%add3A_458, %broadcast_in_dim3A_642] : memref<128x128xi32, #tpu.memory_space<vmem>>[vector<16xi32>, vector<16xi32>], vector<16xi32>,
      %mul3A_644 = arith.constant 4 : i32
      %mul3A_645 = vector.broadcast %mul3A_644 : i32 to vector<16xi32>
      %mul3A_646 = arith.muli %mul3A_645, %gather3A_643 : vector<16xi32>
      %swap3A_647 = arith.index_cast %scan3A_579 : i32 to index
      %swap3A_648 = arith.constant 96 : index
      %swap3A_649 = tpu.vector_load %arg6[%swap3A_647, %swap3A_648] {strides = array<i32>} : memref<50x128xi32, #tpu.memory_space<vmem>>, vector<16xi32>,
      tpu.vector_store %arg6[%swap3A_647, %swap3A_648], %mul3A_646 {strides = array<i32>} : memref<50x128xi32, #tpu.memory_space<vmem>>, vector<16xi32>,
      %add3A_650 = arith.constant 0 : i32
      %add3A_651 = arith.addi %mul3A_582, %add3A_650 : i32
      %broadcast_in_dim3A_652 = vector.broadcast %add3A_651 : i32 to vector<16xi32>
      %gather3A_653 = tpu.vector_load_idx %arg5[%add3A_518, %broadcast_in_dim3A_652] : memref<128x128xi32, #tpu.memory_space<vmem>>[vector<16xi32>, vector<16xi32>], vector<16xi32>,
      %mul3A_654 = arith.constant 4 : i32
      %mul3A_655 = vector.broadcast %mul3A_654 : i32 to vector<16xi32>
      %mul3A_656 = arith.muli %mul3A_655, %gather3A_653 : vector<16xi32>
      %swap3A_657 = arith.index_cast %scan3A_579 : i32 to index
      %swap3A_658 = arith.constant 112 : index
      %swap3A_659 = tpu.vector_load %arg6[%swap3A_657, %swap3A_658] {strides = array<i32>} : memref<50x128xi32, #tpu.memory_space<vmem>>, vector<16xi32>,
      tpu.vector_store %arg6[%swap3A_657, %swap3A_658], %mul3A_656 {strides = array<i32>} : memref<50x128xi32, #tpu.memory_space<vmem>>, vector<16xi32>,
    }
    %scan3A_523 = arith.constant 50 : i32
    %dma_start3A = arith.constant 0 : i32
    %dma_start3A_524 = arith.constant 0 : i32
    %dma_start3A_525 = arith.constant 0 : i32
    %dma_start3A_526 = tpu.memref_slice %arg7[%dma_start3A_524, %dma_start3A_525] : memref<640x32xf32, #tpu.memory_space<vmem>> -> memref<128x32xf32, #tpu.memory_space<vmem>>
    %dma_start3A_527 = arith.constant 0 : i32
    %dma_start3A_528 = tpu.memref_slice %arg6[%dma_start3A, %dma_start3A_527] : memref<50x128xi32, #tpu.memory_space<vmem>> -> memref<1x128xi32, #tpu.memory_space<vmem>>
    %dma_start3A_529 = tpu.memref_squeeze %dma_start3A_528 : memref<1x128xi32, #tpu.memory_space<vmem>> -> memref<128xi32, #tpu.memory_space<vmem>>
    %dma_start3A_530 = arith.constant 0 : i32
    %dma_start3A_531 = arith.constant 0 : i32
    %dma_start3A_532 = tpu.memref_slice %arg3[%dma_start3A_530, %dma_start3A_531] : memref<400128x32xf32, #tpu.memory_space<hbm>> -> memref<400128x32xf32, #tpu.memory_space<hbm>>
    tpu.enqueue_indirect_dma source(%dma_start3A_532 : memref<400128x32xf32, #tpu.memory_space<hbm>>) target(%dma_start3A_526 : memref<128x32xf32, #tpu.memory_space<vmem>>) offsets(%dma_start3A_529 : memref<128xi32, #tpu.memory_space<vmem>>) semaphore(%arg9 : memref<!tpu.dma_semaphore, #tpu.memory_space<semaphore_mem>>)
    %dma_start3A_533 = arith.constant 1 : i32
    %dma_start3A_534 = arith.constant 128 : i32
    %dma_start3A_535 = arith.constant 0 : i32
    %dma_start3A_536 = tpu.memref_slice %arg7[%dma_start3A_534, %dma_start3A_535] : memref<640x32xf32, #tpu.memory_space<vmem>> -> memref<128x32xf32, #tpu.memory_space<vmem>>
    %dma_start3A_537 = arith.constant 0 : i32
    %dma_start3A_538 = tpu.memref_slice %arg6[%dma_start3A_533, %dma_start3A_537] : memref<50x128xi32, #tpu.memory_space<vmem>> -> memref<1x128xi32, #tpu.memory_space<vmem>>
    %dma_start3A_539 = tpu.memref_squeeze %dma_start3A_538 : memref<1x128xi32, #tpu.memory_space<vmem>> -> memref<128xi32, #tpu.memory_space<vmem>>
    %dma_start3A_540 = arith.constant 0 : i32
    %dma_start3A_541 = arith.constant 0 : i32
    %dma_start3A_542 = tpu.memref_slice %arg3[%dma_start3A_540, %dma_start3A_541] : memref<400128x32xf32, #tpu.memory_space<hbm>> -> memref<400128x32xf32, #tpu.memory_space<hbm>>
    tpu.enqueue_indirect_dma source(%dma_start3A_542 : memref<400128x32xf32, #tpu.memory_space<hbm>>) target(%dma_start3A_536 : memref<128x32xf32, #tpu.memory_space<vmem>>) offsets(%dma_start3A_539 : memref<128xi32, #tpu.memory_space<vmem>>) semaphore(%arg9 : memref<!tpu.dma_semaphore, #tpu.memory_space<semaphore_mem>>)
    %dma_start3A_543 = arith.constant 2 : i32
    %dma_start3A_544 = arith.constant 256 : i32
    %dma_start3A_545 = arith.constant 0 : i32
    %dma_start3A_546 = tpu.memref_slice %arg7[%dma_start3A_544, %dma_start3A_545] : memref<640x32xf32, #tpu.memory_space<vmem>> -> memref<128x32xf32, #tpu.memory_space<vmem>>
    %dma_start3A_547 = arith.constant 0 : i32
    %dma_start3A_548 = tpu.memref_slice %arg6[%dma_start3A_543, %dma_start3A_547] : memref<50x128xi32, #tpu.memory_space<vmem>> -> memref<1x128xi32, #tpu.memory_space<vmem>>
    %dma_start3A_549 = tpu.memref_squeeze %dma_start3A_548 : memref<1x128xi32, #tpu.memory_space<vmem>> -> memref<128xi32, #tpu.memory_space<vmem>>
    %dma_start3A_550 = arith.constant 0 : i32
    %dma_start3A_551 = arith.constant 0 : i32
    %dma_start3A_552 = tpu.memref_slice %arg3[%dma_start3A_550, %dma_start3A_551] : memref<400128x32xf32, #tpu.memory_space<hbm>> -> memref<400128x32xf32, #tpu.memory_space<hbm>>
    tpu.enqueue_indirect_dma source(%dma_start3A_552 : memref<400128x32xf32, #tpu.memory_space<hbm>>) target(%dma_start3A_546 : memref<128x32xf32, #tpu.memory_space<vmem>>) offsets(%dma_start3A_549 : memref<128xi32, #tpu.memory_space<vmem>>) semaphore(%arg9 : memref<!tpu.dma_semaphore, #tpu.memory_space<semaphore_mem>>)
    %dma_start3A_553 = arith.constant 3 : i32
    %dma_start3A_554 = arith.constant 384 : i32
    %dma_start3A_555 = arith.constant 0 : i32
    %dma_start3A_556 = tpu.memref_slice %arg7[%dma_start3A_554, %dma_start3A_555] : memref<640x32xf32, #tpu.memory_space<vmem>> -> memref<128x32xf32, #tpu.memory_space<vmem>>
    %dma_start3A_557 = arith.constant 0 : i32
    %dma_start3A_558 = tpu.memref_slice %arg6[%dma_start3A_553, %dma_start3A_557] : memref<50x128xi32, #tpu.memory_space<vmem>> -> memref<1x128xi32, #tpu.memory_space<vmem>>
    %dma_start3A_559 = tpu.memref_squeeze %dma_start3A_558 : memref<1x128xi32, #tpu.memory_space<vmem>> -> memref<128xi32, #tpu.memory_space<vmem>>
    %dma_start3A_560 = arith.constant 0 : i32
    %dma_start3A_561 = arith.constant 0 : i32
    %dma_start3A_562 = tpu.memref_slice %arg3[%dma_start3A_560, %dma_start3A_561] : memref<400128x32xf32, #tpu.memory_space<hbm>> -> memref<400128x32xf32, #tpu.memory_space<hbm>>
    tpu.enqueue_indirect_dma source(%dma_start3A_562 : memref<400128x32xf32, #tpu.memory_space<hbm>>) target(%dma_start3A_556 : memref<128x32xf32, #tpu.memory_space<vmem>>) offsets(%dma_start3A_559 : memref<128xi32, #tpu.memory_space<vmem>>) semaphore(%arg9 : memref<!tpu.dma_semaphore, #tpu.memory_space<semaphore_mem>>)
    %dma_start3A_563 = arith.constant 4 : i32
    %dma_start3A_564 = arith.constant 512 : i32
    %dma_start3A_565 = arith.constant 0 : i32
    %dma_start3A_566 = tpu.memref_slice %arg7[%dma_start3A_564, %dma_start3A_565] : memref<640x32xf32, #tpu.memory_space<vmem>> -> memref<128x32xf32, #tpu.memory_space<vmem>>
    %dma_start3A_567 = arith.constant 0 : i32
    %dma_start3A_568 = tpu.memref_slice %arg6[%dma_start3A_563, %dma_start3A_567] : memref<50x128xi32, #tpu.memory_space<vmem>> -> memref<1x128xi32, #tpu.memory_space<vmem>>
    %dma_start3A_569 = tpu.memref_squeeze %dma_start3A_568 : memref<1x128xi32, #tpu.memory_space<vmem>> -> memref<128xi32, #tpu.memory_space<vmem>>
    %dma_start3A_570 = arith.constant 0 : i32
    %dma_start3A_571 = arith.constant 0 : i32
    %dma_start3A_572 = tpu.memref_slice %arg3[%dma_start3A_570, %dma_start3A_571] : memref<400128x32xf32, #tpu.memory_space<hbm>> -> memref<400128x32xf32, #tpu.memory_space<hbm>>
    tpu.enqueue_indirect_dma source(%dma_start3A_572 : memref<400128x32xf32, #tpu.memory_space<hbm>>) target(%dma_start3A_566 : memref<128x32xf32, #tpu.memory_space<vmem>>) offsets(%dma_start3A_569 : memref<128xi32, #tpu.memory_space<vmem>>) semaphore(%arg9 : memref<!tpu.dma_semaphore, #tpu.memory_space<semaphore_mem>>)
    %scan3A_573 = arith.constant 0 : i32
    %scan3A_574 = arith.constant 0 : i32
    %scan3A_575 = arith.constant 5 : i32
    %scan3A_576 = arith.addi %scan3A_574, %scan3A_575 : i32
    %scan3A_577 = arith.constant 1 : i32
    scf.for %scan3A_579 = %scan3A_574 to %scan3A_576 step %scan3A_577  : i32 {
      %mul3A_580 = arith.constant 2 : i32
      %mul3A_581 = arith.muli %mul3A_580, %scan3A_579 : i32
      %add3A_582 = arith.constant 1 : i32
      %add3A_583 = arith.addi %mul3A_581, %add3A_582 : i32
      %mul3A_584 = arith.constant 5 : i32
      %mul3A_585 = arith.muli %add3A_583, %mul3A_584 : i32
      %add3A_586 = arith.constant 0 : i32
      %add3A_587 = arith.addi %mul3A_585, %add3A_586 : i32
      %dma_start3A_588 = arith.constant 0 : i32
      %dma_start3A_589 = arith.constant 0 : i32
      %dma_start3A_590 = tpu.memref_slice %arg8[%dma_start3A_588, %dma_start3A_589] : memref<640x32xf32, #tpu.memory_space<vmem>> -> memref<128x32xf32, #tpu.memory_space<vmem>>
      %dma_start3A_591 = arith.constant 0 : i32
      %dma_start3A_592 = tpu.memref_slice %arg6[%add3A_587, %dma_start3A_591] : memref<50x128xi32, #tpu.memory_space<vmem>> -> memref<1x128xi32, #tpu.memory_space<vmem>>
      %dma_start3A_593 = tpu.memref_squeeze %dma_start3A_592 : memref<1x128xi32, #tpu.memory_space<vmem>> -> memref<128xi32, #tpu.memory_space<vmem>>
      %dma_start3A_594 = arith.constant 0 : i32
      %dma_start3A_595 = arith.constant 0 : i32
      %dma_start3A_596 = tpu.memref_slice %arg3[%dma_start3A_594, %dma_start3A_595] : memref<400128x32xf32, #tpu.memory_space<hbm>> -> memref<400128x32xf32, #tpu.memory_space<hbm>>
      tpu.enqueue_indirect_dma source(%dma_start3A_596 : memref<400128x32xf32, #tpu.memory_space<hbm>>) target(%dma_start3A_590 : memref<128x32xf32, #tpu.memory_space<vmem>>) offsets(%dma_start3A_593 : memref<128xi32, #tpu.memory_space<vmem>>) semaphore(%arg10 : memref<!tpu.dma_semaphore, #tpu.memory_space<semaphore_mem>>)
      %mul3A_597 = arith.constant 5 : i32
      %mul3A_598 = arith.muli %add3A_583, %mul3A_597 : i32
      %add3A_599 = arith.constant 1 : i32
      %add3A_600 = arith.addi %mul3A_598, %add3A_599 : i32
      %dma_start3A_601 = arith.constant 128 : i32
      %dma_start3A_602 = arith.constant 0 : i32
      %dma_start3A_603 = tpu.memref_slice %arg8[%dma_start3A_601, %dma_start3A_602] : memref<640x32xf32, #tpu.memory_space<vmem>> -> memref<128x32xf32, #tpu.memory_space<vmem>>
      %dma_start3A_604 = arith.constant 0 : i32
      %dma_start3A_605 = tpu.memref_slice %arg6[%add3A_600, %dma_start3A_604] : memref<50x128xi32, #tpu.memory_space<vmem>> -> memref<1x128xi32, #tpu.memory_space<vmem>>
      %dma_start3A_606 = tpu.memref_squeeze %dma_start3A_605 : memref<1x128xi32, #tpu.memory_space<vmem>> -> memref<128xi32, #tpu.memory_space<vmem>>
      %dma_start3A_607 = arith.constant 0 : i32
      %dma_start3A_608 = arith.constant 0 : i32
      %dma_start3A_609 = tpu.memref_slice %arg3[%dma_start3A_607, %dma_start3A_608] : memref<400128x32xf32, #tpu.memory_space<hbm>> -> memref<400128x32xf32, #tpu.memory_space<hbm>>
      tpu.enqueue_indirect_dma source(%dma_start3A_609 : memref<400128x32xf32, #tpu.memory_space<hbm>>) target(%dma_start3A_603 : memref<128x32xf32, #tpu.memory_space<vmem>>) offsets(%dma_start3A_606 : memref<128xi32, #tpu.memory_space<vmem>>) semaphore(%arg10 : memref<!tpu.dma_semaphore, #tpu.memory_space<semaphore_mem>>)
      %mul3A_610 = arith.constant 5 : i32
      %mul3A_611 = arith.muli %add3A_583, %mul3A_610 : i32
      %add3A_612 = arith.constant 2 : i32
      %add3A_613 = arith.addi %mul3A_611, %add3A_612 : i32
      %dma_start3A_614 = arith.constant 256 : i32
      %dma_start3A_615 = arith.constant 0 : i32
      %dma_start3A_616 = tpu.memref_slice %arg8[%dma_start3A_614, %dma_start3A_615] : memref<640x32xf32, #tpu.memory_space<vmem>> -> memref<128x32xf32, #tpu.memory_space<vmem>>
      %dma_start3A_617 = arith.constant 0 : i32
      %dma_start3A_618 = tpu.memref_slice %arg6[%add3A_613, %dma_start3A_617] : memref<50x128xi32, #tpu.memory_space<vmem>> -> memref<1x128xi32, #tpu.memory_space<vmem>>
      %dma_start3A_619 = tpu.memref_squeeze %dma_start3A_618 : memref<1x128xi32, #tpu.memory_space<vmem>> -> memref<128xi32, #tpu.memory_space<vmem>>
      %dma_start3A_620 = arith.constant 0 : i32
      %dma_start3A_621 = arith.constant 0 : i32
      %dma_start3A_622 = tpu.memref_slice %arg3[%dma_start3A_620, %dma_start3A_621] : memref<400128x32xf32, #tpu.memory_space<hbm>> -> memref<400128x32xf32, #tpu.memory_space<hbm>>
      tpu.enqueue_indirect_dma source(%dma_start3A_622 : memref<400128x32xf32, #tpu.memory_space<hbm>>) target(%dma_start3A_616 : memref<128x32xf32, #tpu.memory_space<vmem>>) offsets(%dma_start3A_619 : memref<128xi32, #tpu.memory_space<vmem>>) semaphore(%arg10 : memref<!tpu.dma_semaphore, #tpu.memory_space<semaphore_mem>>)
      %mul3A_623 = arith.constant 5 : i32
      %mul3A_624 = arith.muli %add3A_583, %mul3A_623 : i32
      %add3A_625 = arith.constant 3 : i32
      %add3A_626 = arith.addi %mul3A_624, %add3A_625 : i32
      %dma_start3A_627 = arith.constant 384 : i32
      %dma_start3A_628 = arith.constant 0 : i32
      %dma_start3A_629 = tpu.memref_slice %arg8[%dma_start3A_627, %dma_start3A_628] : memref<640x32xf32, #tpu.memory_space<vmem>> -> memref<128x32xf32, #tpu.memory_space<vmem>>
      %dma_start3A_630 = arith.constant 0 : i32
      %dma_start3A_631 = tpu.memref_slice %arg6[%add3A_626, %dma_start3A_630] : memref<50x128xi32, #tpu.memory_space<vmem>> -> memref<1x128xi32, #tpu.memory_space<vmem>>
      %dma_start3A_632 = tpu.memref_squeeze %dma_start3A_631 : memref<1x128xi32, #tpu.memory_space<vmem>> -> memref<128xi32, #tpu.memory_space<vmem>>
      %dma_start3A_633 = arith.constant 0 : i32
      %dma_start3A_634 = arith.constant 0 : i32
      %dma_start3A_635 = tpu.memref_slice %arg3[%dma_start3A_633, %dma_start3A_634] : memref<400128x32xf32, #tpu.memory_space<hbm>> -> memref<400128x32xf32, #tpu.memory_space<hbm>>
      tpu.enqueue_indirect_dma source(%dma_start3A_635 : memref<400128x32xf32, #tpu.memory_space<hbm>>) target(%dma_start3A_629 : memref<128x32xf32, #tpu.memory_space<vmem>>) offsets(%dma_start3A_632 : memref<128xi32, #tpu.memory_space<vmem>>) semaphore(%arg10 : memref<!tpu.dma_semaphore, #tpu.memory_space<semaphore_mem>>)
      %mul3A_636 = arith.constant 5 : i32
      %mul3A_637 = arith.muli %add3A_583, %mul3A_636 : i32
      %add3A_638 = arith.constant 4 : i32
      %add3A_639 = arith.addi %mul3A_637, %add3A_638 : i32
      %dma_start3A_640 = arith.constant 512 : i32
      %dma_start3A_641 = arith.constant 0 : i32
      %dma_start3A_642 = tpu.memref_slice %arg8[%dma_start3A_640, %dma_start3A_641] : memref<640x32xf32, #tpu.memory_space<vmem>> -> memref<128x32xf32, #tpu.memory_space<vmem>>
      %dma_start3A_643 = arith.constant 0 : i32
      %dma_start3A_644 = tpu.memref_slice %arg6[%add3A_639, %dma_start3A_643] : memref<50x128xi32, #tpu.memory_space<vmem>> -> memref<1x128xi32, #tpu.memory_space<vmem>>
      %dma_start3A_645 = tpu.memref_squeeze %dma_start3A_644 : memref<1x128xi32, #tpu.memory_space<vmem>> -> memref<128xi32, #tpu.memory_space<vmem>>
      %dma_start3A_646 = arith.constant 0 : i32
      %dma_start3A_647 = arith.constant 0 : i32
      %dma_start3A_648 = tpu.memref_slice %arg3[%dma_start3A_646, %dma_start3A_647] : memref<400128x32xf32, #tpu.memory_space<hbm>> -> memref<400128x32xf32, #tpu.memory_space<hbm>>
      tpu.enqueue_indirect_dma source(%dma_start3A_648 : memref<400128x32xf32, #tpu.memory_space<hbm>>) target(%dma_start3A_642 : memref<128x32xf32, #tpu.memory_space<vmem>>) offsets(%dma_start3A_645 : memref<128xi32, #tpu.memory_space<vmem>>) semaphore(%arg10 : memref<!tpu.dma_semaphore, #tpu.memory_space<semaphore_mem>>)
      %mul3A_649 = arith.constant 5 : i32
      %mul3A_650 = arith.muli %mul3A_581, %mul3A_649 : i32
      %add3A_651 = arith.constant 0 : i32
      %add3A_652 = arith.addi %mul3A_650, %add3A_651 : i32
      %dma_wait3A = arith.constant 0 : i32
      %dma_wait3A_653 = arith.constant 0 : i32
      %dma_wait3A_654 = tpu.memref_slice %arg7[%dma_wait3A, %dma_wait3A_653] : memref<640x32xf32, #tpu.memory_space<vmem>> -> memref<128x32xf32, #tpu.memory_space<vmem>>
      %dma_wait3A_655 = arith.constant 0 : i32
      %dma_wait3A_656 = tpu.memref_slice %arg6[%add3A_652, %dma_wait3A_655] : memref<50x128xi32, #tpu.memory_space<vmem>> -> memref<1x128xi32, #tpu.memory_space<vmem>>
      %dma_wait3A_657 = tpu.memref_squeeze %dma_wait3A_656 : memref<1x128xi32, #tpu.memory_space<vmem>> -> memref<128xi32, #tpu.memory_space<vmem>>
      %dma_wait3A_658 = arith.constant 0 : i32
      %dma_wait3A_659 = arith.constant 0 : i32
      %dma_wait3A_660 = tpu.memref_slice %arg3[%dma_wait3A_658, %dma_wait3A_659] : memref<400128x32xf32, #tpu.memory_space<hbm>> -> memref<400128x32xf32, #tpu.memory_space<hbm>>
      tpu.wait_indirect_dma semaphore(%arg9 : memref<!tpu.dma_semaphore, #tpu.memory_space<semaphore_mem>>) src(%dma_wait3A_660 : memref<400128x32xf32, #tpu.memory_space<hbm>>) dst(%dma_wait3A_654 : memref<128x32xf32, #tpu.memory_space<vmem>>)
      %mul3A_661 = arith.constant 5 : i32
      %mul3A_662 = arith.muli %mul3A_581, %mul3A_661 : i32
      %add3A_663 = arith.constant 1 : i32
      %add3A_664 = arith.addi %mul3A_662, %add3A_663 : i32
      %dma_wait3A_665 = arith.constant 128 : i32
      %dma_wait3A_666 = arith.constant 0 : i32
      %dma_wait3A_667 = tpu.memref_slice %arg7[%dma_wait3A_665, %dma_wait3A_666] : memref<640x32xf32, #tpu.memory_space<vmem>> -> memref<128x32xf32, #tpu.memory_space<vmem>>
      %dma_wait3A_668 = arith.constant 0 : i32
      %dma_wait3A_669 = tpu.memref_slice %arg6[%add3A_664, %dma_wait3A_668] : memref<50x128xi32, #tpu.memory_space<vmem>> -> memref<1x128xi32, #tpu.memory_space<vmem>>
      %dma_wait3A_670 = tpu.memref_squeeze %dma_wait3A_669 : memref<1x128xi32, #tpu.memory_space<vmem>> -> memref<128xi32, #tpu.memory_space<vmem>>
      %dma_wait3A_671 = arith.constant 0 : i32
      %dma_wait3A_672 = arith.constant 0 : i32
      %dma_wait3A_673 = tpu.memref_slice %arg3[%dma_wait3A_671, %dma_wait3A_672] : memref<400128x32xf32, #tpu.memory_space<hbm>> -> memref<400128x32xf32, #tpu.memory_space<hbm>>
      tpu.wait_indirect_dma semaphore(%arg9 : memref<!tpu.dma_semaphore, #tpu.memory_space<semaphore_mem>>) src(%dma_wait3A_673 : memref<400128x32xf32, #tpu.memory_space<hbm>>) dst(%dma_wait3A_667 : memref<128x32xf32, #tpu.memory_space<vmem>>)
      %mul3A_674 = arith.constant 5 : i32
      %mul3A_675 = arith.muli %mul3A_581, %mul3A_674 : i32
      %add3A_676 = arith.constant 2 : i32
      %add3A_677 = arith.addi %mul3A_675, %add3A_676 : i32
      %dma_wait3A_678 = arith.constant 256 : i32
      %dma_wait3A_679 = arith.constant 0 : i32
      %dma_wait3A_680 = tpu.memref_slice %arg7[%dma_wait3A_678, %dma_wait3A_679] : memref<640x32xf32, #tpu.memory_space<vmem>> -> memref<128x32xf32, #tpu.memory_space<vmem>>
      %dma_wait3A_681 = arith.constant 0 : i32
      %dma_wait3A_682 = tpu.memref_slice %arg6[%add3A_677, %dma_wait3A_681] : memref<50x128xi32, #tpu.memory_space<vmem>> -> memref<1x128xi32, #tpu.memory_space<vmem>>
      %dma_wait3A_683 = tpu.memref_squeeze %dma_wait3A_682 : memref<1x128xi32, #tpu.memory_space<vmem>> -> memref<128xi32, #tpu.memory_space<vmem>>
      %dma_wait3A_684 = arith.constant 0 : i32
      %dma_wait3A_685 = arith.constant 0 : i32
      %dma_wait3A_686 = tpu.memref_slice %arg3[%dma_wait3A_684, %dma_wait3A_685] : memref<400128x32xf32, #tpu.memory_space<hbm>> -> memref<400128x32xf32, #tpu.memory_space<hbm>>
      tpu.wait_indirect_dma semaphore(%arg9 : memref<!tpu.dma_semaphore, #tpu.memory_space<semaphore_mem>>) src(%dma_wait3A_686 : memref<400128x32xf32, #tpu.memory_space<hbm>>) dst(%dma_wait3A_680 : memref<128x32xf32, #tpu.memory_space<vmem>>)
      %mul3A_687 = arith.constant 5 : i32
      %mul3A_688 = arith.muli %mul3A_581, %mul3A_687 : i32
      %add3A_689 = arith.constant 3 : i32
      %add3A_690 = arith.addi %mul3A_688, %add3A_689 : i32
      %dma_wait3A_691 = arith.constant 384 : i32
      %dma_wait3A_692 = arith.constant 0 : i32
      %dma_wait3A_693 = tpu.memref_slice %arg7[%dma_wait3A_691, %dma_wait3A_692] : memref<640x32xf32, #tpu.memory_space<vmem>> -> memref<128x32xf32, #tpu.memory_space<vmem>>
      %dma_wait3A_694 = arith.constant 0 : i32
      %dma_wait3A_695 = tpu.memref_slice %arg6[%add3A_690, %dma_wait3A_694] : memref<50x128xi32, #tpu.memory_space<vmem>> -> memref<1x128xi32, #tpu.memory_space<vmem>>
      %dma_wait3A_696 = tpu.memref_squeeze %dma_wait3A_695 : memref<1x128xi32, #tpu.memory_space<vmem>> -> memref<128xi32, #tpu.memory_space<vmem>>
      %dma_wait3A_697 = arith.constant 0 : i32
      %dma_wait3A_698 = arith.constant 0 : i32
      %dma_wait3A_699 = tpu.memref_slice %arg3[%dma_wait3A_697, %dma_wait3A_698] : memref<400128x32xf32, #tpu.memory_space<hbm>> -> memref<400128x32xf32, #tpu.memory_space<hbm>>
      tpu.wait_indirect_dma semaphore(%arg9 : memref<!tpu.dma_semaphore, #tpu.memory_space<semaphore_mem>>) src(%dma_wait3A_699 : memref<400128x32xf32, #tpu.memory_space<hbm>>) dst(%dma_wait3A_693 : memref<128x32xf32, #tpu.memory_space<vmem>>)
      %mul3A_700 = arith.constant 5 : i32
      %mul3A_701 = arith.muli %mul3A_581, %mul3A_700 : i32
      %add3A_702 = arith.constant 4 : i32
      %add3A_703 = arith.addi %mul3A_701, %add3A_702 : i32
      %dma_wait3A_704 = arith.constant 512 : i32
      %dma_wait3A_705 = arith.constant 0 : i32
      %dma_wait3A_706 = tpu.memref_slice %arg7[%dma_wait3A_704, %dma_wait3A_705] : memref<640x32xf32, #tpu.memory_space<vmem>> -> memref<128x32xf32, #tpu.memory_space<vmem>>
      %dma_wait3A_707 = arith.constant 0 : i32
      %dma_wait3A_708 = tpu.memref_slice %arg6[%add3A_703, %dma_wait3A_707] : memref<50x128xi32, #tpu.memory_space<vmem>> -> memref<1x128xi32, #tpu.memory_space<vmem>>
      %dma_wait3A_709 = tpu.memref_squeeze %dma_wait3A_708 : memref<1x128xi32, #tpu.memory_space<vmem>> -> memref<128xi32, #tpu.memory_space<vmem>>
      %dma_wait3A_710 = arith.constant 0 : i32
      %dma_wait3A_711 = arith.constant 0 : i32
      %dma_wait3A_712 = tpu.memref_slice %arg3[%dma_wait3A_710, %dma_wait3A_711] : memref<400128x32xf32, #tpu.memory_space<hbm>> -> memref<400128x32xf32, #tpu.memory_space<hbm>>
      tpu.wait_indirect_dma semaphore(%arg9 : memref<!tpu.dma_semaphore, #tpu.memory_space<semaphore_mem>>) src(%dma_wait3A_712 : memref<400128x32xf32, #tpu.memory_space<hbm>>) dst(%dma_wait3A_706 : memref<128x32xf32, #tpu.memory_space<vmem>>)
      %mul3A_713 = arith.constant 640 : i32
      %mul3A_714 = arith.muli %mul3A_581, %mul3A_713 : i32
      %add3A_715 = arith.addi %mul3A_22, %mul3A_714 : i32
      "tpu.region"() ({
        %run_scoped3A = tpu.sem_alloc : memref<!tpu.dma_semaphore, #tpu.memory_space<semaphore_mem>>
        %dma_start3A_791 = arith.constant 0 : i32
        %dma_start3A_792 = tpu.memref_slice %arg4[%add3A_715, %dma_start3A_791] : memref<204800x32xf32, #tpu.memory_space<hbm>> -> memref<640x32xf32, #tpu.memory_space<hbm>>
        %dma_start3A_793 = arith.constant 0 : i32
        %dma_start3A_794 = tpu.memref_slice %arg4[%add3A_715, %dma_start3A_793] : memref<204800x32xf32, #tpu.memory_space<hbm>> -> memref<640x32xf32, #tpu.memory_space<hbm>>
        tpu.enqueue_dma source(%arg7 : memref<640x32xf32, #tpu.memory_space<vmem>>) target(%dma_start3A_794 : memref<640x32xf32, #tpu.memory_space<hbm>>) target_semaphore(%run_scoped3A : memref<!tpu.dma_semaphore, #tpu.memory_space<semaphore_mem>>)
        %dma_wait3A_795 = arith.constant 0 : i32
        %dma_wait3A_796 = tpu.memref_slice %arg4[%add3A_715, %dma_wait3A_795] : memref<204800x32xf32, #tpu.memory_space<hbm>> -> memref<640x32xf32, #tpu.memory_space<hbm>>
        %dma_wait3A_797 = arith.constant 0 : i32
        %dma_wait3A_798 = tpu.memref_slice %arg4[%add3A_715, %dma_wait3A_797] : memref<204800x32xf32, #tpu.memory_space<hbm>> -> memref<640x32xf32, #tpu.memory_space<hbm>>
        tpu.wait_dma2 semaphore(%run_scoped3A : memref<!tpu.dma_semaphore, #tpu.memory_space<semaphore_mem>>) src(%arg7 : memref<640x32xf32, #tpu.memory_space<vmem>>) dst(%dma_wait3A_798 : memref<640x32xf32, #tpu.memory_space<hbm>>)
        tpu.yield
      }) : () -> ()
      %add3A_716 = arith.constant 2 : i32
      %add3A_717 = arith.addi %mul3A_581, %add3A_716 : i32
      %lt3A_718 = arith.constant 10 : i32
      %lt3A_719 = arith.cmpi slt, %add3A_717, %lt3A_718 : i32
      %convert_element_type3A = arith.extui %lt3A_719 : i1 to i32
      %cond3A = arith.constant 0 : i32
      %cond3A_720 = arith.cmpi ne, %convert_element_type3A, %cond3A : i32
      scf.if %cond3A_720 {
        %add3A_791 = arith.constant 2 : i32
        %add3A_792 = arith.addi %mul3A_581, %add3A_791 : i32
        %mul3A_793 = arith.constant 5 : i32
        %mul3A_794 = arith.muli %add3A_792, %mul3A_793 : i32
        %add3A_795 = arith.constant 0 : i32
        %add3A_796 = arith.addi %mul3A_794, %add3A_795 : i32
        %dma_start3A_797 = arith.constant 0 : i32
        %dma_start3A_798 = arith.constant 0 : i32
        %dma_start3A_799 = tpu.memref_slice %arg7[%dma_start3A_797, %dma_start3A_798] : memref<640x32xf32, #tpu.memory_space<vmem>> -> memref<128x32xf32, #tpu.memory_space<vmem>>
        %dma_start3A_800 = arith.constant 0 : i32
        %dma_start3A_801 = tpu.memref_slice %arg6[%add3A_796, %dma_start3A_800] : memref<50x128xi32, #tpu.memory_space<vmem>> -> memref<1x128xi32, #tpu.memory_space<vmem>>
        %dma_start3A_802 = tpu.memref_squeeze %dma_start3A_801 : memref<1x128xi32, #tpu.memory_space<vmem>> -> memref<128xi32, #tpu.memory_space<vmem>>
        %dma_start3A_803 = arith.constant 0 : i32
        %dma_start3A_804 = arith.constant 0 : i32
        %dma_start3A_805 = tpu.memref_slice %arg3[%dma_start3A_803, %dma_start3A_804] : memref<400128x32xf32, #tpu.memory_space<hbm>> -> memref<400128x32xf32, #tpu.memory_space<hbm>>
        tpu.enqueue_indirect_dma source(%dma_start3A_805 : memref<400128x32xf32, #tpu.memory_space<hbm>>) target(%dma_start3A_799 : memref<128x32xf32, #tpu.memory_space<vmem>>) offsets(%dma_start3A_802 : memref<128xi32, #tpu.memory_space<vmem>>) semaphore(%arg9 : memref<!tpu.dma_semaphore, #tpu.memory_space<semaphore_mem>>)
        %mul3A_806 = arith.constant 5 : i32
        %mul3A_807 = arith.muli %add3A_792, %mul3A_806 : i32
        %add3A_808 = arith.constant 1 : i32
        %add3A_809 = arith.addi %mul3A_807, %add3A_808 : i32
        %dma_start3A_810 = arith.constant 128 : i32
        %dma_start3A_811 = arith.constant 0 : i32
        %dma_start3A_812 = tpu.memref_slice %arg7[%dma_start3A_810, %dma_start3A_811] : memref<640x32xf32, #tpu.memory_space<vmem>> -> memref<128x32xf32, #tpu.memory_space<vmem>>
        %dma_start3A_813 = arith.constant 0 : i32
        %dma_start3A_814 = tpu.memref_slice %arg6[%add3A_809, %dma_start3A_813] : memref<50x128xi32, #tpu.memory_space<vmem>> -> memref<1x128xi32, #tpu.memory_space<vmem>>
        %dma_start3A_815 = tpu.memref_squeeze %dma_start3A_814 : memref<1x128xi32, #tpu.memory_space<vmem>> -> memref<128xi32, #tpu.memory_space<vmem>>
        %dma_start3A_816 = arith.constant 0 : i32
        %dma_start3A_817 = arith.constant 0 : i32
        %dma_start3A_818 = tpu.memref_slice %arg3[%dma_start3A_816, %dma_start3A_817] : memref<400128x32xf32, #tpu.memory_space<hbm>> -> memref<400128x32xf32, #tpu.memory_space<hbm>>
        tpu.enqueue_indirect_dma source(%dma_start3A_818 : memref<400128x32xf32, #tpu.memory_space<hbm>>) target(%dma_start3A_812 : memref<128x32xf32, #tpu.memory_space<vmem>>) offsets(%dma_start3A_815 : memref<128xi32, #tpu.memory_space<vmem>>) semaphore(%arg9 : memref<!tpu.dma_semaphore, #tpu.memory_space<semaphore_mem>>)
        %mul3A_819 = arith.constant 5 : i32
        %mul3A_820 = arith.muli %add3A_792, %mul3A_819 : i32
        %add3A_821 = arith.constant 2 : i32
        %add3A_822 = arith.addi %mul3A_820, %add3A_821 : i32
        %dma_start3A_823 = arith.constant 256 : i32
        %dma_start3A_824 = arith.constant 0 : i32
        %dma_start3A_825 = tpu.memref_slice %arg7[%dma_start3A_823, %dma_start3A_824] : memref<640x32xf32, #tpu.memory_space<vmem>> -> memref<128x32xf32, #tpu.memory_space<vmem>>
        %dma_start3A_826 = arith.constant 0 : i32
        %dma_start3A_827 = tpu.memref_slice %arg6[%add3A_822, %dma_start3A_826] : memref<50x128xi32, #tpu.memory_space<vmem>> -> memref<1x128xi32, #tpu.memory_space<vmem>>
        %dma_start3A_828 = tpu.memref_squeeze %dma_start3A_827 : memref<1x128xi32, #tpu.memory_space<vmem>> -> memref<128xi32, #tpu.memory_space<vmem>>
        %dma_start3A_829 = arith.constant 0 : i32
        %dma_start3A_830 = arith.constant 0 : i32
        %dma_start3A_831 = tpu.memref_slice %arg3[%dma_start3A_829, %dma_start3A_830] : memref<400128x32xf32, #tpu.memory_space<hbm>> -> memref<400128x32xf32, #tpu.memory_space<hbm>>
        tpu.enqueue_indirect_dma source(%dma_start3A_831 : memref<400128x32xf32, #tpu.memory_space<hbm>>) target(%dma_start3A_825 : memref<128x32xf32, #tpu.memory_space<vmem>>) offsets(%dma_start3A_828 : memref<128xi32, #tpu.memory_space<vmem>>) semaphore(%arg9 : memref<!tpu.dma_semaphore, #tpu.memory_space<semaphore_mem>>)
        %mul3A_832 = arith.constant 5 : i32
        %mul3A_833 = arith.muli %add3A_792, %mul3A_832 : i32
        %add3A_834 = arith.constant 3 : i32
        %add3A_835 = arith.addi %mul3A_833, %add3A_834 : i32
        %dma_start3A_836 = arith.constant 384 : i32
        %dma_start3A_837 = arith.constant 0 : i32
        %dma_start3A_838 = tpu.memref_slice %arg7[%dma_start3A_836, %dma_start3A_837] : memref<640x32xf32, #tpu.memory_space<vmem>> -> memref<128x32xf32, #tpu.memory_space<vmem>>
        %dma_start3A_839 = arith.constant 0 : i32
        %dma_start3A_840 = tpu.memref_slice %arg6[%add3A_835, %dma_start3A_839] : memref<50x128xi32, #tpu.memory_space<vmem>> -> memref<1x128xi32, #tpu.memory_space<vmem>>
        %dma_start3A_841 = tpu.memref_squeeze %dma_start3A_840 : memref<1x128xi32, #tpu.memory_space<vmem>> -> memref<128xi32, #tpu.memory_space<vmem>>
        %dma_start3A_842 = arith.constant 0 : i32
        %dma_start3A_843 = arith.constant 0 : i32
        %dma_start3A_844 = tpu.memref_slice %arg3[%dma_start3A_842, %dma_start3A_843] : memref<400128x32xf32, #tpu.memory_space<hbm>> -> memref<400128x32xf32, #tpu.memory_space<hbm>>
        tpu.enqueue_indirect_dma source(%dma_start3A_844 : memref<400128x32xf32, #tpu.memory_space<hbm>>) target(%dma_start3A_838 : memref<128x32xf32, #tpu.memory_space<vmem>>) offsets(%dma_start3A_841 : memref<128xi32, #tpu.memory_space<vmem>>) semaphore(%arg9 : memref<!tpu.dma_semaphore, #tpu.memory_space<semaphore_mem>>)
        %mul3A_845 = arith.constant 5 : i32
        %mul3A_846 = arith.muli %add3A_792, %mul3A_845 : i32
        %add3A_847 = arith.constant 4 : i32
        %add3A_848 = arith.addi %mul3A_846, %add3A_847 : i32
        %dma_start3A_849 = arith.constant 512 : i32
        %dma_start3A_850 = arith.constant 0 : i32
        %dma_start3A_851 = tpu.memref_slice %arg7[%dma_start3A_849, %dma_start3A_850] : memref<640x32xf32, #tpu.memory_space<vmem>> -> memref<128x32xf32, #tpu.memory_space<vmem>>
        %dma_start3A_852 = arith.constant 0 : i32
        %dma_start3A_853 = tpu.memref_slice %arg6[%add3A_848, %dma_start3A_852] : memref<50x128xi32, #tpu.memory_space<vmem>> -> memref<1x128xi32, #tpu.memory_space<vmem>>
        %dma_start3A_854 = tpu.memref_squeeze %dma_start3A_853 : memref<1x128xi32, #tpu.memory_space<vmem>> -> memref<128xi32, #tpu.memory_space<vmem>>
        %dma_start3A_855 = arith.constant 0 : i32
        %dma_start3A_856 = arith.constant 0 : i32
        %dma_start3A_857 = tpu.memref_slice %arg3[%dma_start3A_855, %dma_start3A_856] : memref<400128x32xf32, #tpu.memory_space<hbm>> -> memref<400128x32xf32, #tpu.memory_space<hbm>>
        tpu.enqueue_indirect_dma source(%dma_start3A_857 : memref<400128x32xf32, #tpu.memory_space<hbm>>) target(%dma_start3A_851 : memref<128x32xf32, #tpu.memory_space<vmem>>) offsets(%dma_start3A_854 : memref<128xi32, #tpu.memory_space<vmem>>) semaphore(%arg9 : memref<!tpu.dma_semaphore, #tpu.memory_space<semaphore_mem>>)
      } else {
      }
      %add3A_721 = arith.constant 1 : i32
      %add3A_722 = arith.addi %mul3A_581, %add3A_721 : i32
      %mul3A_723 = arith.constant 5 : i32
      %mul3A_724 = arith.muli %add3A_722, %mul3A_723 : i32
      %add3A_725 = arith.constant 0 : i32
      %add3A_726 = arith.addi %mul3A_724, %add3A_725 : i32
      %dma_wait3A_727 = arith.constant 0 : i32
      %dma_wait3A_728 = arith.constant 0 : i32
      %dma_wait3A_729 = tpu.memref_slice %arg8[%dma_wait3A_727, %dma_wait3A_728] : memref<640x32xf32, #tpu.memory_space<vmem>> -> memref<128x32xf32, #tpu.memory_space<vmem>>
      %dma_wait3A_730 = arith.constant 0 : i32
      %dma_wait3A_731 = tpu.memref_slice %arg6[%add3A_726, %dma_wait3A_730] : memref<50x128xi32, #tpu.memory_space<vmem>> -> memref<1x128xi32, #tpu.memory_space<vmem>>
      %dma_wait3A_732 = tpu.memref_squeeze %dma_wait3A_731 : memref<1x128xi32, #tpu.memory_space<vmem>> -> memref<128xi32, #tpu.memory_space<vmem>>
      %dma_wait3A_733 = arith.constant 0 : i32
      %dma_wait3A_734 = arith.constant 0 : i32
      %dma_wait3A_735 = tpu.memref_slice %arg3[%dma_wait3A_733, %dma_wait3A_734] : memref<400128x32xf32, #tpu.memory_space<hbm>> -> memref<400128x32xf32, #tpu.memory_space<hbm>>
      tpu.wait_indirect_dma semaphore(%arg10 : memref<!tpu.dma_semaphore, #tpu.memory_space<semaphore_mem>>) src(%dma_wait3A_735 : memref<400128x32xf32, #tpu.memory_space<hbm>>) dst(%dma_wait3A_729 : memref<128x32xf32, #tpu.memory_space<vmem>>)
      %mul3A_736 = arith.constant 5 : i32
      %mul3A_737 = arith.muli %add3A_722, %mul3A_736 : i32
      %add3A_738 = arith.constant 1 : i32
      %add3A_739 = arith.addi %mul3A_737, %add3A_738 : i32
      %dma_wait3A_740 = arith.constant 128 : i32
      %dma_wait3A_741 = arith.constant 0 : i32
      %dma_wait3A_742 = tpu.memref_slice %arg8[%dma_wait3A_740, %dma_wait3A_741] : memref<640x32xf32, #tpu.memory_space<vmem>> -> memref<128x32xf32, #tpu.memory_space<vmem>>
      %dma_wait3A_743 = arith.constant 0 : i32
      %dma_wait3A_744 = tpu.memref_slice %arg6[%add3A_739, %dma_wait3A_743] : memref<50x128xi32, #tpu.memory_space<vmem>> -> memref<1x128xi32, #tpu.memory_space<vmem>>
      %dma_wait3A_745 = tpu.memref_squeeze %dma_wait3A_744 : memref<1x128xi32, #tpu.memory_space<vmem>> -> memref<128xi32, #tpu.memory_space<vmem>>
      %dma_wait3A_746 = arith.constant 0 : i32
      %dma_wait3A_747 = arith.constant 0 : i32
      %dma_wait3A_748 = tpu.memref_slice %arg3[%dma_wait3A_746, %dma_wait3A_747] : memref<400128x32xf32, #tpu.memory_space<hbm>> -> memref<400128x32xf32, #tpu.memory_space<hbm>>
      tpu.wait_indirect_dma semaphore(%arg10 : memref<!tpu.dma_semaphore, #tpu.memory_space<semaphore_mem>>) src(%dma_wait3A_748 : memref<400128x32xf32, #tpu.memory_space<hbm>>) dst(%dma_wait3A_742 : memref<128x32xf32, #tpu.memory_space<vmem>>)
      %mul3A_749 = arith.constant 5 : i32
      %mul3A_750 = arith.muli %add3A_722, %mul3A_749 : i32
      %add3A_751 = arith.constant 2 : i32
      %add3A_752 = arith.addi %mul3A_750, %add3A_751 : i32
      %dma_wait3A_753 = arith.constant 256 : i32
      %dma_wait3A_754 = arith.constant 0 : i32
      %dma_wait3A_755 = tpu.memref_slice %arg8[%dma_wait3A_753, %dma_wait3A_754] : memref<640x32xf32, #tpu.memory_space<vmem>> -> memref<128x32xf32, #tpu.memory_space<vmem>>
      %dma_wait3A_756 = arith.constant 0 : i32
      %dma_wait3A_757 = tpu.memref_slice %arg6[%add3A_752, %dma_wait3A_756] : memref<50x128xi32, #tpu.memory_space<vmem>> -> memref<1x128xi32, #tpu.memory_space<vmem>>
      %dma_wait3A_758 = tpu.memref_squeeze %dma_wait3A_757 : memref<1x128xi32, #tpu.memory_space<vmem>> -> memref<128xi32, #tpu.memory_space<vmem>>
      %dma_wait3A_759 = arith.constant 0 : i32
      %dma_wait3A_760 = arith.constant 0 : i32
      %dma_wait3A_761 = tpu.memref_slice %arg3[%dma_wait3A_759, %dma_wait3A_760] : memref<400128x32xf32, #tpu.memory_space<hbm>> -> memref<400128x32xf32, #tpu.memory_space<hbm>>
      tpu.wait_indirect_dma semaphore(%arg10 : memref<!tpu.dma_semaphore, #tpu.memory_space<semaphore_mem>>) src(%dma_wait3A_761 : memref<400128x32xf32, #tpu.memory_space<hbm>>) dst(%dma_wait3A_755 : memref<128x32xf32, #tpu.memory_space<vmem>>)
      %mul3A_762 = arith.constant 5 : i32
      %mul3A_763 = arith.muli %add3A_722, %mul3A_762 : i32
      %add3A_764 = arith.constant 3 : i32
      %add3A_765 = arith.addi %mul3A_763, %add3A_764 : i32
      %dma_wait3A_766 = arith.constant 384 : i32
      %dma_wait3A_767 = arith.constant 0 : i32
      %dma_wait3A_768 = tpu.memref_slice %arg8[%dma_wait3A_766, %dma_wait3A_767] : memref<640x32xf32, #tpu.memory_space<vmem>> -> memref<128x32xf32, #tpu.memory_space<vmem>>
      %dma_wait3A_769 = arith.constant 0 : i32
      %dma_wait3A_770 = tpu.memref_slice %arg6[%add3A_765, %dma_wait3A_769] : memref<50x128xi32, #tpu.memory_space<vmem>> -> memref<1x128xi32, #tpu.memory_space<vmem>>
      %dma_wait3A_771 = tpu.memref_squeeze %dma_wait3A_770 : memref<1x128xi32, #tpu.memory_space<vmem>> -> memref<128xi32, #tpu.memory_space<vmem>>
      %dma_wait3A_772 = arith.constant 0 : i32
      %dma_wait3A_773 = arith.constant 0 : i32
      %dma_wait3A_774 = tpu.memref_slice %arg3[%dma_wait3A_772, %dma_wait3A_773] : memref<400128x32xf32, #tpu.memory_space<hbm>> -> memref<400128x32xf32, #tpu.memory_space<hbm>>
      tpu.wait_indirect_dma semaphore(%arg10 : memref<!tpu.dma_semaphore, #tpu.memory_space<semaphore_mem>>) src(%dma_wait3A_774 : memref<400128x32xf32, #tpu.memory_space<hbm>>) dst(%dma_wait3A_768 : memref<128x32xf32, #tpu.memory_space<vmem>>)
      %mul3A_775 = arith.constant 5 : i32
      %mul3A_776 = arith.muli %add3A_722, %mul3A_775 : i32
      %add3A_777 = arith.constant 4 : i32
      %add3A_778 = arith.addi %mul3A_776, %add3A_777 : i32
      %dma_wait3A_779 = arith.constant 512 : i32
      %dma_wait3A_780 = arith.constant 0 : i32
      %dma_wait3A_781 = tpu.memref_slice %arg8[%dma_wait3A_779, %dma_wait3A_780] : memref<640x32xf32, #tpu.memory_space<vmem>> -> memref<128x32xf32, #tpu.memory_space<vmem>>
      %dma_wait3A_782 = arith.constant 0 : i32
      %dma_wait3A_783 = tpu.memref_slice %arg6[%add3A_778, %dma_wait3A_782] : memref<50x128xi32, #tpu.memory_space<vmem>> -> memref<1x128xi32, #tpu.memory_space<vmem>>
      %dma_wait3A_784 = tpu.memref_squeeze %dma_wait3A_783 : memref<1x128xi32, #tpu.memory_space<vmem>> -> memref<128xi32, #tpu.memory_space<vmem>>
      %dma_wait3A_785 = arith.constant 0 : i32
      %dma_wait3A_786 = arith.constant 0 : i32
      %dma_wait3A_787 = tpu.memref_slice %arg3[%dma_wait3A_785, %dma_wait3A_786] : memref<400128x32xf32, #tpu.memory_space<hbm>> -> memref<400128x32xf32, #tpu.memory_space<hbm>>
      tpu.wait_indirect_dma semaphore(%arg10 : memref<!tpu.dma_semaphore, #tpu.memory_space<semaphore_mem>>) src(%dma_wait3A_787 : memref<400128x32xf32, #tpu.memory_space<hbm>>) dst(%dma_wait3A_781 : memref<128x32xf32, #tpu.memory_space<vmem>>)
      %mul3A_788 = arith.constant 640 : i32
      %mul3A_789 = arith.muli %add3A_722, %mul3A_788 : i32
      %add3A_790 = arith.addi %mul3A_22, %mul3A_789 : i32
      "tpu.region"() ({
        %run_scoped3A = tpu.sem_alloc : memref<!tpu.dma_semaphore, #tpu.memory_space<semaphore_mem>>
        %dma_start3A_791 = arith.constant 0 : i32
        %dma_start3A_792 = tpu.memref_slice %arg4[%add3A_790, %dma_start3A_791] : memref<204800x32xf32, #tpu.memory_space<hbm>> -> memref<640x32xf32, #tpu.memory_space<hbm>>
        %dma_start3A_793 = arith.constant 0 : i32
        %dma_start3A_794 = tpu.memref_slice %arg4[%add3A_790, %dma_start3A_793] : memref<204800x32xf32, #tpu.memory_space<hbm>> -> memref<640x32xf32, #tpu.memory_space<hbm>>
        tpu.enqueue_dma source(%arg8 : memref<640x32xf32, #tpu.memory_space<vmem>>) target(%dma_start3A_794 : memref<640x32xf32, #tpu.memory_space<hbm>>) target_semaphore(%run_scoped3A : memref<!tpu.dma_semaphore, #tpu.memory_space<semaphore_mem>>)
        %dma_wait3A_795 = arith.constant 0 : i32
        %dma_wait3A_796 = tpu.memref_slice %arg4[%add3A_790, %dma_wait3A_795] : memref<204800x32xf32, #tpu.memory_space<hbm>> -> memref<640x32xf32, #tpu.memory_space<hbm>>
        %dma_wait3A_797 = arith.constant 0 : i32
        %dma_wait3A_798 = tpu.memref_slice %arg4[%add3A_790, %dma_wait3A_797] : memref<204800x32xf32, #tpu.memory_space<hbm>> -> memref<640x32xf32, #tpu.memory_space<hbm>>
        tpu.wait_dma2 semaphore(%run_scoped3A : memref<!tpu.dma_semaphore, #tpu.memory_space<semaphore_mem>>) src(%arg8 : memref<640x32xf32, #tpu.memory_space<vmem>>) dst(%dma_wait3A_798 : memref<640x32xf32, #tpu.memory_space<hbm>>)
        tpu.yield
      }) : () -> ()
    }
    %scan3A_578 = arith.constant 5 : i32
    return
  }
}

module attributes {stable_mosaic.version = 14 : i64} {
  func.func @_mm_body(%arg0: i32, %arg1: memref<3200x128xf32, #tpu.memory_space<vmem>>, %arg2: memref<32x128xf32, #tpu.memory_space<vmem>>, %arg3: memref<100x128x128xf32, #tpu.memory_space<vmem>>) attributes {dimension_semantics = [#tpu.dimension_semantics<arbitrary>], iteration_bounds = array<i64: 16>, scalar_prefetch = 0 : i64, scratch_operands = 0 : i64, tpu.core_type = #tpu.core_type<tc>, window_params = [{transform_indices = @transform_0, window_bounds = array<i64: 3200, 128>}, {pipeline_mode = #tpu.pipeline_mode<synchronous>, transform_indices = @transform_1, window_bounds = array<i64: 32, 128>}, {transform_indices = @transform_2, window_bounds = array<i64: 100, 128, 128>}]} {
    %get3A = arith.constant 0 : index
    %get3A_0 = arith.constant 0 : index
    %get3A_1 = vector.load %arg1[%get3A, %get3A_0] : memref<3200x128xf32, #tpu.memory_space<vmem>>, vector<3200x32xf32>
    %get3A_2 = arith.constant 0 : index
    %get3A_3 = arith.constant 0 : index
    %get3A_4 = vector.load %arg2[%get3A_2, %get3A_3] : memref<32x128xf32, #tpu.memory_space<vmem>>, vector<32x128xf32>
    %dot_general3A = arith.constant dense<0.000000e+00> : vector<3200x128xf32>
    %dot_general3A_5 = tpu.matmul %get3A_1, %get3A_4, %dot_general3A {dimension_numbers = #tpu.dot_dimension_numbers<[1], [0], [0], [1], [0, 0, 1, 1], [], []>, transpose_lhs_hint = false} : vector<3200x32xf32>, vector<32x128xf32>, vector<3200x128xf32> -> vector<3200x128xf32>
    %reshape3A = vector.shape_cast %dot_general3A_5 : vector<3200x128xf32> to vector<100x32x128xf32>
    %swap3A = arith.constant 0 : index
    %swap3A_6 = arith.constant 0 : index
    %swap3A_7 = arith.constant 0 : index
    %swap3A_8 = vector.load %arg3[%swap3A, %swap3A_6, %swap3A_7] : memref<100x128x128xf32, #tpu.memory_space<vmem>>, vector<100x32x128xf32>
    tpu.vector_store %arg3[%swap3A, %swap3A_6, %swap3A_7], %reshape3A {strides = array<i32>} : memref<100x128x128xf32, #tpu.memory_space<vmem>>, vector<100x32x128xf32>,
    %get3A_9 = arith.constant 0 : index
    %get3A_10 = arith.constant 32 : index
    %get3A_11 = vector.load %arg1[%get3A_9, %get3A_10] : memref<3200x128xf32, #tpu.memory_space<vmem>>, vector<3200x32xf32>
    %get3A_12 = arith.constant 0 : index
    %get3A_13 = arith.constant 0 : index
    %get3A_14 = vector.load %arg2[%get3A_12, %get3A_13] : memref<32x128xf32, #tpu.memory_space<vmem>>, vector<32x128xf32>
    %dot_general3A_15 = arith.constant dense<0.000000e+00> : vector<3200x128xf32>
    %dot_general3A_16 = tpu.matmul %get3A_11, %get3A_14, %dot_general3A_15 {dimension_numbers = #tpu.dot_dimension_numbers<[1], [0], [0], [1], [0, 0, 1, 1], [], []>, transpose_lhs_hint = false} : vector<3200x32xf32>, vector<32x128xf32>, vector<3200x128xf32> -> vector<3200x128xf32>
    %reshape3A_17 = vector.shape_cast %dot_general3A_16 : vector<3200x128xf32> to vector<100x32x128xf32>
    %swap3A_18 = arith.constant 0 : index
    %swap3A_19 = arith.constant 32 : index
    %swap3A_20 = arith.constant 0 : index
    %swap3A_21 = vector.load %arg3[%swap3A_18, %swap3A_19, %swap3A_20] : memref<100x128x128xf32, #tpu.memory_space<vmem>>, vector<100x32x128xf32>
    tpu.vector_store %arg3[%swap3A_18, %swap3A_19, %swap3A_20], %reshape3A_17 {strides = array<i32>} : memref<100x128x128xf32, #tpu.memory_space<vmem>>, vector<100x32x128xf32>,
    %get3A_22 = arith.constant 0 : index
    %get3A_23 = arith.constant 64 : index
    %get3A_24 = vector.load %arg1[%get3A_22, %get3A_23] : memref<3200x128xf32, #tpu.memory_space<vmem>>, vector<3200x32xf32>
    %get3A_25 = arith.constant 0 : index
    %get3A_26 = arith.constant 0 : index
    %get3A_27 = vector.load %arg2[%get3A_25, %get3A_26] : memref<32x128xf32, #tpu.memory_space<vmem>>, vector<32x128xf32>
    %dot_general3A_28 = arith.constant dense<0.000000e+00> : vector<3200x128xf32>
    %dot_general3A_29 = tpu.matmul %get3A_24, %get3A_27, %dot_general3A_28 {dimension_numbers = #tpu.dot_dimension_numbers<[1], [0], [0], [1], [0, 0, 1, 1], [], []>, transpose_lhs_hint = false} : vector<3200x32xf32>, vector<32x128xf32>, vector<3200x128xf32> -> vector<3200x128xf32>
    %reshape3A_30 = vector.shape_cast %dot_general3A_29 : vector<3200x128xf32> to vector<100x32x128xf32>
    %swap3A_31 = arith.constant 0 : index
    %swap3A_32 = arith.constant 64 : index
    %swap3A_33 = arith.constant 0 : index
    %swap3A_34 = vector.load %arg3[%swap3A_31, %swap3A_32, %swap3A_33] : memref<100x128x128xf32, #tpu.memory_space<vmem>>, vector<100x32x128xf32>
    tpu.vector_store %arg3[%swap3A_31, %swap3A_32, %swap3A_33], %reshape3A_30 {strides = array<i32>} : memref<100x128x128xf32, #tpu.memory_space<vmem>>, vector<100x32x128xf32>,
    %get3A_35 = arith.constant 0 : index
    %get3A_36 = arith.constant 96 : index
    %get3A_37 = vector.load %arg1[%get3A_35, %get3A_36] : memref<3200x128xf32, #tpu.memory_space<vmem>>, vector<3200x32xf32>
    %get3A_38 = arith.constant 0 : index
    %get3A_39 = arith.constant 0 : index
    %get3A_40 = vector.load %arg2[%get3A_38, %get3A_39] : memref<32x128xf32, #tpu.memory_space<vmem>>, vector<32x128xf32>
    %dot_general3A_41 = arith.constant dense<0.000000e+00> : vector<3200x128xf32>
    %dot_general3A_42 = tpu.matmul %get3A_37, %get3A_40, %dot_general3A_41 {dimension_numbers = #tpu.dot_dimension_numbers<[1], [0], [0], [1], [0, 0, 1, 1], [], []>, transpose_lhs_hint = false} : vector<3200x32xf32>, vector<32x128xf32>, vector<3200x128xf32> -> vector<3200x128xf32>
    %reshape3A_43 = vector.shape_cast %dot_general3A_42 : vector<3200x128xf32> to vector<100x32x128xf32>
    %swap3A_44 = arith.constant 0 : index
    %swap3A_45 = arith.constant 96 : index
    %swap3A_46 = arith.constant 0 : index
    %swap3A_47 = vector.load %arg3[%swap3A_44, %swap3A_45, %swap3A_46] : memref<100x128x128xf32, #tpu.memory_space<vmem>>, vector<100x32x128xf32>
    tpu.vector_store %arg3[%swap3A_44, %swap3A_45, %swap3A_46], %reshape3A_43 {strides = array<i32>} : memref<100x128x128xf32, #tpu.memory_space<vmem>>, vector<100x32x128xf32>,
    return
  }
  func.func @transform_0(%arg0: i32) -> (i32, i32) {
    %c0_i32 = arith.constant 0 : i32
    %c0_i32_0 = arith.constant 0 : i32
    return %arg0, %c0_i32 : i32, i32
  }
  func.func @transform_1(%arg0: i32) -> (i32, i32) {
    %c0_i32 = arith.constant 0 : i32
    %c0_i32_0 = arith.constant 0 : i32
    %c0_i32_1 = arith.constant 0 : i32
    return %c0_i32, %c0_i32_0 : i32, i32
  }
  func.func @transform_2(%arg0: i32) -> (i32, i32, i32) {
    %add3A = arith.constant 0 : i32
    %add3A_0 = arith.addi %arg0, %add3A : i32
    %c0_i32 = arith.constant 0 : i32
    %c0_i32_1 = arith.constant 0 : i32
    %c0_i32_2 = arith.constant 0 : i32
    return %c0_i32, %add3A_0, %c0_i32_1 : i32, i32, i32
  }
}

module attributes {stable_mosaic.version = 14 : i64} {
  func.func @_mm_body_alias(%arg0: i32, %arg1: memref<3200x128xf32, #tpu.memory_space<vmem>>, %arg2: memref<32x128xf32, #tpu.memory_space<vmem>>, %arg3: memref<100x4096x128xf32, #tpu.memory_space<any>>, %arg4: memref<100x128x128xf32, #tpu.memory_space<vmem>>) attributes {dimension_semantics = [#tpu.dimension_semantics<arbitrary>], iteration_bounds = array<i64: 16>, scalar_prefetch = 0 : i64, scratch_operands = 0 : i64, tpu.core_type = #tpu.core_type<tc>, window_params = [{transform_indices = @transform_0, window_bounds = array<i64: 3200, 128>}, {pipeline_mode = #tpu.pipeline_mode<synchronous>, transform_indices = @transform_1, window_bounds = array<i64: 32, 128>}, {}, {transform_indices = @transform_3, window_bounds = array<i64: 100, 128, 128>}]} {
    %get3A = arith.constant 0 : index
    %get3A_0 = arith.constant 0 : index
    %get3A_1 = vector.load %arg1[%get3A, %get3A_0] : memref<3200x128xf32, #tpu.memory_space<vmem>>, vector<3200x32xf32>
    %get3A_2 = arith.constant 0 : index
    %get3A_3 = arith.constant 0 : index
    %get3A_4 = vector.load %arg2[%get3A_2, %get3A_3] : memref<32x128xf32, #tpu.memory_space<vmem>>, vector<32x128xf32>
    %dot_general3A = arith.constant dense<0.000000e+00> : vector<3200x128xf32>
    %dot_general3A_5 = tpu.matmul %get3A_1, %get3A_4, %dot_general3A {dimension_numbers = #tpu.dot_dimension_numbers<[1], [0], [0], [1], [0, 0, 1, 1], [], []>, transpose_lhs_hint = false} : vector<3200x32xf32>, vector<32x128xf32>, vector<3200x128xf32> -> vector<3200x128xf32>
    %reshape3A = vector.shape_cast %dot_general3A_5 : vector<3200x128xf32> to vector<100x32x128xf32>
    %swap3A = arith.constant 0 : index
    %swap3A_6 = arith.constant 0 : index
    %swap3A_7 = arith.constant 0 : index
    %swap3A_8 = vector.load %arg4[%swap3A, %swap3A_6, %swap3A_7] : memref<100x128x128xf32, #tpu.memory_space<vmem>>, vector<100x32x128xf32>
    tpu.vector_store %arg4[%swap3A, %swap3A_6, %swap3A_7], %reshape3A {strides = array<i32>} : memref<100x128x128xf32, #tpu.memory_space<vmem>>, vector<100x32x128xf32>,
    %get3A_9 = arith.constant 0 : index
    %get3A_10 = arith.constant 32 : index
    %get3A_11 = vector.load %arg1[%get3A_9, %get3A_10] : memref<3200x128xf32, #tpu.memory_space<vmem>>, vector<3200x32xf32>
    %get3A_12 = arith.constant 0 : index
    %get3A_13 = arith.constant 0 : index
    %get3A_14 = vector.load %arg2[%get3A_12, %get3A_13] : memref<32x128xf32, #tpu.memory_space<vmem>>, vector<32x128xf32>
    %dot_general3A_15 = arith.constant dense<0.000000e+00> : vector<3200x128xf32>
    %dot_general3A_16 = tpu.matmul %get3A_11, %get3A_14, %dot_general3A_15 {dimension_numbers = #tpu.dot_dimension_numbers<[1], [0], [0], [1], [0, 0, 1, 1], [], []>, transpose_lhs_hint = false} : vector<3200x32xf32>, vector<32x128xf32>, vector<3200x128xf32> -> vector<3200x128xf32>
    %reshape3A_17 = vector.shape_cast %dot_general3A_16 : vector<3200x128xf32> to vector<100x32x128xf32>
    %swap3A_18 = arith.constant 0 : index
    %swap3A_19 = arith.constant 32 : index
    %swap3A_20 = arith.constant 0 : index
    %swap3A_21 = vector.load %arg4[%swap3A_18, %swap3A_19, %swap3A_20] : memref<100x128x128xf32, #tpu.memory_space<vmem>>, vector<100x32x128xf32>
    tpu.vector_store %arg4[%swap3A_18, %swap3A_19, %swap3A_20], %reshape3A_17 {strides = array<i32>} : memref<100x128x128xf32, #tpu.memory_space<vmem>>, vector<100x32x128xf32>,
    %get3A_22 = arith.constant 0 : index
    %get3A_23 = arith.constant 64 : index
    %get3A_24 = vector.load %arg1[%get3A_22, %get3A_23] : memref<3200x128xf32, #tpu.memory_space<vmem>>, vector<3200x32xf32>
    %get3A_25 = arith.constant 0 : index
    %get3A_26 = arith.constant 0 : index
    %get3A_27 = vector.load %arg2[%get3A_25, %get3A_26] : memref<32x128xf32, #tpu.memory_space<vmem>>, vector<32x128xf32>
    %dot_general3A_28 = arith.constant dense<0.000000e+00> : vector<3200x128xf32>
    %dot_general3A_29 = tpu.matmul %get3A_24, %get3A_27, %dot_general3A_28 {dimension_numbers = #tpu.dot_dimension_numbers<[1], [0], [0], [1], [0, 0, 1, 1], [], []>, transpose_lhs_hint = false} : vector<3200x32xf32>, vector<32x128xf32>, vector<3200x128xf32> -> vector<3200x128xf32>
    %reshape3A_30 = vector.shape_cast %dot_general3A_29 : vector<3200x128xf32> to vector<100x32x128xf32>
    %swap3A_31 = arith.constant 0 : index
    %swap3A_32 = arith.constant 64 : index
    %swap3A_33 = arith.constant 0 : index
    %swap3A_34 = vector.load %arg4[%swap3A_31, %swap3A_32, %swap3A_33] : memref<100x128x128xf32, #tpu.memory_space<vmem>>, vector<100x32x128xf32>
    tpu.vector_store %arg4[%swap3A_31, %swap3A_32, %swap3A_33], %reshape3A_30 {strides = array<i32>} : memref<100x128x128xf32, #tpu.memory_space<vmem>>, vector<100x32x128xf32>,
    %get3A_35 = arith.constant 0 : index
    %get3A_36 = arith.constant 96 : index
    %get3A_37 = vector.load %arg1[%get3A_35, %get3A_36] : memref<3200x128xf32, #tpu.memory_space<vmem>>, vector<3200x32xf32>
    %get3A_38 = arith.constant 0 : index
    %get3A_39 = arith.constant 0 : index
    %get3A_40 = vector.load %arg2[%get3A_38, %get3A_39] : memref<32x128xf32, #tpu.memory_space<vmem>>, vector<32x128xf32>
    %dot_general3A_41 = arith.constant dense<0.000000e+00> : vector<3200x128xf32>
    %dot_general3A_42 = tpu.matmul %get3A_37, %get3A_40, %dot_general3A_41 {dimension_numbers = #tpu.dot_dimension_numbers<[1], [0], [0], [1], [0, 0, 1, 1], [], []>, transpose_lhs_hint = false} : vector<3200x32xf32>, vector<32x128xf32>, vector<3200x128xf32> -> vector<3200x128xf32>
    %reshape3A_43 = vector.shape_cast %dot_general3A_42 : vector<3200x128xf32> to vector<100x32x128xf32>
    %swap3A_44 = arith.constant 0 : index
    %swap3A_45 = arith.constant 96 : index
    %swap3A_46 = arith.constant 0 : index
    %swap3A_47 = vector.load %arg4[%swap3A_44, %swap3A_45, %swap3A_46] : memref<100x128x128xf32, #tpu.memory_space<vmem>>, vector<100x32x128xf32>
    tpu.vector_store %arg4[%swap3A_44, %swap3A_45, %swap3A_46], %reshape3A_43 {strides = array<i32>} : memref<100x128x128xf32, #tpu.memory_space<vmem>>, vector<100x32x128xf32>,
    return
  }
  func.func @transform_0(%arg0: i32) -> (i32, i32) {
    %c0_i32 = arith.constant 0 : i32
    %c0_i32_0 = arith.constant 0 : i32
    return %arg0, %c0_i32 : i32, i32
  }
  func.func @transform_1(%arg0: i32) -> (i32, i32) {
    %c0_i32 = arith.constant 0 : i32
    %c0_i32_0 = arith.constant 0 : i32
    %c0_i32_1 = arith.constant 0 : i32
    return %c0_i32, %c0_i32_0 : i32, i32
  }
  func.func @transform_3(%arg0: i32) -> (i32, i32, i32) {
    %add3A = arith.constant 16 : i32
    %add3A_0 = arith.addi %arg0, %add3A : i32
    %c0_i32 = arith.constant 0 : i32
    %c0_i32_1 = arith.constant 0 : i32
    %c0_i32_2 = arith.constant 0 : i32
    return %c0_i32, %add3A_0, %c0_i32_1 : i32, i32, i32
  }
}

</mosaic_0001>

<sc_bundles>
// kernel: kernel.6.cloned.1.call-start
scs
__scs_entry_jumppad:
0x0: {  	(pc) =	sbr.rel $0x88, $3  }
0x1: {  	(tag) =	ssettag $0x0;
	lr =	simm.s32 $0x1  }
0x2: {  	[smem:$0x3F9E] =	sst lr;
	_ =	strace $0xD0000000  }
0x3: {  	_ = 	snop  }
0x4: {  	_ = 	snop  }
0x5: {  	_ = 	snop  }
0x6: {  	_ = 	snop  }
0x7: {  	_ = 	snop  }
__scs_overlays_trampoline_lowered:
0x8: {  	[smem:$0x3FAD] =	sst s0  }
0x9: {  	[smem:$0x3FAE] =	sst s1  }
0xa: {  	[smem:$0x3FAF] =	sst s2  }
0xb: {  	[smem:$0x3FB0] =	sst s3  }
0xc: {  	[smem:$0x3FB1] =	sst s4  }
0xd: {  	[smem:$0x3FB2] =	sst s5  }
0xe: {  	[smem:$0x3FB3] =	sst s6  }
0xf: {  	[smem:$0x3FB4] =	sst s7  }
0x10: {  	[smem:$0x3FB5] =	sst s8  }
0x11: {  	[smem:$0x3FB6] =	sst s9;
	s0 =	simm.s32 @!p0 $0x0  }
0x12: {  	s1 =	sld [smem:$0x3F9C];
	s0 =	simm.s32 @p0 $0x1  }
0x13: {  	[smem:$0x3FB7] =	sst s0;
	s0 =	simm.s32 @!p1 $0x0  }
0x14: {  	s2 =	sld [smem:$0x3F9B];
	s0 =	simm.s32 @p1 $0x1  }
0x15: {  	[smem:$0x3FB8] =	sst s0;
	s0 =	simm.s32 @!p2 $0x0  }
0x16: {  	s3 =	sld [smem:$0x3FDB];
	s0 =	simm.s32 @p2 $0x1  }
0x17: {  	s4 =	simm.s32 $0x1BF5;
	[smem:$0x3FBA] =	sst s0  }
0x18: {  	s0 =	sld [smem:$0x3F9D];
	_ =	swait.ge [sflag:s4], $0x0  }
0x19: {  	s7 =	sld [smem:$0x3F9E]  }
0x1a: {  	s8 =	sadd.s32 $0xFFFFE003, lr  }
0x1b: {  	s9 =	sadd.s32 $0xFFFFFEF7, lr;
	s5 =	simm.s32 $0xFFFFFFFF;
	p2 =	slt.u32 s8, $0xFFFFF086  }
0x1c: {  	p1 =	slt.u32 s9, $0xF7A;
	s5 =	simm.s32 @!p2 $0x0  }
0x1d: {  	s5 =	simm.s32 @p1 $0x1;
	p0 =	seq.s32 s7, s2  }
0x1e: {  	s7 =	smul.u32 @!p0 $0xF7A, s2;
	p2 =	seq.s32 @!p0 s5, $0x0  }
0x1f: {  	s9 =	smul.u32 $0xF7A, s1;
	s8 =	simm.s32 @!p0 $0x1BF5;
	p2 =	por !p2, p0  }
0x20: {  	[sflag:s8] =	ssyncset.s32 @!p0 $0xFFFFF086;
	s6 =	sadd.s32 @!p0 s3, s7;
	s7 =	simm.s32 @!p0 $0x108  }
0x21: {  	s3 =	sadd.s32 s3, s9;
	s6 =	sadd.s32 @!p0 $0x88, s6;
	s7 =	simm.s32 @p2 $0x1082  }
0x22: {  	[simem:s7], [sflag:s8] =	dma.local @!p0 [hbm:s6], $0xF7A  }
0x23: {  	s9 =	sor.u32 $0xD0000000, s2;
	s6 =	simm.s32 $0x108;
	_ =	swait.ge @!p0 [sflag:s8], $0x0  }
0x24: {  	s3 =	sadd.s32 $0x88, s3;
	s6 =	simm.s32 @!p1 $0x1082;
	[sflag:s4] =	ssyncset.s32 $0xFFFFF086  }
0x25: {  	[simem:s6], [sflag:s4] =	dma.local [hbm:s3], $0xF7A  }
0x26: {  	[smem:$0x3F9E] =	sst s1;
	(tag) =	ssettag s2;
	_ =	strace s9  }
0x27: {  	s1 =	sld [smem:$0x3FAE]  }
0x28: {  	s2 =	sld [smem:$0x3FAF]  }
0x29: {  	s4 =	sld [smem:$0x3FB1]  }
0x2a: {  	p0 =	seq.s32 s5, $0x0;
	s5 =	sld [smem:$0x3FB2]  }
0x2b: {  	s6 =	sld [smem:$0x3FB3]  }
0x2c: {  	s7 =	sld [smem:$0x3FB4]  }
0x2d: {  	s3 =	simm.s32 $0x108;
	s8 =	sld [smem:$0x3FB5]  }
0x2e: {  	s3 =	simm.s32 @!p0 $0x1082;
	s9 =	sld [smem:$0x3FB6]  }
0x2f: {  	lr =	sadd.s32 s0, s3;
	s0 =	sld [smem:$0x3FAD]  }
0x30: {  	s3 =	sld [smem:$0x3FB0]  }
0x31: {  	[smem:$0x3FB9] =	sst s10  }
0x32: {  	s10 =	sld [smem:$0x3FB7];
	_ =	sdelay $0x3  }
0x33: {  	p0 =	seq.s32 s10, $0x1;
	s10 =	sld [smem:$0x3FB9];
	_ =	sdelay $0x3  }
0x34: {  	[smem:$0x3FB9] =	sst s10  }
0x35: {  	s10 =	sld [smem:$0x3FB8];
	_ =	sdelay $0x3  }
0x36: {  	p1 =	seq.s32 s10, $0x1;
	s10 =	sld [smem:$0x3FB9];
	_ =	sdelay $0x3  }
0x37: {  	[smem:$0x3FB9] =	sst s10  }
0x38: {  	s10 =	sld [smem:$0x3FBA]  }
0x39: {  	_ = 	snop;
	(pc) =	sbr.ind lr, $3  }
0x3a: {  	_ = 	snop  }
0x3b: {  	_ = 	snop  }
0x3c: {  	p2 =	seq.s32 s10, $0x1;
	s10 =	sld [smem:$0x3FB9]  }
0x3d: {  	_ =	shalt  }
0x3e: {  	_ =	shalt  }
0x3f: {  	_ =	shalt  }
0x40: {  	_ =	shalt  }
0x41: {  	_ =	shalt  }
0x42: {  	_ =	shalt  }
0x43: {  	_ =	shalt  }
0x44: {  	_ =	shalt  }
0x45: {  	_ =	shalt  }
0x46: {  	_ =	shalt  }
0x47: {  	_ =	shalt  }
0x48: {  	_ =	shalt  }
0x49: {  	_ =	shalt  }
0x4a: {  	_ =	shalt  }
0x4b: {  	_ =	shalt  }
0x4c: {  	_ =	shalt  }
0x4d: {  	_ =	shalt  }
0x4e: {  	_ =	shalt  }
0x4f: {  	_ =	shalt  }
0x50: {  	_ =	shalt  }
0x51: {  	_ =	shalt  }
0x52: {  	_ =	shalt  }
0x53: {  	_ =	shalt  }
0x54: {  	_ =	shalt  }
0x55: {  	_ =	shalt  }
0x56: {  	_ =	shalt  }
0x57: {  	_ =	shalt  }
0x58: {  	_ =	shalt  }
0x59: {  	_ =	shalt  }
0x5a: {  	_ =	shalt  }
0x5b: {  	_ =	shalt  }
0x5c: {  	_ =	shalt  }
0x5d: {  	_ =	shalt  }
0x5e: {  	_ =	shalt  }
0x5f: {  	_ =	shalt  }
0x60: {  	_ =	shalt  }
0x61: {  	_ =	shalt  }
0x62: {  	_ =	shalt  }
0x63: {  	_ =	shalt  }
0x64: {  	_ =	shalt  }
0x65: {  	_ =	shalt  }
0x66: {  	_ =	shalt  }
0x67: {  	_ =	shalt  }
0x68: {  	_ =	shalt  }
0x69: {  	_ =	shalt  }
0x6a: {  	_ =	shalt  }
0x6b: {  	_ =	shalt  }
0x6c: {  	_ =	shalt  }
0x6d: {  	_ =	shalt  }
0x6e: {  	_ =	shalt  }
0x6f: {  	_ =	shalt  }
0x70: {  	_ =	shalt  }
0x71: {  	_ =	shalt  }
0x72: {  	_ =	shalt  }
0x73: {  	_ =	shalt  }
0x74: {  	_ =	shalt  }
0x75: {  	_ =	shalt  }
0x76: {  	_ =	shalt  }
0x77: {  	_ =	shalt  }
0x78: {  	_ =	shalt  }
0x79: {  	_ =	shalt  }
0x7a: {  	_ =	shalt  }
0x7b: {  	_ =	shalt  }
0x7c: {  	_ =	shalt  }
0x7d: {  	_ =	shalt  }
0x7e: {  	_ =	shalt  }
0x7f: {  	_ =	shalt  }
0x80: {  	_ =	shalt  }
0x81: {  	_ =	shalt  }
0x82: {  	_ =	shalt  }
0x83: {  	_ =	shalt  }
0x84: {  	_ =	shalt  }
0x85: {  	_ =	shalt  }
0x86: {  	_ =	shalt  }
0x87: {  	_ =	shalt  }
.Lfunc_end0:
.L_simem_size_0:
called_computation_lowered:
.L_overlay_start_0:
0x88: {  	s2 =	sld [smem:$0x3FD9]  }
0x89: {  	s3 =	sld [smem:$0x3FFE];
	_ =	sdelay $0x1  }
0x8a: {  	s1 =	srdreg.scid  }
0x8b: {  	s0 =	sand.u32 $0x1, s1  }
0x8c: {  	s16 =	sshll.u32 s0, $0xA;
	s2 =	sadd.s32 s3, s2  }
0x8d: {  	s2 =	sadd.s32 s2, s16  }
0x8e: {  	[smem:$0x3FC5] =	sst s2  }
0x8f: {  	_ = 	snop  }
0x90: {  	(tm) =	ssettm $0x1  }
0x91: {  	s17 =	sld [smem:$0x3FFB];
	_ =	sdelay $0x3  }
0x92: {  	_ =	strace s17  }
0x93: {  	s2 =	sld [smem:$0x3FFC];
	_ =	sdelay $0x3  }
0x94: {  	_ =	strace s2  }
0x95: {  	s2 =	sld [smem:$0x3FFD];
	_ =	sdelay $0x3  }
0x96: {  	_ =	strace s2  }
0x97: {  	_ =	strace $0x8FFFFFFF  }
0x98: {  	s18 =	sld [smem:$0x3FDB];
	_ =	sdelay $0x1  }
0x99: {  	s19 =	simm.s32 $_scs_section_size  }
0x9a: {  	s4 =	simm.s32 $_size__tile_overlayer_lowered;
	s5 =	simm.s32 $_tile_overlayer_lowered  }
0x9b: {  	s22 =	simm.s32 $0x1BFF;
	s21 =	sshll.u32 s5, $0x1;
	s2 =	sadd.s32 s19, s18  }
0x9c: {  	s6 =	simm.s32 $0x0;
	s20 =	sshll.u32 s4, $0x1;
	s4 =	sadd.s32 s21, s2  }
0x9d: {  	[timem:s6], [sflag:s22] =	dma.local [hbm:s4], s20  }
0x9e: {  	_ =	swait.ge [sflag:s22], s20  }
0x9f: {  	s3 =	ssub.s32 $0x0, s20;
	[sflag:s22] =	ssyncset.done $0x0  }
0xa0: {  	[sflag:s22] =	ssyncadd.s32 s3;
	_ =	sdelay $0x1  }
0xa1: {  	s23 =	simm.s32 $0x1B8B  }
0xa2: {  	_ =	swait.ge [sflag:s23], $0x1  }
0xa3: {  	[sflag:s23] =	ssyncset.done $0x0  }
0xa4: {  	s25 =	simm.s32 $0x1B8E;
	s24 =	sld [smem:$0x3FFE];
	[sflag:s23] =	ssyncadd.s32 $0xFFFFFFFF  }
0xa5: {  	s26 =	simm.s32 $execute0_lowered;
	[smem:$0x3FD2] =	sst s25  }
0xa6: {  	s4 =	sshll.u32 s26, $0x1;
	_ =	strace $0x80000046;
	[dreg:$0x1] =	wrdreg $0xFFFFFFFF  }
0xa7: {  	s28 =	simm.s32 $_size_execute0_lowered;
	s2 =	sadd.s32 s2, s4;
	[dreg:$0x0] =	wrdreg $0x0  }
0xa8: {  	s4 =	sshll.u32 s28, $0x1;
	[dreg:$0x2] =	wrdreg s2  }
0xa9: {  	[dreg:$0x3] =	wrdreg s4  }
0xaa: {  	[dreg:$0x4] =	wrdreg $0xC0  }
0xab: {  	_ =	task [dreg:s6], $0x5FFFF  }
0xac: {  	[dreg:$0x1] =	wrdreg $0xFFFFFFFF  }
0xad: {  	[dreg:$0x0] =	wrdreg $0x60  }
0xae: {  	[dreg:$0x2] =	wrdreg s24  }
0xaf: {  	[dreg:$0x3] =	wrdreg $0x9  }
0xb0: {  	_ =	task.clear_ibuf [dreg:s6], $0x4FFFF;
	_ =	strace $0x90000046  }
0xb1: {  	s29 =	simm.s32 $0x9;
	_ =	strace $0x80000048  }
0xb2: {  	_ =	swait.ge [sflag:s29], $0x1  }
0xb3: {  	[sflag:s29] =	ssyncadd.s32 $0xFFFFFFFF  }
0xb4: {  	_ =	strace $0x90000048  }
0xb5: {  	_ =	sfence  }
0xb6: {  	s30 =	sld [smem:$0x0];
	_ =	sdelay $0x2  }
0xb7: {  	s31 =	sshll.u32 s1, $0xD;
	s1 =	sshrl.u32 s1, $0x2  }
0xb8: {  	s3 =	sand.u32 $0x4000, s31;
	s1 =	sadd.s32 s1, s30  }
0xb9: {  	s0 =	sor.u32 s3, s0;
	s1 =	sshll.u32 s1, $0x11  }
0xba: {  	s0 =	sor.u32 s1, s0  }
0xbb: {  	s0 =	sadd.s32 $0x8F2B, s0  }
0xbc: {  	[sflag:s0] =	ssyncadd.remote.s32 $0x1  }
0xbd: {  	_ =	sfence.sel $0xFFFF  }
0xbe: {  	[dreg:$0x0] =	wrdreg $0xFFFFFFFF;
	(pc) =	sbr.abs _section_cstart, $3  }
0xbf: {  	[dreg:$0x1] =	wrdreg $0xFFFFFFFF  }
0xc0: {  	_ =	task.clear_ibuf [dreg:s6], $0x2FFFF;
	_ =	strace $0x9FFFFFFF  }
0xc1: {  	(tm) =	ssettm $0x7FFFFFFF  }
tec
execute0_lowered:
.L_overlay_start_1:
0x0: {  	(tag) =	ssettag $0x1  }
0x1: {  	v0 =	vimm.s32 $0x3180;
	vm14 =	vcmask $0x300  }
0x2: {  	v1 =	vimm.s32 $0x3380;
	vm13 =	vcmask $0x704;
	vm12 =	vcmask $0xB08  }
0x3: {  	vm11 =	vcmask $0xF0C;
	vm10 =	vcmask $0x1310;
	vm9 =	vcmask $0x1714  }
0x4: {  	vm8 =	vcmask $0x1B18;
	vm7 =	vcmask $0x1F1C;
	vm6 =	vcmask $0x2320  }
0x5: {  	vm5 =	vcmask $0x2724;
	vm4 =	vcmask $0x2B28;
	vm3 =	vcmask $0x2F2C  }
0x6: {  	vm2 =	vcmask $0x3330;
	vm1 =	vcmask $0x3734;
	vm0 =	vcmask $0x3B38  }
0x7: {  	v2 =	vimm.s32 $0x3580;
	v3 =	vimm.s32 $0x3780;
	v4 =	vimm.s32 $0x3980  }
0x8: {  	v5 =	vimm.s32 $0x3B80;
	v6 =	vimm.s32 $0x3D80;
	v7 =	vimm.s32 $0x3F80  }
0x9: {  	v0 =	vsel vm14, $0x0, v0;
	v1 =	vsel vm14, $0x200, v1;
	v2 =	vsel vm14, $0x400, v2  }
0xa: {  	v3 =	vsel vm14, $0x600, v3;
	v4 =	vsel vm14, $0x800, v4;
	v5 =	vsel vm14, $0xA00, v5  }
0xb: {  	v6 =	vsel vm14, $0xC00, v6;
	v7 =	vsel vm14, $0xE00, v7;
	v0 =	vsel vm13, $0x1000, v0  }
0xc: {  	v1 =	vsel vm13, $0x1200, v1;
	v2 =	vsel vm13, $0x1400, v2;
	v3 =	vsel vm13, $0x1600, v3  }
0xd: {  	v4 =	vsel vm13, $0x1800, v4;
	v5 =	vsel vm13, $0x1A00, v5;
	v6 =	vsel vm13, $0x1C00, v6  }
0xe: {  	v7 =	vsel vm13, $0x1E00, v7;
	v0 =	vsel vm12, $0x2000, v0;
	v1 =	vsel vm12, $0x2200, v1  }
0xf: {  	v2 =	vsel vm12, $0x2400, v2;
	v3 =	vsel vm12, $0x2600, v3;
	v4 =	vsel vm12, $0x2800, v4  }
0x10: {  	v5 =	vsel vm12, $0x2A00, v5;
	v6 =	vsel vm12, $0x2C00, v6;
	v7 =	vsel vm12, $0x2E00, v7  }
0x11: {  	v0 =	vsel vm11, $0x3000, v0;
	v1 =	vsel vm11, $0x3200, v1;
	v2 =	vsel vm11, $0x3400, v2  }
0x12: {  	v3 =	vsel vm11, $0x3600, v3;
	v4 =	vsel vm11, $0x3800, v4;
	v5 =	vsel vm11, $0x3A00, v5  }
0x13: {  	v6 =	vsel vm11, $0x3C00, v6;
	v7 =	vsel vm11, $0x3E00, v7;
	v0 =	vsel vm10, $0x80, v0  }
0x14: {  	v1 =	vsel vm10, $0x280, v1;
	v2 =	vsel vm10, $0x480, v2;
	v3 =	vsel vm10, $0x680, v3  }
0x15: {  	v4 =	vsel vm10, $0x880, v4;
	v5 =	vsel vm10, $0xA80, v5;
	v6 =	vsel vm10, $0xC80, v6  }
0x16: {  	v7 =	vsel vm10, $0xE80, v7;
	v0 =	vsel vm9, $0x1080, v0;
	v1 =	vsel vm9, $0x1280, v1  }
0x17: {  	v2 =	vsel vm9, $0x1480, v2;
	v3 =	vsel vm9, $0x1680, v3;
	v4 =	vsel vm9, $0x1880, v4  }
0x18: {  	v5 =	vsel vm9, $0x1A80, v5;
	v6 =	vsel vm9, $0x1C80, v6;
	v7 =	vsel vm9, $0x1E80, v7  }
0x19: {  	v0 =	vsel vm8, $0x2080, v0;
	v1 =	vsel vm8, $0x2280, v1;
	v2 =	vsel vm8, $0x2480, v2  }
0x1a: {  	v3 =	vsel vm8, $0x2680, v3;
	v4 =	vsel vm8, $0x2880, v4;
	v5 =	vsel vm8, $0x2A80, v5  }
0x1b: {  	v6 =	vsel vm8, $0x2C80, v6;
	v7 =	vsel vm8, $0x2E80, v7;
	v0 =	vsel vm7, $0x3080, v0  }
0x1c: {  	v1 =	vsel vm7, $0x3280, v1;
	v2 =	vsel vm7, $0x3480, v2;
	v3 =	vsel vm7, $0x3680, v3  }
0x1d: {  	s0 =	srdreg.scid;
	s11 =	stileid.u32;
	s2 =	simm.s32 $0x1;
	v4 =	vsel vm7, $0x3880, v4;
	v5 =	vsel vm7, $0x3A80, v5;
	v6 =	vsel vm7, $0x3C80, v6  }
0x1e: {  	s5 =	rddreg [dreg:$0x0];
	s12 =	simm.s32 $0x80;
	s14 =	simm.s32 $0x5900;
	v7 =	vsel vm7, $0x3E80, v7;
	v0 =	vsel vm6, $0x100, v0;
	v1 =	vsel vm6, $0x300, v1  }
0x1f: {  	s16 =	simm.s32 $0x6900;
	s18 =	simm.s32 $0x7900;
	s20 =	simm.s32 $0x8900;
	v2 =	vsel vm6, $0x500, v2;
	v3 =	vsel vm6, $0x700, v3;
	v4 =	vsel vm6, $0x900, v4  }
0x20: {  	s22 =	simm.s32 $0x9900;
	s23 =	simm.s32 $0xA900;
	s24 =	simm.s32 $0xB900;
	v5 =	vsel vm6, $0xB00, v5;
	v6 =	vsel vm6, $0xD00, v6;
	v7 =	vsel vm6, $0xF00, v7  }
0x21: {  	s28 =	simm.s32 $0xE900;
	s29 =	simm.s32 $0x2;
	s13 =	simm.s32 $0x5880;
	v0 =	vsel vm5, $0x1100, v0;
	v1 =	vsel vm5, $0x1300, v1;
	v2 =	vsel vm5, $0x1500, v2  }
0x22: {  	s15 =	simm.s32 $0x0;
	s0 =	sand.u32 $0x1, s0;
	s1 =	sshll.u32 s11, $0x1;
	v3 =	vsel vm5, $0x1700, v3;
	v4 =	vsel vm5, $0x1900, v4;
	v5 =	vsel vm5, $0x1B00, v5  }
0x23: {  	s9 =	sadd.s32 $0x197600, s5;
	s8 =	smul.u32 $0x3200, s11;
	s1 =	sor.u32 s0, s1;
	v6 =	vsel vm5, $0x1D00, v6;
	v7 =	vsel vm5, $0x1F00, v7;
	v0 =	vsel vm4, $0x2100, v0  }
0x24: {  	p0 =	seq.s32 s0, $0x1;
	s7 =	ssub.s32 $0x2, s0;
	s10 =	smul.u32 $0x1900, s0;
	v1 =	vsel vm4, $0x2300, v1;
	v2 =	vsel vm4, $0x2500, v2;
	v3 =	vsel vm4, $0x2700, v3  }
0x25: {  	s0 =	smul.u32 $0x6400, s0;
	p1 =	seq.s32 s1, $0x0;
	s25 =	sshrl.u32 s7, $0x1;
	v4 =	vsel vm4, $0x2900, v4;
	v5 =	vsel vm4, $0x2B00, v5;
	v6 =	vsel vm4, $0x2D00, v6  }
0x26: {  	s1 =	smul.u32 $0x6400, s1;
	p1 =	por !p1, !p0;
	s7 =	ssub.s32 s7, s25;
	v7 =	vsel vm4, $0x2F00, v7;
	v0 =	vsel vm3, $0x3100, v0;
	v1 =	vsel vm3, $0x3300, v1  }
0x27: {  	s8 =	sadd.s32 s10, s8;
	s25 =	simm.s32 $0xC900;
	p1 =	por !p1, !p1;
	v2 =	vsel vm3, $0x3500, v2;
	v3 =	vsel vm3, $0x3700, v3;
	v4 =	vsel vm3, $0x3900, v4  }
0x28: {  	s7 =	smax.u32 s7, $0x1;
	s1 =	sadd.s32 s9, s1;
	s2 =	simm.s32 @!p1 $0x0;
	v5 =	vsel vm3, $0x3B00, v5;
	v6 =	vsel vm3, $0x3D00, v6;
	v7 =	vsel vm3, $0x3F00, v7  }
0x29: {  	s30 =	sshll.u32 s8, $0x2;
	s8 =	sadd.s32 $0x5000, s1;
	s3 =	ssub.s32 s11, s2;
	v0 =	vsel vm2, $0x180, v0;
	v1 =	vsel vm2, $0x380, v1;
	v2 =	vsel vm2, $0x580, v2  }
0x2a: {  	s2 =	simm.s32 $0x0;
	s11 =	smul.u32 $0xC800, s11;
	s3 =	sshll.u32 s3, $0xB;
	v3 =	vsel vm2, $0x780, v3;
	v4 =	vsel vm2, $0x980, v4;
	v5 =	vsel vm2, $0xB80, v5  }
0x2b: {  	s31 =	sadd.s32 s9, s30;
	[smem:$0x7FF] =	sst s2;
	s4 =	sand.u32 $0x1FFFF800, s3;
	v6 =	vsel vm2, $0xD80, v6;
	v7 =	vsel vm2, $0xF80, v7;
	v0 =	vsel vm1, $0x1180, v0  }
0x2c: {  	s10 =	sadd.s32 $0xA00, s31;
	_ =	strace $0x80000047;
	s3 =	simm.s32 $0x1;
	v1 =	vsel vm1, $0x1380, v1;
	v2 =	vsel vm1, $0x1580, v2;
	v3 =	vsel vm1, $0x1780, v3  }
0x2d: {  	s26 =	sadd.s32 s11, s9;
	s9 =	sadd.s32 $0x5A00, s1;
	s11 =	simm.s32 $0x3;
	v4 =	vsel vm1, $0x1980, v4;
	v5 =	vsel vm1, $0x1B80, v5;
	v6 =	vsel vm1, $0x1D80, v6  }
0x2e: {  	s6 =	sadd.s32 s4, s5;
	s4 =	sadd.s32 $0x10A00, s5;
	s5 =	simm.s32 $0x32;
	v7 =	vsel vm1, $0x1F80, v7;
	v0 =	vsel vm0, $0x2180, v0;
	v1 =	vsel vm0, $0x2380, v1  }
0x2f: {  	s0 =	sadd.s32 s0, s26;
	s26 =	simm.s32 $0xD900;
	s6 =	sadd.s32 $0xA00, s6;
	v2 =	vsel vm0, $0x2580, v2;
	v3 =	vsel vm0, $0x2780, v3;
	v4 =	vsel vm0, $0x2980, v4  }
0x30: {  	s5 =	simm.s32 @!p0 $0x0;
	[dreg:$0x2] =	wrdreg s0;
	s0 =	simm.s32 $0x5800;
	v5 =	vsel vm0, $0x2B80, v5;
	v6 =	vsel vm0, $0x2D80, v6;
	v7 =	vsel vm0, $0x2F80, v7  }
.LBB2_1:
0x31: {  	s17 =	sadd.s32 $0x0, s5  }
0x32: {  	v8 =	vmov s17  }
0x33: {  	v8 =	vand.u32 $0x7F, v8  }
0x34: {  	v8 =	vbroadcast v8, $0x0;
	_ =	sdelay $0x1  }
0x35: {  	v9 =	vor.u32 v0, v8  }
0x36: {  	[tilespmem:s2], [sflag:$0x3] =	stream.linear.gather [hbm4b:s6+s2], $0x4000, $0x38;
	[tilespmem:$0xF900] =	vst v63  }
0x37: {  	_ =	swait.ge [sflag:s11], $0x4000  }
0x38: {  	[sflag:s11] =	ssyncset.done $0x0  }
0x39: {  	[sflag:s11] =	ssyncadd.s32 $0xFFFFC000  }
0x3a: {  	v9 =	vld.idx.msk [tilespmem:v9+s2+$0x0], $0xffff;
	_ =	sdelay $0x1  }
0x3b: {  	v10 =	vor.u32 v1, v8;
	_ =	sdelay $0x2  }
0x3c: {  	s17 =	simm.s32 $0x4040;
	v9 =	vshll.u32 v9, $0x2  }
0x3d: {  	[tilespmem:s17+$0xFFFFFFC0] =	vst v9  }
0x3e: {  	v9 =	vld.idx.msk [tilespmem:v10+s2+$0x0], $0xffff;
	_ =	sdelay $0x1  }
0x3f: {  	v10 =	vor.u32 v2, v8;
	_ =	sdelay $0x2  }
0x40: {  	v9 =	vshll.u32 v9, $0x2  }
0x41: {  	[tilespmem:s17+$0xFFFFFFD0] =	vst v9  }
0x42: {  	v9 =	vld.idx.msk [tilespmem:v10+s2+$0x0], $0xffff;
	_ =	sdelay $0x1  }
0x43: {  	v10 =	vor.u32 v3, v8;
	_ =	sdelay $0x2  }
0x44: {  	v9 =	vshll.u32 v9, $0x2  }
0x45: {  	[tilespmem:s17+$0xFFFFFFE0] =	vst v9  }
0x46: {  	v9 =	vld.idx.msk [tilespmem:v10+s2+$0x0], $0xffff;
	_ =	sdelay $0x1  }
0x47: {  	v10 =	vor.u32 v4, v8;
	_ =	sdelay $0x2  }
0x48: {  	v9 =	vshll.u32 v9, $0x2  }
0x49: {  	[tilespmem:s17+$0xFFFFFFF0] =	vst v9  }
0x4a: {  	v9 =	vld.idx.msk [tilespmem:v10+s2+$0x0], $0xffff;
	_ =	sdelay $0x1  }
0x4b: {  	v10 =	vor.u32 v5, v8;
	_ =	sdelay $0x2  }
0x4c: {  	v9 =	vshll.u32 v9, $0x2  }
0x4d: {  	[tilespmem:s17+$0x0] =	vst v9  }
0x4e: {  	v9 =	vld.idx.msk [tilespmem:v10+s2+$0x0], $0xffff;
	_ =	sdelay $0x1  }
0x4f: {  	v10 =	vor.u32 v6, v8;
	_ =	sdelay $0x2  }
0x50: {  	v9 =	vshll.u32 v9, $0x2  }
0x51: {  	[tilespmem:s17+$0x10] =	vst v9  }
0x52: {  	v9 =	vld.idx.msk [tilespmem:v10+s2+$0x0], $0xffff;
	_ =	sdelay $0x1  }
0x53: {  	v8 =	vor.u32 v7, v8;
	_ =	sdelay $0x2  }
0x54: {  	s21 =	sadd.s32 $0x1, s5;
	s19 =	simm.s32 $0x2;
	v9 =	vshll.u32 v9, $0x2  }
.LBB2_2:
0x55: {  	p0 =	sne.s32 s19, $0x31;
	v10 =	vmov s21;
	[tilespmem:s17+$0x20] =	vst v9  }
0x56: {  	v9 =	vand.u32 $0x7F, v10;
	v8 =	vld.idx.msk [tilespmem:v8+s2+$0x0], $0xffff  }
0x57: {  	v9 =	vbroadcast v9, $0x0;
	_ =	sdelay $0x1  }
0x58: {  	v10 =	vor.u32 v0, v9;
	_ =	sdelay $0x2  }
0x59: {  	v8 =	vshll.u32 v8, $0x2  }
0x5a: {  	[tilespmem:s17+$0x30] =	vst v8  }
0x5b: {  	v8 =	vld.idx.msk [tilespmem:v10+s2+$0x0], $0xffff;
	_ =	sdelay $0x2  }
0x5c: {  	v10 =	vor.u32 v1, v9;
	_ =	sdelay $0x2  }
0x5d: {  	s17 =	sadd.s32 $0x80, s17;
	v8 =	vshll.u32 v8, $0x2  }
0x5e: {  	[tilespmem:s17+$0xFFFFFFC0] =	vst v8  }
0x5f: {  	v8 =	vld.idx.msk [tilespmem:v10+s2+$0x0], $0xffff;
	_ =	sdelay $0x2  }
0x60: {  	v10 =	vor.u32 v2, v9;
	_ =	sdelay $0x2  }
0x61: {  	v8 =	vshll.u32 v8, $0x2  }
0x62: {  	[tilespmem:s17+$0xFFFFFFD0] =	vst v8  }
0x63: {  	v8 =	vld.idx.msk [tilespmem:v10+s2+$0x0], $0xffff;
	_ =	sdelay $0x2  }
0x64: {  	v10 =	vor.u32 v3, v9;
	_ =	sdelay $0x2  }
0x65: {  	v8 =	vshll.u32 v8, $0x2  }
0x66: {  	[tilespmem:s17+$0xFFFFFFE0] =	vst v8  }
0x67: {  	v8 =	vld.idx.msk [tilespmem:v10+s2+$0x0], $0xffff;
	_ =	sdelay $0x2  }
0x68: {  	v10 =	vor.u32 v4, v9;
	_ =	sdelay $0x2  }
0x69: {  	v8 =	vshll.u32 v8, $0x2  }
0x6a: {  	[tilespmem:s17+$0xFFFFFFF0] =	vst v8  }
0x6b: {  	v8 =	vld.idx.msk [tilespmem:v10+s2+$0x0], $0xffff;
	_ =	sdelay $0x2  }
0x6c: {  	v10 =	vor.u32 v5, v9;
	_ =	sdelay $0x2  }
0x6d: {  	v8 =	vshll.u32 v8, $0x2  }
0x6e: {  	[tilespmem:s17+$0x0] =	vst v8  }
0x6f: {  	v8 =	vld.idx.msk [tilespmem:v10+s2+$0x0], $0xffff;
	_ =	sdelay $0x2  }
0x70: {  	v10 =	vor.u32 v6, v9;
	_ =	sdelay $0x2  }
0x71: {  	v8 =	vshll.u32 v8, $0x2  }
0x72: {  	[tilespmem:s17+$0x10] =	vst v8  }
0x73: {  	v10 =	vld.idx.msk [tilespmem:v10+s2+$0x0], $0xffff;
	_ =	sdelay $0x1  }
.Ltmp0:
0x74: {  	(pc) =	sbr.rel @p0 .LBB2_2-.Ltmp0, $2  }
0x75: {  	v8 =	vor.u32 v7, v9;
	_ =	sdelay $0x2  }
0x76: {  	s21 =	sadd.s32 s19, s5;
	s19 =	sadd.s32 $0x1, s19;
	v9 =	vshll.u32 v10, $0x2  }
0x77: {  	_ =	sdelay $0x1  }
0x78: {  	v10 =	vmov s21  }
0x79: {  	[tilespmem:s17+$0x20] =	vst v9;
	v56 =	vand.u32 $0x7F, v10  }
0x7a: {  	v8 =	vld.idx.msk [tilespmem:v8+s2+$0x0], $0xffff;
	v9 =	vbroadcast v56, $0x0;
	_ =	sdelay $0x1  }
0x7b: {  	v57 =	vor.u32 v0, v9;
	_ =	sdelay $0x2  }
0x7c: {  	v8 =	vshll.u32 v8, $0x2  }
0x7d: {  	[tilespmem:s17+$0x30] =	vst v8  }
0x7e: {  	v8 =	vld.idx.msk [tilespmem:v57+s2+$0x0], $0xffff;
	_ =	sdelay $0x1  }
0x7f: {  	v58 =	vor.u32 v1, v9;
	_ =	sdelay $0x2  }
0x80: {  	s30 =	sadd.s32 $0x80, s17;
	v8 =	vshll.u32 v8, $0x2  }
0x81: {  	[tilespmem:s30+$0xFFFFFFC0] =	vst v8  }
0x82: {  	v8 =	vld.idx.msk [tilespmem:v58+s2+$0x0], $0xffff;
	_ =	sdelay $0x1  }
0x83: {  	v59 =	vor.u32 v2, v9;
	_ =	sdelay $0x2  }
0x84: {  	v8 =	vshll.u32 v8, $0x2  }
0x85: {  	[tilespmem:s30+$0xFFFFFFD0] =	vst v8  }
0x86: {  	v8 =	vld.idx.msk [tilespmem:v59+s2+$0x0], $0xffff;
	_ =	sdelay $0x1  }
0x87: {  	v60 =	vor.u32 v3, v9;
	_ =	sdelay $0x2  }
0x88: {  	v8 =	vshll.u32 v8, $0x2  }
0x89: {  	[tilespmem:s30+$0xFFFFFFE0] =	vst v8  }
0x8a: {  	v8 =	vld.idx.msk [tilespmem:v60+s2+$0x0], $0xffff;
	_ =	sdelay $0x1  }
0x8b: {  	v61 =	vor.u32 v4, v9;
	_ =	sdelay $0x2  }
0x8c: {  	v8 =	vshll.u32 v8, $0x2  }
0x8d: {  	[tilespmem:s30+$0xFFFFFFF0] =	vst v8  }
0x8e: {  	v8 =	vld.idx.msk [tilespmem:v61+s2+$0x0], $0xffff;
	_ =	sdelay $0x1  }
0x8f: {  	v62 =	vor.u32 v5, v9;
	_ =	sdelay $0x2  }
0x90: {  	v8 =	vshll.u32 v8, $0x2  }
0x91: {  	[tilespmem:s30+$0x0] =	vst v8  }
0x92: {  	v8 =	vld.idx.msk [tilespmem:v62+s2+$0x0], $0xffff;
	_ =	sdelay $0x1  }
0x93: {  	v63 =	vor.u32 v6, v9;
	_ =	sdelay $0x2  }
0x94: {  	v8 =	vshll.u32 v8, $0x2  }
0x95: {  	[tilespmem:s30+$0x10] =	vst v8  }
0x96: {  	v8 =	vld.idx.msk [tilespmem:v63+s2+$0x0], $0xffff;
	_ =	sdelay $0x1  }
0x97: {  	v9 =	vor.u32 v7, v9;
	_ =	sdelay $0x2  }
0x98: {  	v8 =	vshll.u32 v8, $0x2  }
0x99: {  	[tilespmem:s30+$0x20] =	vst v8  }
0x9a: {  	v8 =	vld.idx.msk [tilespmem:v9+s2+$0x0], $0xffff;
	_ =	sdelay $0x4  }
0x9b: {  	v8 =	vshll.u32 v8, $0x2  }
0x9c: {  	s1 =	simm.s32 $0x4000;
	[tilespmem:s30+$0x30] =	vst v8  }
0x9d: {  	[tilespmem:s14], [sflag:$0x1] =	stream.indirect.gather [hbm4b:s4+s12], $0x20, s1, s12, $0xb8;
	[tilespmem:$0xF900] =	vst v63  }
0x9e: {  	s31 =	simm.s32 $0x4080  }
0x9f: {  	[tilespmem:s16], [sflag:$0x1] =	stream.indirect.gather [hbm4b:s4+s12], $0x20, s31, s12, $0xb8;
	[tilespmem:$0xF900] =	vst v63  }
0xa0: {  	s17 =	simm.s32 $0x4100  }
0xa1: {  	[tilespmem:s18], [sflag:$0x1] =	stream.indirect.gather [hbm4b:s4+s12], $0x20, s17, s12, $0xb8;
	[tilespmem:$0xF900] =	vst v63  }
0xa2: {  	s19 =	simm.s32 $0x4180  }
0xa3: {  	[tilespmem:s20], [sflag:$0x1] =	stream.indirect.gather [hbm4b:s4+s12], $0x20, s19, s12, $0xb8;
	[tilespmem:$0xF900] =	vst v63  }
0xa4: {  	s21 =	simm.s32 $0x4200  }
0xa5: {  	[tilespmem:s22], [sflag:$0x1] =	stream.indirect.gather [hbm4b:s4+s12], $0x20, s21, s12, $0xb8;
	[tilespmem:$0xF900] =	vst v63  }
0xa6: {  	s30 =	simm.s32 $0x4280  }
0xa7: {  	[tilespmem:s23], [sflag:$0x2] =	stream.indirect.gather [hbm4b:s4+s12], $0x20, s30, s12, $0xb8;
	[tilespmem:$0xF900] =	vst v63  }
0xa8: {  	s31 =	simm.s32 $0x4300  }
0xa9: {  	[tilespmem:s24], [sflag:$0x2] =	stream.indirect.gather [hbm4b:s4+s12], $0x20, s31, s12, $0xb8;
	[tilespmem:$0xF900] =	vst v63  }
0xaa: {  	s1 =	simm.s32 $0x4380  }
0xab: {  	[tilespmem:s25], [sflag:$0x2] =	stream.indirect.gather [hbm4b:s4+s12], $0x20, s1, s12, $0xb8;
	[tilespmem:$0xF900] =	vst v63  }
0xac: {  	s19 =	simm.s32 $0x4400  }
0xad: {  	[tilespmem:s26], [sflag:$0x2] =	stream.indirect.gather [hbm4b:s4+s12], $0x20, s19, s12, $0xb8;
	[tilespmem:$0xF900] =	vst v63  }
0xae: {  	s21 =	simm.s32 $0x4480  }
0xaf: {  	[tilespmem:s28], [sflag:$0x2] =	stream.indirect.gather [hbm4b:s4+s12], $0x20, s21, s12, $0xb8;
	[tilespmem:$0xF900] =	vst v63  }
0xb0: {  	_ =	swait.ge [sflag:s3], $0x1000  }
0xb1: {  	[sflag:s3] =	ssyncset.done $0x0  }
0xb2: {  	[sflag:s3] =	ssyncadd.s32 $0xFFFFF000  }
0xb3: {  	_ =	swait.ge [sflag:s3], $0x1000  }
0xb4: {  	[sflag:s3] =	ssyncset.done $0x0  }
0xb5: {  	[sflag:s3] =	ssyncadd.s32 $0xFFFFF000  }
0xb6: {  	_ =	swait.ge [sflag:s3], $0x1000  }
0xb7: {  	[sflag:s3] =	ssyncset.done $0x0  }
0xb8: {  	[sflag:s3] =	ssyncadd.s32 $0xFFFFF000  }
0xb9: {  	_ =	swait.ge [sflag:s3], $0x1000  }
0xba: {  	[sflag:s3] =	ssyncset.done $0x0  }
0xbb: {  	[sflag:s3] =	ssyncadd.s32 $0xFFFFF000  }
0xbc: {  	_ =	swait.ge [sflag:s3], $0x1000  }
0xbd: {  	s30 =	rddreg [dreg:$0x2];
	[sflag:s3] =	ssyncset.done $0x0  }
0xbe: {  	[sflag:s3] =	ssyncadd.s32 $0xFFFFF000;
	s17 =	sadd.s32 $0x0, s30  }
0xbf: {  	[hbm4b:s17+s2] =	stream.linear.scatter [tilespmem:s14], [sflag:$0x3], $0x5000, $0x38;
	[tilespmem:$0xF900] =	vst v63  }
0xc0: {  	_ =	swait.ge [sflag:s11], $0x5000  }
0xc1: {  	[sflag:s11] =	ssyncset.done $0x0  }
0xc2: {  	s31 =	simm.s32 $0x4500;
	[sflag:s11] =	ssyncadd.s32 $0xFFFFB000  }
0xc3: {  	[tilespmem:s14], [sflag:$0x1] =	stream.indirect.gather [hbm4b:s4+s12], $0x20, s31, s12, $0xb8;
	[tilespmem:$0xF900] =	vst v63  }
0xc4: {  	s1 =	simm.s32 $0x4580  }
0xc5: {  	[tilespmem:s16], [sflag:$0x1] =	stream.indirect.gather [hbm4b:s4+s12], $0x20, s1, s12, $0xb8;
	[tilespmem:$0xF900] =	vst v63  }
0xc6: {  	s19 =	simm.s32 $0x4600  }
0xc7: {  	[tilespmem:s18], [sflag:$0x1] =	stream.indirect.gather [hbm4b:s4+s12], $0x20, s19, s12, $0xb8;
	[tilespmem:$0xF900] =	vst v63  }
0xc8: {  	s21 =	simm.s32 $0x4680  }
0xc9: {  	[tilespmem:s20], [sflag:$0x1] =	stream.indirect.gather [hbm4b:s4+s12], $0x20, s21, s12, $0xb8;
	[tilespmem:$0xF900] =	vst v63  }
0xca: {  	s30 =	simm.s32 $0x4700  }
0xcb: {  	[tilespmem:s22], [sflag:$0x1] =	stream.indirect.gather [hbm4b:s4+s12], $0x20, s30, s12, $0xb8;
	[tilespmem:$0xF900] =	vst v63  }
0xcc: {  	_ =	swait.ge [sflag:s29], $0x1000  }
0xcd: {  	[sflag:s29] =	ssyncset.done $0x0  }
0xce: {  	[sflag:s29] =	ssyncadd.s32 $0xFFFFF000  }
0xcf: {  	_ =	swait.ge [sflag:s29], $0x1000  }
0xd0: {  	[sflag:s29] =	ssyncset.done $0x0  }
0xd1: {  	[sflag:s29] =	ssyncadd.s32 $0xFFFFF000  }
0xd2: {  	_ =	swait.ge [sflag:s29], $0x1000  }
0xd3: {  	[sflag:s29] =	ssyncset.done $0x0  }
0xd4: {  	[sflag:s29] =	ssyncadd.s32 $0xFFFFF000  }
0xd5: {  	_ =	swait.ge [sflag:s29], $0x1000  }
0xd6: {  	[sflag:s29] =	ssyncset.done $0x0  }
0xd7: {  	[sflag:s29] =	ssyncadd.s32 $0xFFFFF000  }
0xd8: {  	_ =	swait.ge [sflag:s29], $0x1000  }
0xd9: {  	[sflag:s29] =	ssyncset.done $0x0  }
0xda: {  	s31 =	sadd.s32 $0x0, s10;
	[sflag:s29] =	ssyncadd.s32 $0xFFFFF000  }
0xdb: {  	[hbm4b:s31+s2] =	stream.linear.scatter [tilespmem:s23], [sflag:$0x3], $0x5000, $0x38;
	[tilespmem:$0xF900] =	vst v63  }
0xdc: {  	s17 =	simm.s32 $0x1400;
	_ =	swait.ge [sflag:s11], $0x5000  }
0xdd: {  	s19 =	simm.s32 $0x500;
	s21 =	simm.s32 $0x2800;
	[sflag:s11] =	ssyncset.done $0x0  }
.LBB2_4:
0xde: {  	s1 =	sadd.s32 $0x4280, s19;
	[sflag:s11] =	ssyncadd.s32 $0xFFFFB000;
	s30 =	smov.u32 s21  }
0xdf: {  	[tilespmem:s23], [sflag:$0x2] =	stream.indirect.gather [hbm4b:s4+s12], $0x20, s1, s12, $0xb8;
	[tilespmem:$0xF900] =	vst v63  }
0xe0: {  	s31 =	sadd.s32 $0x1400, s21;
	p0 =	sne.s32 s21, $0x3C00;
	s21 =	sadd.s32 $0x4300, s19  }
0xe1: {  	[tilespmem:s24], [sflag:$0x2] =	stream.indirect.gather [hbm4b:s4+s12], $0x20, s21, s12, $0xb8;
	[tilespmem:$0xF900] =	vst v63  }
0xe2: {  	s21 =	sadd.s32 $0x4380, s19  }
0xe3: {  	[tilespmem:s25], [sflag:$0x2] =	stream.indirect.gather [hbm4b:s4+s12], $0x20, s21, s12, $0xb8;
	[tilespmem:$0xF900] =	vst v63  }
0xe4: {  	s21 =	sadd.s32 $0x4400, s19  }
0xe5: {  	[tilespmem:s26], [sflag:$0x2] =	stream.indirect.gather [hbm4b:s4+s12], $0x20, s21, s12, $0xb8;
	[tilespmem:$0xF900] =	vst v63  }
0xe6: {  	s21 =	sadd.s32 $0x4480, s19  }
0xe7: {  	[tilespmem:s28], [sflag:$0x2] =	stream.indirect.gather [hbm4b:s4+s12], $0x20, s21, s12, $0xb8;
	[tilespmem:$0xF900] =	vst v63  }
0xe8: {  	_ =	swait.ge [sflag:s3], $0x1000  }
0xe9: {  	[sflag:s3] =	ssyncset.done $0x0  }
0xea: {  	[sflag:s3] =	ssyncadd.s32 $0xFFFFF000  }
0xeb: {  	_ =	swait.ge [sflag:s3], $0x1000  }
0xec: {  	[sflag:s3] =	ssyncset.done $0x0  }
0xed: {  	[sflag:s3] =	ssyncadd.s32 $0xFFFFF000  }
0xee: {  	_ =	swait.ge [sflag:s3], $0x1000  }
0xef: {  	[sflag:s3] =	ssyncset.done $0x0  }
0xf0: {  	[sflag:s3] =	ssyncadd.s32 $0xFFFFF000  }
0xf1: {  	_ =	swait.ge [sflag:s3], $0x1000  }
0xf2: {  	[sflag:s3] =	ssyncset.done $0x0  }
0xf3: {  	[sflag:s3] =	ssyncadd.s32 $0xFFFFF000  }
0xf4: {  	_ =	swait.ge [sflag:s3], $0x1000  }
0xf5: {  	s21 =	rddreg [dreg:$0x2];
	[sflag:s3] =	ssyncset.done $0x0  }
0xf6: {  	[sflag:s3] =	ssyncadd.s32 $0xFFFFF000;
	s1 =	sadd.s32 s17, s21  }
0xf7: {  	[hbm4b:s1+s2] =	stream.linear.scatter [tilespmem:s14], [sflag:$0x3], $0x5000, $0x38;
	[tilespmem:$0xF900] =	vst v63  }
0xf8: {  	_ =	swait.ge [sflag:s11], $0x5000  }
0xf9: {  	[sflag:s11] =	ssyncset.done $0x0  }
0xfa: {  	s21 =	sadd.s32 $0x4500, s19;
	[sflag:s11] =	ssyncadd.s32 $0xFFFFB000  }
0xfb: {  	[tilespmem:s14], [sflag:$0x1] =	stream.indirect.gather [hbm4b:s4+s12], $0x20, s21, s12, $0xb8;
	[tilespmem:$0xF900] =	vst v63  }
0xfc: {  	s21 =	sadd.s32 $0x4580, s19  }
0xfd: {  	[tilespmem:s16], [sflag:$0x1] =	stream.indirect.gather [hbm4b:s4+s12], $0x20, s21, s12, $0xb8;
	[tilespmem:$0xF900] =	vst v63  }
0xfe: {  	s21 =	sadd.s32 $0x4600, s19  }
0xff: {  	[tilespmem:s18], [sflag:$0x1] =	stream.indirect.gather [hbm4b:s4+s12], $0x20, s21, s12, $0xb8;
	[tilespmem:$0xF900] =	vst v63  }
0x100: {  	s21 =	sadd.s32 $0x4680, s19  }
0x101: {  	[tilespmem:s20], [sflag:$0x1] =	stream.indirect.gather [hbm4b:s4+s12], $0x20, s21, s12, $0xb8;
	[tilespmem:$0xF900] =	vst v63  }
0x102: {  	s19 =	sadd.s32 $0x4700, s19  }
0x103: {  	[tilespmem:s22], [sflag:$0x1] =	stream.indirect.gather [hbm4b:s4+s12], $0x20, s19, s12, $0xb8;
	[tilespmem:$0xF900] =	vst v63  }
0x104: {  	_ =	swait.ge [sflag:s29], $0x1000  }
0x105: {  	[sflag:s29] =	ssyncset.done $0x0  }
0x106: {  	[sflag:s29] =	ssyncadd.s32 $0xFFFFF000  }
0x107: {  	_ =	swait.ge [sflag:s29], $0x1000  }
0x108: {  	[sflag:s29] =	ssyncset.done $0x0  }
0x109: {  	[sflag:s29] =	ssyncadd.s32 $0xFFFFF000  }
0x10a: {  	_ =	swait.ge [sflag:s29], $0x1000  }
0x10b: {  	[sflag:s29] =	ssyncset.done $0x0  }
0x10c: {  	[sflag:s29] =	ssyncadd.s32 $0xFFFFF000  }
0x10d: {  	_ =	swait.ge [sflag:s29], $0x1000  }
0x10e: {  	[sflag:s29] =	ssyncset.done $0x0  }
0x10f: {  	[sflag:s29] =	ssyncadd.s32 $0xFFFFF000  }
0x110: {  	_ =	swait.ge [sflag:s29], $0x1000  }
.Ltmp1:
0x111: {  	[sflag:s29] =	ssyncset.done $0x0;
	(pc) =	sbr.rel @p0 .LBB2_4-.Ltmp1, $4  }
0x112: {  	s21 =	sadd.s32 s17, s10;
	[sflag:s29] =	ssyncadd.s32 $0xFFFFF000  }
0x113: {  	[hbm4b:s21+s2] =	stream.linear.scatter [tilespmem:s23], [sflag:$0x3], $0x5000, $0x38;
	[tilespmem:$0xF900] =	vst v63  }
0x114: {  	s17 =	smov.u32 s30;
	_ =	swait.ge [sflag:s11], $0x5000  }
0x115: {  	s19 =	sshra.s32 s17, $0x2;
	s21 =	smov.u32 s31;
	[sflag:s11] =	ssyncset.done $0x0  }
0x116: {  	s1 =	sadd.s32 $0x4280, s19;
	[sflag:s11] =	ssyncadd.s32 $0xFFFFB000  }
0x117: {  	[tilespmem:s23], [sflag:$0x2] =	stream.indirect.gather [hbm4b:s4+s12], $0x20, s1, s12, $0xb8;
	[tilespmem:$0xF900] =	vst v63  }
0x118: {  	s31 =	sadd.s32 $0x4300, s19  }
0x119: {  	[tilespmem:s24], [sflag:$0x2] =	stream.indirect.gather [hbm4b:s4+s12], $0x20, s31, s12, $0xb8;
	[tilespmem:$0xF900] =	vst v63  }
0x11a: {  	s21 =	sadd.s32 $0x4380, s19  }
0x11b: {  	[tilespmem:s25], [sflag:$0x2] =	stream.indirect.gather [hbm4b:s4+s12], $0x20, s21, s12, $0xb8;
	[tilespmem:$0xF900] =	vst v63  }
0x11c: {  	s30 =	sadd.s32 $0x4400, s19  }
0x11d: {  	[tilespmem:s26], [sflag:$0x2] =	stream.indirect.gather [hbm4b:s4+s12], $0x20, s30, s12, $0xb8;
	[tilespmem:$0xF900] =	vst v63  }
0x11e: {  	s31 =	sadd.s32 $0x4480, s19  }
0x11f: {  	[tilespmem:s28], [sflag:$0x2] =	stream.indirect.gather [hbm4b:s4+s12], $0x20, s31, s12, $0xb8;
	[tilespmem:$0xF900] =	vst v63  }
0x120: {  	_ =	swait.ge [sflag:s3], $0x1000  }
0x121: {  	[sflag:s3] =	ssyncset.done $0x0  }
0x122: {  	[sflag:s3] =	ssyncadd.s32 $0xFFFFF000  }
0x123: {  	_ =	swait.ge [sflag:s3], $0x1000  }
0x124: {  	[sflag:s3] =	ssyncset.done $0x0  }
0x125: {  	[sflag:s3] =	ssyncadd.s32 $0xFFFFF000  }
0x126: {  	_ =	swait.ge [sflag:s3], $0x1000  }
0x127: {  	[sflag:s3] =	ssyncset.done $0x0  }
0x128: {  	[sflag:s3] =	ssyncadd.s32 $0xFFFFF000  }
0x129: {  	_ =	swait.ge [sflag:s3], $0x1000  }
0x12a: {  	[sflag:s3] =	ssyncset.done $0x0  }
0x12b: {  	[sflag:s3] =	ssyncadd.s32 $0xFFFFF000  }
0x12c: {  	_ =	swait.ge [sflag:s3], $0x1000  }
0x12d: {  	s21 =	rddreg [dreg:$0x2];
	[sflag:s3] =	ssyncset.done $0x0  }
0x12e: {  	[sflag:s3] =	ssyncadd.s32 $0xFFFFF000;
	s1 =	sadd.s32 s17, s21  }
0x12f: {  	[hbm4b:s1+s2] =	stream.linear.scatter [tilespmem:s14], [sflag:$0x3], $0x5000, $0x38;
	[tilespmem:$0xF900] =	vst v63  }
0x130: {  	_ =	swait.ge [sflag:s11], $0x5000  }
0x131: {  	[sflag:s11] =	ssyncset.done $0x0  }
0x132: {  	s30 =	sadd.s32 $0x4500, s19;
	[sflag:s11] =	ssyncadd.s32 $0xFFFFB000  }
0x133: {  	[tilespmem:s14], [sflag:$0x1] =	stream.indirect.gather [hbm4b:s4+s12], $0x20, s30, s12, $0xb8;
	[tilespmem:$0xF900] =	vst v63  }
0x134: {  	s31 =	sadd.s32 $0x4580, s19  }
0x135: {  	[tilespmem:s16], [sflag:$0x1] =	stream.indirect.gather [hbm4b:s4+s12], $0x20, s31, s12, $0xb8;
	[tilespmem:$0xF900] =	vst v63  }
0x136: {  	s21 =	sadd.s32 $0x4600, s19  }
0x137: {  	[tilespmem:s18], [sflag:$0x1] =	stream.indirect.gather [hbm4b:s4+s12], $0x20, s21, s12, $0xb8;
	[tilespmem:$0xF900] =	vst v63  }
0x138: {  	s30 =	sadd.s32 $0x4680, s19  }
0x139: {  	[tilespmem:s20], [sflag:$0x1] =	stream.indirect.gather [hbm4b:s4+s12], $0x20, s30, s12, $0xb8;
	[tilespmem:$0xF900] =	vst v63  }
0x13a: {  	s31 =	sadd.s32 $0x4700, s19  }
0x13b: {  	[tilespmem:s22], [sflag:$0x1] =	stream.indirect.gather [hbm4b:s4+s12], $0x20, s31, s12, $0xb8;
	[tilespmem:$0xF900] =	vst v63  }
0x13c: {  	_ =	swait.ge [sflag:s29], $0x1000  }
0x13d: {  	[sflag:s29] =	ssyncset.done $0x0  }
0x13e: {  	[sflag:s29] =	ssyncadd.s32 $0xFFFFF000  }
0x13f: {  	_ =	swait.ge [sflag:s29], $0x1000  }
0x140: {  	[sflag:s29] =	ssyncset.done $0x0  }
0x141: {  	[sflag:s29] =	ssyncadd.s32 $0xFFFFF000  }
0x142: {  	_ =	swait.ge [sflag:s29], $0x1000  }
0x143: {  	[sflag:s29] =	ssyncset.done $0x0  }
0x144: {  	[sflag:s29] =	ssyncadd.s32 $0xFFFFF000  }
0x145: {  	_ =	swait.ge [sflag:s29], $0x1000  }
0x146: {  	[sflag:s29] =	ssyncset.done $0x0  }
0x147: {  	[sflag:s29] =	ssyncadd.s32 $0xFFFFF000  }
0x148: {  	_ =	swait.ge [sflag:s29], $0x1000  }
0x149: {  	[sflag:s29] =	ssyncset.done $0x0  }
0x14a: {  	s19 =	sadd.s32 s17, s10;
	[sflag:s29] =	ssyncadd.s32 $0xFFFFF000  }
0x14b: {  	[hbm4b:s19+s2] =	stream.linear.scatter [tilespmem:s23], [sflag:$0x3], $0x5000, $0x38;
	[tilespmem:$0xF900] =	vst v63  }
0x14c: {  	_ =	swait.ge [sflag:s11], $0x5000  }
0x14d: {  	[sflag:s11] =	ssyncset.done $0x0  }
0x14e: {  	s21 =	simm.s32 $0x5680;
	[sflag:s11] =	ssyncadd.s32 $0xFFFFB000  }
0x14f: {  	[tilespmem:s23], [sflag:$0x2] =	stream.indirect.gather [hbm4b:s4+s12], $0x20, s21, s12, $0xb8;
	[tilespmem:$0xF900] =	vst v63  }
0x150: {  	s30 =	simm.s32 $0x5700  }
0x151: {  	[tilespmem:s24], [sflag:$0x2] =	stream.indirect.gather [hbm4b:s4+s12], $0x20, s30, s12, $0xb8;
	[tilespmem:$0xF900] =	vst v63  }
0x152: {  	s31 =	simm.s32 $0x5780  }
0x153: {  	[tilespmem:s25], [sflag:$0x2] =	stream.indirect.gather [hbm4b:s4+s12], $0x20, s31, s12, $0xb8;
	[tilespmem:$0xF900] =	vst v63  }
0x154: {  	_ = 	snop  }
0x155: {  	[tilespmem:s26], [sflag:$0x2] =	stream.indirect.gather [hbm4b:s4+s12], $0x20, s0, s12, $0xb8;
	[tilespmem:$0xF900] =	vst v63  }
0x156: {  	_ = 	snop  }
0x157: {  	[tilespmem:s28], [sflag:$0x2] =	stream.indirect.gather [hbm4b:s4+s12], $0x20, s13, s12, $0xb8;
	[tilespmem:$0xF900] =	vst v63  }
0x158: {  	_ =	swait.ge [sflag:s3], $0x1000  }
0x159: {  	[sflag:s3] =	ssyncset.done $0x0  }
0x15a: {  	[sflag:s3] =	ssyncadd.s32 $0xFFFFF000  }
0x15b: {  	_ =	swait.ge [sflag:s3], $0x1000  }
0x15c: {  	[sflag:s3] =	ssyncset.done $0x0  }
0x15d: {  	[sflag:s3] =	ssyncadd.s32 $0xFFFFF000  }
0x15e: {  	_ =	swait.ge [sflag:s3], $0x1000  }
0x15f: {  	[sflag:s3] =	ssyncset.done $0x0  }
0x160: {  	[sflag:s3] =	ssyncadd.s32 $0xFFFFF000  }
0x161: {  	_ =	swait.ge [sflag:s3], $0x1000  }
0x162: {  	[sflag:s3] =	ssyncset.done $0x0  }
0x163: {  	[sflag:s3] =	ssyncadd.s32 $0xFFFFF000  }
0x164: {  	_ =	swait.ge [sflag:s3], $0x1000  }
0x165: {  	[sflag:s3] =	ssyncset.done $0x0  }
0x166: {  	[sflag:s3] =	ssyncadd.s32 $0xFFFFF000  }
0x167: {  	[hbm4b:s8+s2] =	stream.linear.scatter [tilespmem:s14], [sflag:$0x3], $0x5000, $0x38;
	[tilespmem:$0xF900] =	vst v63  }
0x168: {  	_ =	swait.ge [sflag:s11], $0x5000  }
0x169: {  	[sflag:s11] =	ssyncset.done $0x0  }
0x16a: {  	[sflag:s11] =	ssyncadd.s32 $0xFFFFB000  }
0x16b: {  	_ =	swait.ge [sflag:s29], $0x1000  }
0x16c: {  	[sflag:s29] =	ssyncset.done $0x0  }
0x16d: {  	[sflag:s29] =	ssyncadd.s32 $0xFFFFF000  }
0x16e: {  	_ =	swait.ge [sflag:s29], $0x1000  }
0x16f: {  	[sflag:s29] =	ssyncset.done $0x0  }
0x170: {  	[sflag:s29] =	ssyncadd.s32 $0xFFFFF000  }
0x171: {  	_ =	swait.ge [sflag:s29], $0x1000  }
0x172: {  	[sflag:s29] =	ssyncset.done $0x0  }
0x173: {  	[sflag:s29] =	ssyncadd.s32 $0xFFFFF000  }
0x174: {  	_ =	swait.ge [sflag:s29], $0x1000  }
0x175: {  	[sflag:s29] =	ssyncset.done $0x0  }
0x176: {  	[sflag:s29] =	ssyncadd.s32 $0xFFFFF000  }
0x177: {  	s15 =	sadd.s32 $0x1, s15;
	_ =	swait.ge [sflag:s29], $0x1000  }
0x178: {  	p0 =	sne.s32 s15, s7;
	[sflag:s29] =	ssyncset.done $0x0  }
.Ltmp2:
0x179: {  	[sflag:s29] =	ssyncadd.s32 $0xFFFFF000;
	(pc) =	sbr.rel @p0 .LBB2_1-.Ltmp2, $4  }
0x17a: {  	[hbm4b:s9+s2] =	stream.linear.scatter [tilespmem:s23], [sflag:$0x3], $0x5000, $0x38;
	[tilespmem:$0xF900] =	vst v63  }
0x17b: {  	_ =	swait.ge [sflag:s11], $0x5000  }
0x17c: {  	[sflag:s11] =	ssyncset.done $0x0  }
0x17d: {  	[sflag:s11] =	ssyncadd.s32 $0xFFFFB000  }
0x17e: {  	_ =	sfence.sel $0x180000  }
0x17f: {  	[bflag:$0x0] =	sbarrier.arrive $0xFFFF  }
0x180: {  	_ =	strace $0x90000047  }
0x181: {  	s0 =	stileid.u32;
	[bflag:$0x2] =	sbarrier.arrive $0xFFFF  }
0x182: {  	p0 =	sne.s32 s0, $0x0;
	s0 =	rddreg [dreg:$0x1]  }
0x183: {  	s0 =	sadd.s32 @!p0 $0x100000, s0  }
0x184: {  	[sflag:s0] =	ssyncadd.tile.s32 @!p0 $0x1;
	_ =	shalt  }
.Lfunc_end2:
_tile_overlayer_lowered:
.L_overlay_start_2:
0x185: {  	(tag) =	ssettag $0x2  }
0x186: {  	s0 =	rddreg [dreg:$0x0];
	s2 =	stileid.u32  }
0x187: {  	s1 =	rddreg [dreg:$0x1];
	p0 =	sne.s32 s2, $0x0  }
0x188: {  	s3 =	rddreg [dreg:$0x2];
	[bflag:$0x3] =	sbarrier.arrive $0xFFFF;
	s2 =	simm.s32 @!p0 $0x1C03  }
0x189: {  	[timem:s3], [sflag:s2] =	dma.local @!p0 [hbm:s0], s1  }
0x18a: {  	s0 =	simm.s32 @!p0 $0x3  }
0x18b: {  	_ =	swait.ge @!p0 [sflag:s0], s1  }
0x18c: {  	s1 =	ssub.s32 @!p0 $0x0, s1;
	[sflag:s0] =	ssyncset.done @!p0 $0x0  }
0x18d: {  	[sflag:s0] =	ssyncadd.s32 @!p0 s1  }
0x18e: {  	[bflag:$0x3] =	sbarrier.arrive $0xFFFF  }
0x18f: {  	_ =	shalt  }

// kernel: kernel.9.cloned.1.call-start
scs
__scs_entry_jumppad:
0x0: {  	(pc) =	sbr.rel $0x88, $3  }
0x1: {  	(tag) =	ssettag $0x0;
	lr =	simm.s32 $0x1  }
0x2: {  	[smem:$0x3F9E] =	sst lr;
	_ =	strace $0xD0000000  }
0x3: {  	_ = 	snop  }
0x4: {  	_ = 	snop  }
0x5: {  	_ = 	snop  }
0x6: {  	_ = 	snop  }
0x7: {  	_ = 	snop  }
__scs_overlays_trampoline_lowered:
0x8: {  	[smem:$0x3FAD] =	sst s0  }
0x9: {  	[smem:$0x3FAE] =	sst s1  }
0xa: {  	[smem:$0x3FAF] =	sst s2  }
0xb: {  	[smem:$0x3FB0] =	sst s3  }
0xc: {  	[smem:$0x3FB1] =	sst s4  }
0xd: {  	[smem:$0x3FB2] =	sst s5  }
0xe: {  	[smem:$0x3FB3] =	sst s6  }
0xf: {  	[smem:$0x3FB4] =	sst s7  }
0x10: {  	[smem:$0x3FB5] =	sst s8  }
0x11: {  	[smem:$0x3FB6] =	sst s9;
	s0 =	simm.s32 @!p0 $0x0  }
0x12: {  	s1 =	sld [smem:$0x3F9C];
	s0 =	simm.s32 @p0 $0x1  }
0x13: {  	[smem:$0x3FB7] =	sst s0;
	s0 =	simm.s32 @!p1 $0x0  }
0x14: {  	s2 =	sld [smem:$0x3F9B];
	s0 =	simm.s32 @p1 $0x1  }
0x15: {  	[smem:$0x3FB8] =	sst s0;
	s0 =	simm.s32 @!p2 $0x0  }
0x16: {  	s3 =	sld [smem:$0x3FDB];
	s0 =	simm.s32 @p2 $0x1  }
0x17: {  	s4 =	simm.s32 $0x1BF5;
	[smem:$0x3FBA] =	sst s0  }
0x18: {  	s0 =	sld [smem:$0x3F9D];
	_ =	swait.ge [sflag:s4], $0x0  }
0x19: {  	s7 =	sld [smem:$0x3F9E]  }
0x1a: {  	s8 =	sadd.s32 $0xFFFFE003, lr  }
0x1b: {  	s9 =	sadd.s32 $0xFFFFFEF7, lr;
	s5 =	simm.s32 $0xFFFFFFFF;
	p2 =	slt.u32 s8, $0xFFFFF086  }
0x1c: {  	p1 =	slt.u32 s9, $0xF7A;
	s5 =	simm.s32 @!p2 $0x0  }
0x1d: {  	s5 =	simm.s32 @p1 $0x1;
	p0 =	seq.s32 s7, s2  }
0x1e: {  	s7 =	smul.u32 @!p0 $0xF7A, s2;
	p2 =	seq.s32 @!p0 s5, $0x0  }
0x1f: {  	s9 =	smul.u32 $0xF7A, s1;
	s8 =	simm.s32 @!p0 $0x1BF5;
	p2 =	por !p2, p0  }
0x20: {  	[sflag:s8] =	ssyncset.s32 @!p0 $0xFFFFF086;
	s6 =	sadd.s32 @!p0 s3, s7;
	s7 =	simm.s32 @!p0 $0x108  }
0x21: {  	s3 =	sadd.s32 s3, s9;
	s6 =	sadd.s32 @!p0 $0x88, s6;
	s7 =	simm.s32 @p2 $0x1082  }
0x22: {  	[simem:s7], [sflag:s8] =	dma.local @!p0 [hbm:s6], $0xF7A  }
0x23: {  	s9 =	sor.u32 $0xD0000000, s2;
	s6 =	simm.s32 $0x108;
	_ =	swait.ge @!p0 [sflag:s8], $0x0  }
0x24: {  	s3 =	sadd.s32 $0x88, s3;
	s6 =	simm.s32 @!p1 $0x1082;
	[sflag:s4] =	ssyncset.s32 $0xFFFFF086  }
0x25: {  	[simem:s6], [sflag:s4] =	dma.local [hbm:s3], $0xF7A  }
0x26: {  	[smem:$0x3F9E] =	sst s1;
	(tag) =	ssettag s2;
	_ =	strace s9  }
0x27: {  	s1 =	sld [smem:$0x3FAE]  }
0x28: {  	s2 =	sld [smem:$0x3FAF]  }
0x29: {  	s4 =	sld [smem:$0x3FB1]  }
0x2a: {  	p0 =	seq.s32 s5, $0x0;
	s5 =	sld [smem:$0x3FB2]  }
0x2b: {  	s6 =	sld [smem:$0x3FB3]  }
0x2c: {  	s7 =	sld [smem:$0x3FB4]  }
0x2d: {  	s3 =	simm.s32 $0x108;
	s8 =	sld [smem:$0x3FB5]  }
0x2e: {  	s3 =	simm.s32 @!p0 $0x1082;
	s9 =	sld [smem:$0x3FB6]  }
0x2f: {  	lr =	sadd.s32 s0, s3;
	s0 =	sld [smem:$0x3FAD]  }
0x30: {  	s3 =	sld [smem:$0x3FB0]  }
0x31: {  	[smem:$0x3FB9] =	sst s10  }
0x32: {  	s10 =	sld [smem:$0x3FB7];
	_ =	sdelay $0x3  }
0x33: {  	p0 =	seq.s32 s10, $0x1;
	s10 =	sld [smem:$0x3FB9];
	_ =	sdelay $0x3  }
0x34: {  	[smem:$0x3FB9] =	sst s10  }
0x35: {  	s10 =	sld [smem:$0x3FB8];
	_ =	sdelay $0x3  }
0x36: {  	p1 =	seq.s32 s10, $0x1;
	s10 =	sld [smem:$0x3FB9];
	_ =	sdelay $0x3  }
0x37: {  	[smem:$0x3FB9] =	sst s10  }
0x38: {  	s10 =	sld [smem:$0x3FBA]  }
0x39: {  	_ = 	snop;
	(pc) =	sbr.ind lr, $3  }
0x3a: {  	_ = 	snop  }
0x3b: {  	_ = 	snop  }
0x3c: {  	p2 =	seq.s32 s10, $0x1;
	s10 =	sld [smem:$0x3FB9]  }
0x3d: {  	_ =	shalt  }
0x3e: {  	_ =	shalt  }
0x3f: {  	_ =	shalt  }
0x40: {  	_ =	shalt  }
0x41: {  	_ =	shalt  }
0x42: {  	_ =	shalt  }
0x43: {  	_ =	shalt  }
0x44: {  	_ =	shalt  }
0x45: {  	_ =	shalt  }
0x46: {  	_ =	shalt  }
0x47: {  	_ =	shalt  }
0x48: {  	_ =	shalt  }
0x49: {  	_ =	shalt  }
0x4a: {  	_ =	shalt  }
0x4b: {  	_ =	shalt  }
0x4c: {  	_ =	shalt  }
0x4d: {  	_ =	shalt  }
0x4e: {  	_ =	shalt  }
0x4f: {  	_ =	shalt  }
0x50: {  	_ =	shalt  }
0x51: {  	_ =	shalt  }
0x52: {  	_ =	shalt  }
0x53: {  	_ =	shalt  }
0x54: {  	_ =	shalt  }
0x55: {  	_ =	shalt  }
0x56: {  	_ =	shalt  }
0x57: {  	_ =	shalt  }
0x58: {  	_ =	shalt  }
0x59: {  	_ =	shalt  }
0x5a: {  	_ =	shalt  }
0x5b: {  	_ =	shalt  }
0x5c: {  	_ =	shalt  }
0x5d: {  	_ =	shalt  }
0x5e: {  	_ =	shalt  }
0x5f: {  	_ =	shalt  }
0x60: {  	_ =	shalt  }
0x61: {  	_ =	shalt  }
0x62: {  	_ =	shalt  }
0x63: {  	_ =	shalt  }
0x64: {  	_ =	shalt  }
0x65: {  	_ =	shalt  }
0x66: {  	_ =	shalt  }
0x67: {  	_ =	shalt  }
0x68: {  	_ =	shalt  }
0x69: {  	_ =	shalt  }
0x6a: {  	_ =	shalt  }
0x6b: {  	_ =	shalt  }
0x6c: {  	_ =	shalt  }
0x6d: {  	_ =	shalt  }
0x6e: {  	_ =	shalt  }
0x6f: {  	_ =	shalt  }
0x70: {  	_ =	shalt  }
0x71: {  	_ =	shalt  }
0x72: {  	_ =	shalt  }
0x73: {  	_ =	shalt  }
0x74: {  	_ =	shalt  }
0x75: {  	_ =	shalt  }
0x76: {  	_ =	shalt  }
0x77: {  	_ =	shalt  }
0x78: {  	_ =	shalt  }
0x79: {  	_ =	shalt  }
0x7a: {  	_ =	shalt  }
0x7b: {  	_ =	shalt  }
0x7c: {  	_ =	shalt  }
0x7d: {  	_ =	shalt  }
0x7e: {  	_ =	shalt  }
0x7f: {  	_ =	shalt  }
0x80: {  	_ =	shalt  }
0x81: {  	_ =	shalt  }
0x82: {  	_ =	shalt  }
0x83: {  	_ =	shalt  }
0x84: {  	_ =	shalt  }
0x85: {  	_ =	shalt  }
0x86: {  	_ =	shalt  }
0x87: {  	_ =	shalt  }
.Lfunc_end0:
.L_simem_size_0:
called_computation.1_lowered:
.L_overlay_start_0:
0x88: {  	s2 =	sld [smem:$0x3FD9]  }
0x89: {  	s3 =	sld [smem:$0x3FFE];
	_ =	sdelay $0x1  }
0x8a: {  	s1 =	srdreg.scid  }
0x8b: {  	s0 =	sand.u32 $0x1, s1  }
0x8c: {  	s17 =	sshll.u32 s0, $0xA;
	s2 =	sadd.s32 s3, s2  }
0x8d: {  	s2 =	sadd.s32 s2, s17  }
0x8e: {  	[smem:$0x3FC5] =	sst s2  }
0x8f: {  	_ = 	snop  }
0x90: {  	(tm) =	ssettm $0x1  }
0x91: {  	s18 =	sld [smem:$0x3FFB];
	_ =	sdelay $0x3  }
0x92: {  	_ =	strace s18  }
0x93: {  	s2 =	sld [smem:$0x3FFC];
	_ =	sdelay $0x3  }
0x94: {  	_ =	strace s2  }
0x95: {  	s2 =	sld [smem:$0x3FFD];
	_ =	sdelay $0x3  }
0x96: {  	_ =	strace s2  }
0x97: {  	_ =	strace $0x8FFFFFFF  }
0x98: {  	s19 =	sld [smem:$0x3FDB];
	_ =	sdelay $0x1  }
0x99: {  	s20 =	simm.s32 $_scs_section_size  }
0x9a: {  	s4 =	simm.s32 $_size__tile_overlayer_lowered;
	s5 =	simm.s32 $_tile_overlayer_lowered  }
0x9b: {  	s6 =	simm.s32 $0x1BFF;
	s21 =	sshll.u32 s5, $0x1;
	s3 =	sadd.s32 s20, s19  }
0x9c: {  	s22 =	simm.s32 $0x0;
	s4 =	sshll.u32 s4, $0x1;
	s5 =	sadd.s32 s21, s3  }
0x9d: {  	[timem:s22], [sflag:s6] =	dma.local [hbm:s5], s4  }
0x9e: {  	_ =	swait.ge [sflag:s6], s4  }
0x9f: {  	s4 =	ssub.s32 $0x0, s4;
	[sflag:s6] =	ssyncset.done $0x0  }
0xa0: {  	[sflag:s6] =	ssyncadd.s32 s4;
	_ =	sdelay $0x1  }
0xa1: {  	s23 =	simm.s32 $0x1B8B  }
0xa2: {  	_ =	swait.ge [sflag:s23], $0x1  }
0xa3: {  	[sflag:s23] =	ssyncset.done $0x0  }
0xa4: {  	[sflag:s23] =	ssyncadd.s32 $0xFFFFFFFF  }
0xa5: {  	s4 =	sld [smem:$0x0]  }
0xa6: {  	s5 =	sand.u32 $0xFFFFFFFE, s1  }
0xa7: {  	p0 =	sne.s32 s1, s5  }
0xa8: {  	s5 =	sshll.u32 @p0 s5, $0xE  }
0xa9: {  	s5 =	sadd.s32 @p0 $0x11B8D, s5;
	s6 =	sshll.u32 @p0 s4, $0x11  }
0xaa: {  	s5 =	sor.u32 @p0 s6, s5  }
0xab: {  	[sflag:s5] =	ssyncadd.remote.s32 @p0 $0x1;
	_ =	sdelay $0x1  }
0xac: {  	s5 =	simm.s32 @p0 $0x1B8D  }
0xad: {  	_ =	swait.eq @p0 [sflag:s5], $0x1  }
0xae: {  	[sflag:s5] =	ssyncadd.s32 @p0 $0xFFFFFFFF  }
0xaf: {  	s6 =	sshll.u32 @!p0 s1, $0xE  }
0xb0: {  	s6 =	sor.u32 @!p0 $0x4000, s6;
	s5 =	simm.s32 @!p0 $0x1B8D  }
0xb1: {  	s4 =	sshll.u32 @!p0 s4, $0x11;
	s6 =	sadd.s32 @!p0 $0x11B8D, s6;
	_ =	swait.eq @!p0 [sflag:s5], $0x1  }
0xb2: {  	s4 =	sor.u32 @!p0 s4, s6;
	[sflag:s5] =	ssyncadd.s32 @!p0 $0xFFFFFFFF  }
0xb3: {  	s25 =	simm.s32 $0x1B8E;
	s24 =	sld [smem:$0x3FFE];
	[sflag:s4] =	ssyncadd.remote.s32 @!p0 $0x1  }
0xb4: {  	s26 =	simm.s32 $execute0_lowered;
	[smem:$0x3FD2] =	sst s25  }
0xb5: {  	s5 =	sshll.u32 s26, $0x1;
	_ =	strace $0x80000049;
	[dreg:$0x1] =	wrdreg $0xFFFFFFFF  }
0xb6: {  	s28 =	simm.s32 $_size_execute0_lowered;
	s3 =	sadd.s32 s3, s5;
	[dreg:$0x0] =	wrdreg $0x0  }
0xb7: {  	s5 =	sshll.u32 s28, $0x1;
	[dreg:$0x2] =	wrdreg s3  }
0xb8: {  	[dreg:$0x3] =	wrdreg s5  }
0xb9: {  	[dreg:$0x4] =	wrdreg $0xC0  }
0xba: {  	_ =	task [dreg:s22], $0x5FFFF  }
0xbb: {  	[dreg:$0x1] =	wrdreg $0xFFFFFFFF  }
0xbc: {  	[dreg:$0x0] =	wrdreg $0x60  }
0xbd: {  	[dreg:$0x2] =	wrdreg s24  }
0xbe: {  	[dreg:$0x3] =	wrdreg $0xA  }
0xbf: {  	_ =	task.clear_ibuf [dreg:s22], $0x4FFFF;
	_ =	strace $0x90000049  }
0xc0: {  	s29 =	simm.s32 $0xA;
	_ =	strace $0x8000004B  }
0xc1: {  	_ =	swait.ge [sflag:s29], $0x1  }
0xc2: {  	[sflag:s29] =	ssyncadd.s32 $0xFFFFFFFF  }
0xc3: {  	_ =	strace $0x9000004B  }
0xc4: {  	_ =	sfence  }
0xc5: {  	s30 =	sld [smem:$0x0];
	_ =	sdelay $0x2  }
0xc6: {  	s31 =	sshll.u32 s1, $0xD;
	s1 =	sshrl.u32 s1, $0x2  }
0xc7: {  	s4 =	sand.u32 $0x4000, s31;
	s1 =	sadd.s32 s1, s30  }
0xc8: {  	s0 =	sor.u32 s4, s0;
	s1 =	sshll.u32 s1, $0x11  }
0xc9: {  	s0 =	sor.u32 s1, s0  }
0xca: {  	s0 =	sadd.s32 $0x8F2B, s0  }
0xcb: {  	[sflag:s0] =	ssyncadd.remote.s32 $0x1  }
0xcc: {  	_ =	sfence.sel $0xFFFF  }
0xcd: {  	[dreg:$0x0] =	wrdreg $0xFFFFFFFF;
	(pc) =	sbr.abs _section_cstart, $3  }
0xce: {  	[dreg:$0x1] =	wrdreg $0xFFFFFFFF  }
0xcf: {  	_ =	task.clear_ibuf [dreg:s22], $0x2FFFF;
	_ =	strace $0x9FFFFFFF  }
0xd0: {  	(tm) =	ssettm $0x7FFFFFFF  }
0xd1: {  	_ =	shalt  }
tec
execute0_lowered:
.L_overlay_start_1:
0x0: {  	(tag) =	ssettag $0x1  }
0x1: {  	v0 =	vimm.s32 $0x3180;
	vm14 =	vcmask $0x300  }
0x2: {  	v1 =	vimm.s32 $0x3380;
	vm13 =	vcmask $0x704;
	vm12 =	vcmask $0xB08  }
0x3: {  	vm11 =	vcmask $0xF0C;
	vm10 =	vcmask $0x1310;
	vm9 =	vcmask $0x1714  }
0x4: {  	vm8 =	vcmask $0x1B18;
	vm7 =	vcmask $0x1F1C;
	vm6 =	vcmask $0x2320  }
0x5: {  	vm5 =	vcmask $0x2724;
	vm4 =	vcmask $0x2B28;
	vm3 =	vcmask $0x2F2C  }
0x6: {  	vm2 =	vcmask $0x3330;
	vm1 =	vcmask $0x3734;
	vm0 =	vcmask $0x3B38  }
0x7: {  	v2 =	vimm.s32 $0x3580;
	v3 =	vimm.s32 $0x3780;
	v4 =	vimm.s32 $0x3980  }
0x8: {  	v5 =	vimm.s32 $0x3B80;
	v6 =	vimm.s32 $0x3D80;
	v7 =	vimm.s32 $0x3F80  }
0x9: {  	v0 =	vsel vm14, $0x0, v0;
	v1 =	vsel vm14, $0x200, v1;
	v2 =	vsel vm14, $0x400, v2  }
0xa: {  	v3 =	vsel vm14, $0x600, v3;
	v4 =	vsel vm14, $0x800, v4;
	v5 =	vsel vm14, $0xA00, v5  }
0xb: {  	v6 =	vsel vm14, $0xC00, v6;
	v7 =	vsel vm14, $0xE00, v7;
	v0 =	vsel vm13, $0x1000, v0  }
0xc: {  	v1 =	vsel vm13, $0x1200, v1;
	v2 =	vsel vm13, $0x1400, v2;
	v3 =	vsel vm13, $0x1600, v3  }
0xd: {  	v4 =	vsel vm13, $0x1800, v4;
	v5 =	vsel vm13, $0x1A00, v5;
	v6 =	vsel vm13, $0x1C00, v6  }
0xe: {  	v7 =	vsel vm13, $0x1E00, v7;
	v0 =	vsel vm12, $0x2000, v0;
	v1 =	vsel vm12, $0x2200, v1  }
0xf: {  	v2 =	vsel vm12, $0x2400, v2;
	v3 =	vsel vm12, $0x2600, v3;
	v4 =	vsel vm12, $0x2800, v4  }
0x10: {  	v5 =	vsel vm12, $0x2A00, v5;
	v6 =	vsel vm12, $0x2C00, v6;
	v7 =	vsel vm12, $0x2E00, v7  }
0x11: {  	v0 =	vsel vm11, $0x3000, v0;
	v1 =	vsel vm11, $0x3200, v1;
	v2 =	vsel vm11, $0x3400, v2  }
0x12: {  	v3 =	vsel vm11, $0x3600, v3;
	v4 =	vsel vm11, $0x3800, v4;
	v5 =	vsel vm11, $0x3A00, v5  }
0x13: {  	v6 =	vsel vm11, $0x3C00, v6;
	v7 =	vsel vm11, $0x3E00, v7;
	v0 =	vsel vm10, $0x80, v0  }
0x14: {  	v1 =	vsel vm10, $0x280, v1;
	v2 =	vsel vm10, $0x480, v2;
	v3 =	vsel vm10, $0x680, v3  }
0x15: {  	v4 =	vsel vm10, $0x880, v4;
	v5 =	vsel vm10, $0xA80, v5;
	v6 =	vsel vm10, $0xC80, v6  }
0x16: {  	v7 =	vsel vm10, $0xE80, v7;
	v0 =	vsel vm9, $0x1080, v0;
	v1 =	vsel vm9, $0x1280, v1  }
0x17: {  	v2 =	vsel vm9, $0x1480, v2;
	v3 =	vsel vm9, $0x1680, v3;
	v4 =	vsel vm9, $0x1880, v4  }
0x18: {  	v5 =	vsel vm9, $0x1A80, v5;
	v6 =	vsel vm9, $0x1C80, v6;
	v7 =	vsel vm9, $0x1E80, v7  }
0x19: {  	v0 =	vsel vm8, $0x2080, v0;
	v1 =	vsel vm8, $0x2280, v1;
	v2 =	vsel vm8, $0x2480, v2  }
0x1a: {  	v3 =	vsel vm8, $0x2680, v3;
	v4 =	vsel vm8, $0x2880, v4;
	v5 =	vsel vm8, $0x2A80, v5  }
0x1b: {  	v6 =	vsel vm8, $0x2C80, v6;
	v7 =	vsel vm8, $0x2E80, v7;
	v0 =	vsel vm7, $0x3080, v0  }
0x1c: {  	s0 =	srdreg.scid;
	v1 =	vsel vm7, $0x3280, v1;
	v2 =	vsel vm7, $0x3480, v2;
	v3 =	vsel vm7, $0x3680, v3  }
0x1d: {  	s11 =	stileid.u32;
	s2 =	simm.s32 $0x1;
	s5 =	rddreg [dreg:$0x0];
	v4 =	vsel vm7, $0x3880, v4;
	v5 =	vsel vm7, $0x3A80, v5;
	v6 =	vsel vm7, $0x3C80, v6  }
0x1e: {  	s12 =	simm.s32 $0x80;
	s14 =	simm.s32 $0x5900;
	s16 =	simm.s32 $0x6900;
	v7 =	vsel vm7, $0x3E80, v7;
	v0 =	vsel vm6, $0x100, v0;
	v1 =	vsel vm6, $0x300, v1  }
0x1f: {  	s18 =	simm.s32 $0x7900;
	s20 =	simm.s32 $0x8900;
	s22 =	simm.s32 $0x9900;
	v2 =	vsel vm6, $0x500, v2;
	v3 =	vsel vm6, $0x700, v3;
	v4 =	vsel vm6, $0x900, v4  }
0x20: {  	s23 =	simm.s32 $0xA900;
	s24 =	simm.s32 $0xB900;
	s28 =	simm.s32 $0xE900;
	v5 =	vsel vm6, $0xB00, v5;
	v6 =	vsel vm6, $0xD00, v6;
	v7 =	vsel vm6, $0xF00, v7  }
0x21: {  	s29 =	simm.s32 $0x2;
	s13 =	simm.s32 $0x5880;
	s15 =	simm.s32 $0x0;
	v0 =	vsel vm5, $0x1100, v0;
	v1 =	vsel vm5, $0x1300, v1;
	v2 =	vsel vm5, $0x1500, v2  }
0x22: {  	s0 =	sand.u32 $0x1, s0;
	s1 =	sshll.u32 s11, $0x1;
	s8 =	smul.u32 $0x3200, s11;
	v3 =	vsel vm5, $0x1700, v3;
	v4 =	vsel vm5, $0x1900, v4;
	v5 =	vsel vm5, $0x1B00, v5  }
0x23: {  	s9 =	sadd.s32 $0x25F600, s5;
	s1 =	sor.u32 s0, s1;
	s10 =	smul.u32 $0x1900, s0;
	v6 =	vsel vm5, $0x1D00, v6;
	v7 =	vsel vm5, $0x1F00, v7;
	v0 =	vsel vm4, $0x2100, v0  }
0x24: {  	p0 =	seq.s32 s0, $0x1;
	s7 =	ssub.s32 $0x2, s0;
	s0 =	smul.u32 $0x6400, s0;
	v1 =	vsel vm4, $0x2300, v1;
	v2 =	vsel vm4, $0x2500, v2;
	v3 =	vsel vm4, $0x2700, v3  }
0x25: {  	p1 =	seq.s32 s1, $0x0;
	s1 =	smul.u32 $0x6400, s1;
	s25 =	sshrl.u32 s7, $0x1;
	v4 =	vsel vm4, $0x2900, v4;
	v5 =	vsel vm4, $0x2B00, v5;
	v6 =	vsel vm4, $0x2D00, v6  }
0x26: {  	p1 =	por !p1, !p0;
	s7 =	ssub.s32 s7, s25;
	s8 =	sadd.s32 s10, s8;
	v7 =	vsel vm4, $0x2F00, v7;
	v0 =	vsel vm3, $0x3100, v0;
	v1 =	vsel vm3, $0x3300, v1  }
0x27: {  	s25 =	simm.s32 $0xC900;
	p1 =	por !p1, !p1;
	s7 =	smax.u32 s7, $0x1;
	v2 =	vsel vm3, $0x3500, v2;
	v3 =	vsel vm3, $0x3700, v3;
	v4 =	vsel vm3, $0x3900, v4  }
0x28: {  	s1 =	sadd.s32 s9, s1;
	s30 =	sshll.u32 s8, $0x2;
	s2 =	simm.s32 @!p1 $0x0;
	v5 =	vsel vm3, $0x3B00, v5;
	v6 =	vsel vm3, $0x3D00, v6;
	v7 =	vsel vm3, $0x3F00, v7  }
0x29: {  	s8 =	sadd.s32 $0x5000, s1;
	s31 =	sadd.s32 s9, s30;
	s2 =	ssub.s32 s11, s2;
	v0 =	vsel vm2, $0x180, v0;
	v1 =	vsel vm2, $0x380, v1;
	v2 =	vsel vm2, $0x580, v2  }
0x2a: {  	s11 =	smul.u32 $0xC800, s11;
	s3 =	sshll.u32 s2, $0xE;
	s2 =	simm.s32 $0x0;
	v3 =	vsel vm2, $0x780, v3;
	v4 =	vsel vm2, $0x980, v4;
	v5 =	vsel vm2, $0xB80, v5  }
0x2b: {  	s10 =	sadd.s32 $0xA00, s31;
	s3 =	sadd.s32 $0x40000, s3;
	[smem:$0x7FF] =	sst s2;
	v6 =	vsel vm2, $0xD80, v6;
	v7 =	vsel vm2, $0xF80, v7;
	v0 =	vsel vm1, $0x1180, v0  }
0x2c: {  	s26 =	sadd.s32 s11, s9;
	s9 =	sadd.s32 $0x5A00, s1;
	s11 =	simm.s32 $0x3;
	v1 =	vsel vm1, $0x1380, v1;
	v2 =	vsel vm1, $0x1580, v2;
	v3 =	vsel vm1, $0x1780, v3  }
0x2d: {  	s4 =	sshrl.u32 s3, $0x3;
	_ =	strace $0x8000004A;
	s3 =	simm.s32 $0x1;
	v4 =	vsel vm1, $0x1980, v4;
	v5 =	vsel vm1, $0x1B80, v5;
	v6 =	vsel vm1, $0x1D80, v6  }
0x2e: {  	s0 =	sadd.s32 s0, s26;
	s26 =	simm.s32 $0xD900;
	s6 =	sadd.s32 s4, s5;
	v7 =	vsel vm1, $0x1F80, v7;
	v0 =	vsel vm0, $0x2180, v0;
	v1 =	vsel vm0, $0x2380, v1  }
0x2f: {  	s4 =	sadd.s32 $0x10A00, s5;
	s5 =	simm.s32 $0x32;
	[dreg:$0x2] =	wrdreg s0;
	v2 =	vsel vm0, $0x2580, v2;
	v3 =	vsel vm0, $0x2780, v3;
	v4 =	vsel vm0, $0x2980, v4  }
0x30: {  	s0 =	simm.s32 $0x5800;
	s6 =	sadd.s32 $0xA00, s6;
	s5 =	simm.s32 @!p0 $0x0;
	v5 =	vsel vm0, $0x2B80, v5;
	v6 =	vsel vm0, $0x2D80, v6;
	v7 =	vsel vm0, $0x2F80, v7  }
.LBB2_1:
0x31: {  	s17 =	sadd.s32 $0x0, s5  }
0x32: {  	v8 =	vmov s17  }
0x33: {  	v8 =	vand.u32 $0x7F, v8  }
0x34: {  	v8 =	vbroadcast v8, $0x0;
	_ =	sdelay $0x1  }
0x35: {  	v9 =	vor.u32 v0, v8  }
0x36: {  	[tilespmem:s2], [sflag:$0x3] =	stream.linear.gather [hbm4b:s6+s2], $0x4000, $0x38;
	[tilespmem:$0xF900] =	vst v63  }
0x37: {  	_ =	swait.ge [sflag:s11], $0x4000  }
0x38: {  	[sflag:s11] =	ssyncset.done $0x0  }
0x39: {  	[sflag:s11] =	ssyncadd.s32 $0xFFFFC000  }
0x3a: {  	v9 =	vld.idx.msk [tilespmem:v9+s2+$0x0], $0xffff;
	_ =	sdelay $0x1  }
0x3b: {  	v10 =	vor.u32 v1, v8;
	_ =	sdelay $0x2  }
0x3c: {  	s17 =	simm.s32 $0x4040;
	v9 =	vshll.u32 v9, $0x2  }
0x3d: {  	[tilespmem:s17+$0xFFFFFFC0] =	vst v9  }
0x3e: {  	v9 =	vld.idx.msk [tilespmem:v10+s2+$0x0], $0xffff;
	_ =	sdelay $0x1  }
0x3f: {  	v10 =	vor.u32 v2, v8;
	_ =	sdelay $0x2  }
0x40: {  	v9 =	vshll.u32 v9, $0x2  }
0x41: {  	[tilespmem:s17+$0xFFFFFFD0] =	vst v9  }
0x42: {  	v9 =	vld.idx.msk [tilespmem:v10+s2+$0x0], $0xffff;
	_ =	sdelay $0x1  }
0x43: {  	v10 =	vor.u32 v3, v8;
	_ =	sdelay $0x2  }
0x44: {  	v9 =	vshll.u32 v9, $0x2  }
0x45: {  	[tilespmem:s17+$0xFFFFFFE0] =	vst v9  }
0x46: {  	v9 =	vld.idx.msk [tilespmem:v10+s2+$0x0], $0xffff;
	_ =	sdelay $0x1  }
0x47: {  	v10 =	vor.u32 v4, v8;
	_ =	sdelay $0x2  }
0x48: {  	v9 =	vshll.u32 v9, $0x2  }
0x49: {  	[tilespmem:s17+$0xFFFFFFF0] =	vst v9  }
0x4a: {  	v9 =	vld.idx.msk [tilespmem:v10+s2+$0x0], $0xffff;
	_ =	sdelay $0x1  }
0x4b: {  	v10 =	vor.u32 v5, v8;
	_ =	sdelay $0x2  }
0x4c: {  	v9 =	vshll.u32 v9, $0x2  }
0x4d: {  	[tilespmem:s17+$0x0] =	vst v9  }
0x4e: {  	v9 =	vld.idx.msk [tilespmem:v10+s2+$0x0], $0xffff;
	_ =	sdelay $0x1  }
0x4f: {  	v10 =	vor.u32 v6, v8;
	_ =	sdelay $0x2  }
0x50: {  	v9 =	vshll.u32 v9, $0x2  }
0x51: {  	[tilespmem:s17+$0x10] =	vst v9  }
0x52: {  	v9 =	vld.idx.msk [tilespmem:v10+s2+$0x0], $0xffff;
	_ =	sdelay $0x1  }
0x53: {  	v8 =	vor.u32 v7, v8;
	_ =	sdelay $0x2  }
0x54: {  	s21 =	sadd.s32 $0x1, s5;
	s19 =	simm.s32 $0x2;
	v9 =	vshll.u32 v9, $0x2  }
.LBB2_2:
0x55: {  	p0 =	sne.s32 s19, $0x31;
	v10 =	vmov s21;
	[tilespmem:s17+$0x20] =	vst v9  }
0x56: {  	v9 =	vand.u32 $0x7F, v10;
	v8 =	vld.idx.msk [tilespmem:v8+s2+$0x0], $0xffff  }
0x57: {  	v9 =	vbroadcast v9, $0x0;
	_ =	sdelay $0x1  }
0x58: {  	v10 =	vor.u32 v0, v9;
	_ =	sdelay $0x2  }
0x59: {  	v8 =	vshll.u32 v8, $0x2  }
0x5a: {  	[tilespmem:s17+$0x30] =	vst v8  }
0x5b: {  	v8 =	vld.idx.msk [tilespmem:v10+s2+$0x0], $0xffff;
	_ =	sdelay $0x2  }
0x5c: {  	v10 =	vor.u32 v1, v9;
	_ =	sdelay $0x2  }
0x5d: {  	s17 =	sadd.s32 $0x80, s17;
	v8 =	vshll.u32 v8, $0x2  }
0x5e: {  	[tilespmem:s17+$0xFFFFFFC0] =	vst v8  }
0x5f: {  	v8 =	vld.idx.msk [tilespmem:v10+s2+$0x0], $0xffff;
	_ =	sdelay $0x2  }
0x60: {  	v10 =	vor.u32 v2, v9;
	_ =	sdelay $0x2  }
0x61: {  	v8 =	vshll.u32 v8, $0x2  }
0x62: {  	[tilespmem:s17+$0xFFFFFFD0] =	vst v8  }
0x63: {  	v8 =	vld.idx.msk [tilespmem:v10+s2+$0x0], $0xffff;
	_ =	sdelay $0x2  }
0x64: {  	v10 =	vor.u32 v3, v9;
	_ =	sdelay $0x2  }
0x65: {  	v8 =	vshll.u32 v8, $0x2  }
0x66: {  	[tilespmem:s17+$0xFFFFFFE0] =	vst v8  }
0x67: {  	v8 =	vld.idx.msk [tilespmem:v10+s2+$0x0], $0xffff;
	_ =	sdelay $0x2  }
0x68: {  	v10 =	vor.u32 v4, v9;
	_ =	sdelay $0x2  }
0x69: {  	v8 =	vshll.u32 v8, $0x2  }
0x6a: {  	[tilespmem:s17+$0xFFFFFFF0] =	vst v8  }
0x6b: {  	v8 =	vld.idx.msk [tilespmem:v10+s2+$0x0], $0xffff;
	_ =	sdelay $0x2  }
0x6c: {  	v10 =	vor.u32 v5, v9;
	_ =	sdelay $0x2  }
0x6d: {  	v8 =	vshll.u32 v8, $0x2  }
0x6e: {  	[tilespmem:s17+$0x0] =	vst v8  }
0x6f: {  	v8 =	vld.idx.msk [tilespmem:v10+s2+$0x0], $0xffff;
	_ =	sdelay $0x2  }
0x70: {  	v10 =	vor.u32 v6, v9;
	_ =	sdelay $0x2  }
0x71: {  	v8 =	vshll.u32 v8, $0x2  }
0x72: {  	[tilespmem:s17+$0x10] =	vst v8  }
0x73: {  	v10 =	vld.idx.msk [tilespmem:v10+s2+$0x0], $0xffff;
	_ =	sdelay $0x1  }
.Ltmp0:
0x74: {  	(pc) =	sbr.rel @p0 .LBB2_2-.Ltmp0, $2  }
0x75: {  	v8 =	vor.u32 v7, v9;
	_ =	sdelay $0x2  }
0x76: {  	s21 =	sadd.s32 s19, s5;
	s19 =	sadd.s32 $0x1, s19;
	v9 =	vshll.u32 v10, $0x2  }
0x77: {  	_ =	sdelay $0x1  }
0x78: {  	v10 =	vmov s21  }
0x79: {  	[tilespmem:s17+$0x20] =	vst v9;
	v56 =	vand.u32 $0x7F, v10  }
0x7a: {  	v8 =	vld.idx.msk [tilespmem:v8+s2+$0x0], $0xffff;
	v9 =	vbroadcast v56, $0x0;
	_ =	sdelay $0x1  }
0x7b: {  	v57 =	vor.u32 v0, v9;
	_ =	sdelay $0x2  }
0x7c: {  	v8 =	vshll.u32 v8, $0x2  }
0x7d: {  	[tilespmem:s17+$0x30] =	vst v8  }
0x7e: {  	v8 =	vld.idx.msk [tilespmem:v57+s2+$0x0], $0xffff;
	_ =	sdelay $0x1  }
0x7f: {  	v58 =	vor.u32 v1, v9;
	_ =	sdelay $0x2  }
0x80: {  	s30 =	sadd.s32 $0x80, s17;
	v8 =	vshll.u32 v8, $0x2  }
0x81: {  	[tilespmem:s30+$0xFFFFFFC0] =	vst v8  }
0x82: {  	v8 =	vld.idx.msk [tilespmem:v58+s2+$0x0], $0xffff;
	_ =	sdelay $0x1  }
0x83: {  	v59 =	vor.u32 v2, v9;
	_ =	sdelay $0x2  }
0x84: {  	v8 =	vshll.u32 v8, $0x2  }
0x85: {  	[tilespmem:s30+$0xFFFFFFD0] =	vst v8  }
0x86: {  	v8 =	vld.idx.msk [tilespmem:v59+s2+$0x0], $0xffff;
	_ =	sdelay $0x1  }
0x87: {  	v60 =	vor.u32 v3, v9;
	_ =	sdelay $0x2  }
0x88: {  	v8 =	vshll.u32 v8, $0x2  }
0x89: {  	[tilespmem:s30+$0xFFFFFFE0] =	vst v8  }
0x8a: {  	v8 =	vld.idx.msk [tilespmem:v60+s2+$0x0], $0xffff;
	_ =	sdelay $0x1  }
0x8b: {  	v61 =	vor.u32 v4, v9;
	_ =	sdelay $0x2  }
0x8c: {  	v8 =	vshll.u32 v8, $0x2  }
0x8d: {  	[tilespmem:s30+$0xFFFFFFF0] =	vst v8  }
0x8e: {  	v8 =	vld.idx.msk [tilespmem:v61+s2+$0x0], $0xffff;
	_ =	sdelay $0x1  }
0x8f: {  	v62 =	vor.u32 v5, v9;
	_ =	sdelay $0x2  }
0x90: {  	v8 =	vshll.u32 v8, $0x2  }
0x91: {  	[tilespmem:s30+$0x0] =	vst v8  }
0x92: {  	v8 =	vld.idx.msk [tilespmem:v62+s2+$0x0], $0xffff;
	_ =	sdelay $0x1  }
0x93: {  	v63 =	vor.u32 v6, v9;
	_ =	sdelay $0x2  }
0x94: {  	v8 =	vshll.u32 v8, $0x2  }
0x95: {  	[tilespmem:s30+$0x10] =	vst v8  }
0x96: {  	v8 =	vld.idx.msk [tilespmem:v63+s2+$0x0], $0xffff;
	_ =	sdelay $0x1  }
0x97: {  	v9 =	vor.u32 v7, v9;
	_ =	sdelay $0x2  }
0x98: {  	v8 =	vshll.u32 v8, $0x2  }
0x99: {  	[tilespmem:s30+$0x20] =	vst v8  }
0x9a: {  	v8 =	vld.idx.msk [tilespmem:v9+s2+$0x0], $0xffff;
	_ =	sdelay $0x4  }
0x9b: {  	v8 =	vshll.u32 v8, $0x2  }
0x9c: {  	s1 =	simm.s32 $0x4000;
	[tilespmem:s30+$0x30] =	vst v8  }
0x9d: {  	[tilespmem:s14], [sflag:$0x1] =	stream.indirect.gather [hbm4b:s4+s12], $0x20, s1, s12, $0xb8;
	[tilespmem:$0xF900] =	vst v63  }
0x9e: {  	s31 =	simm.s32 $0x4080  }
0x9f: {  	[tilespmem:s16], [sflag:$0x1] =	stream.indirect.gather [hbm4b:s4+s12], $0x20, s31, s12, $0xb8;
	[tilespmem:$0xF900] =	vst v63  }
0xa0: {  	s17 =	simm.s32 $0x4100  }
0xa1: {  	[tilespmem:s18], [sflag:$0x1] =	stream.indirect.gather [hbm4b:s4+s12], $0x20, s17, s12, $0xb8;
	[tilespmem:$0xF900] =	vst v63  }
0xa2: {  	s19 =	simm.s32 $0x4180  }
0xa3: {  	[tilespmem:s20], [sflag:$0x1] =	stream.indirect.gather [hbm4b:s4+s12], $0x20, s19, s12, $0xb8;
	[tilespmem:$0xF900] =	vst v63  }
0xa4: {  	s21 =	simm.s32 $0x4200  }
0xa5: {  	[tilespmem:s22], [sflag:$0x1] =	stream.indirect.gather [hbm4b:s4+s12], $0x20, s21, s12, $0xb8;
	[tilespmem:$0xF900] =	vst v63  }
0xa6: {  	s30 =	simm.s32 $0x4280  }
0xa7: {  	[tilespmem:s23], [sflag:$0x2] =	stream.indirect.gather [hbm4b:s4+s12], $0x20, s30, s12, $0xb8;
	[tilespmem:$0xF900] =	vst v63  }
0xa8: {  	s31 =	simm.s32 $0x4300  }
0xa9: {  	[tilespmem:s24], [sflag:$0x2] =	stream.indirect.gather [hbm4b:s4+s12], $0x20, s31, s12, $0xb8;
	[tilespmem:$0xF900] =	vst v63  }
0xaa: {  	s1 =	simm.s32 $0x4380  }
0xab: {  	[tilespmem:s25], [sflag:$0x2] =	stream.indirect.gather [hbm4b:s4+s12], $0x20, s1, s12, $0xb8;
	[tilespmem:$0xF900] =	vst v63  }
0xac: {  	s19 =	simm.s32 $0x4400  }
0xad: {  	[tilespmem:s26], [sflag:$0x2] =	stream.indirect.gather [hbm4b:s4+s12], $0x20, s19, s12, $0xb8;
	[tilespmem:$0xF900] =	vst v63  }
0xae: {  	s21 =	simm.s32 $0x4480  }
0xaf: {  	[tilespmem:s28], [sflag:$0x2] =	stream.indirect.gather [hbm4b:s4+s12], $0x20, s21, s12, $0xb8;
	[tilespmem:$0xF900] =	vst v63  }
0xb0: {  	_ =	swait.ge [sflag:s3], $0x1000  }
0xb1: {  	[sflag:s3] =	ssyncset.done $0x0  }
0xb2: {  	[sflag:s3] =	ssyncadd.s32 $0xFFFFF000  }
0xb3: {  	_ =	swait.ge [sflag:s3], $0x1000  }
0xb4: {  	[sflag:s3] =	ssyncset.done $0x0  }
0xb5: {  	[sflag:s3] =	ssyncadd.s32 $0xFFFFF000  }
0xb6: {  	_ =	swait.ge [sflag:s3], $0x1000  }
0xb7: {  	[sflag:s3] =	ssyncset.done $0x0  }
0xb8: {  	[sflag:s3] =	ssyncadd.s32 $0xFFFFF000  }
0xb9: {  	_ =	swait.ge [sflag:s3], $0x1000  }
0xba: {  	[sflag:s3] =	ssyncset.done $0x0  }
0xbb: {  	[sflag:s3] =	ssyncadd.s32 $0xFFFFF000  }
0xbc: {  	_ =	swait.ge [sflag:s3], $0x1000  }
0xbd: {  	s30 =	rddreg [dreg:$0x2];
	[sflag:s3] =	ssyncset.done $0x0  }
0xbe: {  	[sflag:s3] =	ssyncadd.s32 $0xFFFFF000;
	s17 =	sadd.s32 $0x0, s30  }
0xbf: {  	[hbm4b:s17+s2] =	stream.linear.scatter [tilespmem:s14], [sflag:$0x3], $0x5000, $0x38;
	[tilespmem:$0xF900] =	vst v63  }
0xc0: {  	_ =	swait.ge [sflag:s11], $0x5000  }
0xc1: {  	[sflag:s11] =	ssyncset.done $0x0  }
0xc2: {  	s31 =	simm.s32 $0x4500;
	[sflag:s11] =	ssyncadd.s32 $0xFFFFB000  }
0xc3: {  	[tilespmem:s14], [sflag:$0x1] =	stream.indirect.gather [hbm4b:s4+s12], $0x20, s31, s12, $0xb8;
	[tilespmem:$0xF900] =	vst v63  }
0xc4: {  	s1 =	simm.s32 $0x4580  }
0xc5: {  	[tilespmem:s16], [sflag:$0x1] =	stream.indirect.gather [hbm4b:s4+s12], $0x20, s1, s12, $0xb8;
	[tilespmem:$0xF900] =	vst v63  }
0xc6: {  	s19 =	simm.s32 $0x4600  }
0xc7: {  	[tilespmem:s18], [sflag:$0x1] =	stream.indirect.gather [hbm4b:s4+s12], $0x20, s19, s12, $0xb8;
	[tilespmem:$0xF900] =	vst v63  }
0xc8: {  	s21 =	simm.s32 $0x4680  }
0xc9: {  	[tilespmem:s20], [sflag:$0x1] =	stream.indirect.gather [hbm4b:s4+s12], $0x20, s21, s12, $0xb8;
	[tilespmem:$0xF900] =	vst v63  }
0xca: {  	s30 =	simm.s32 $0x4700  }
0xcb: {  	[tilespmem:s22], [sflag:$0x1] =	stream.indirect.gather [hbm4b:s4+s12], $0x20, s30, s12, $0xb8;
	[tilespmem:$0xF900] =	vst v63  }
0xcc: {  	_ =	swait.ge [sflag:s29], $0x1000  }
0xcd: {  	[sflag:s29] =	ssyncset.done $0x0  }
0xce: {  	[sflag:s29] =	ssyncadd.s32 $0xFFFFF000  }
0xcf: {  	_ =	swait.ge [sflag:s29], $0x1000  }
0xd0: {  	[sflag:s29] =	ssyncset.done $0x0  }
0xd1: {  	[sflag:s29] =	ssyncadd.s32 $0xFFFFF000  }
0xd2: {  	_ =	swait.ge [sflag:s29], $0x1000  }
0xd3: {  	[sflag:s29] =	ssyncset.done $0x0  }
0xd4: {  	[sflag:s29] =	ssyncadd.s32 $0xFFFFF000  }
0xd5: {  	_ =	swait.ge [sflag:s29], $0x1000  }
0xd6: {  	[sflag:s29] =	ssyncset.done $0x0  }
0xd7: {  	[sflag:s29] =	ssyncadd.s32 $0xFFFFF000  }
0xd8: {  	_ =	swait.ge [sflag:s29], $0x1000  }
0xd9: {  	[sflag:s29] =	ssyncset.done $0x0  }
0xda: {  	s31 =	sadd.s32 $0x0, s10;
	[sflag:s29] =	ssyncadd.s32 $0xFFFFF000  }
0xdb: {  	[hbm4b:s31+s2] =	stream.linear.scatter [tilespmem:s23], [sflag:$0x3], $0x5000, $0x38;
	[tilespmem:$0xF900] =	vst v63  }
0xdc: {  	s17 =	simm.s32 $0x1400;
	_ =	swait.ge [sflag:s11], $0x5000  }
0xdd: {  	s19 =	simm.s32 $0x500;
	s21 =	simm.s32 $0x2800;
	[sflag:s11] =	ssyncset.done $0x0  }
.LBB2_4:
0xde: {  	s1 =	sadd.s32 $0x4280, s19;
	[sflag:s11] =	ssyncadd.s32 $0xFFFFB000;
	s30 =	smov.u32 s21  }
0xdf: {  	[tilespmem:s23], [sflag:$0x2] =	stream.indirect.gather [hbm4b:s4+s12], $0x20, s1, s12, $0xb8;
	[tilespmem:$0xF900] =	vst v63  }
0xe0: {  	s31 =	sadd.s32 $0x1400, s21;
	p0 =	sne.s32 s21, $0x3C00;
	s21 =	sadd.s32 $0x4300, s19  }
0xe1: {  	[tilespmem:s24], [sflag:$0x2] =	stream.indirect.gather [hbm4b:s4+s12], $0x20, s21, s12, $0xb8;
	[tilespmem:$0xF900] =	vst v63  }
0xe2: {  	s21 =	sadd.s32 $0x4380, s19  }
0xe3: {  	[tilespmem:s25], [sflag:$0x2] =	stream.indirect.gather [hbm4b:s4+s12], $0x20, s21, s12, $0xb8;
	[tilespmem:$0xF900] =	vst v63  }
0xe4: {  	s21 =	sadd.s32 $0x4400, s19  }
0xe5: {  	[tilespmem:s26], [sflag:$0x2] =	stream.indirect.gather [hbm4b:s4+s12], $0x20, s21, s12, $0xb8;
	[tilespmem:$0xF900] =	vst v63  }
0xe6: {  	s21 =	sadd.s32 $0x4480, s19  }
0xe7: {  	[tilespmem:s28], [sflag:$0x2] =	stream.indirect.gather [hbm4b:s4+s12], $0x20, s21, s12, $0xb8;
	[tilespmem:$0xF900] =	vst v63  }
0xe8: {  	_ =	swait.ge [sflag:s3], $0x1000  }
0xe9: {  	[sflag:s3] =	ssyncset.done $0x0  }
0xea: {  	[sflag:s3] =	ssyncadd.s32 $0xFFFFF000  }
0xeb: {  	_ =	swait.ge [sflag:s3], $0x1000  }
0xec: {  	[sflag:s3] =	ssyncset.done $0x0  }
0xed: {  	[sflag:s3] =	ssyncadd.s32 $0xFFFFF000  }
0xee: {  	_ =	swait.ge [sflag:s3], $0x1000  }
0xef: {  	[sflag:s3] =	ssyncset.done $0x0  }
0xf0: {  	[sflag:s3] =	ssyncadd.s32 $0xFFFFF000  }
0xf1: {  	_ =	swait.ge [sflag:s3], $0x1000  }
0xf2: {  	[sflag:s3] =	ssyncset.done $0x0  }
0xf3: {  	[sflag:s3] =	ssyncadd.s32 $0xFFFFF000  }
0xf4: {  	_ =	swait.ge [sflag:s3], $0x1000  }
0xf5: {  	s21 =	rddreg [dreg:$0x2];
	[sflag:s3] =	ssyncset.done $0x0  }
0xf6: {  	[sflag:s3] =	ssyncadd.s32 $0xFFFFF000;
	s1 =	sadd.s32 s17, s21  }
0xf7: {  	[hbm4b:s1+s2] =	stream.linear.scatter [tilespmem:s14], [sflag:$0x3], $0x5000, $0x38;
	[tilespmem:$0xF900] =	vst v63  }
0xf8: {  	_ =	swait.ge [sflag:s11], $0x5000  }
0xf9: {  	[sflag:s11] =	ssyncset.done $0x0  }
0xfa: {  	s21 =	sadd.s32 $0x4500, s19;
	[sflag:s11] =	ssyncadd.s32 $0xFFFFB000  }
0xfb: {  	[tilespmem:s14], [sflag:$0x1] =	stream.indirect.gather [hbm4b:s4+s12], $0x20, s21, s12, $0xb8;
	[tilespmem:$0xF900] =	vst v63  }
0xfc: {  	s21 =	sadd.s32 $0x4580, s19  }
0xfd: {  	[tilespmem:s16], [sflag:$0x1] =	stream.indirect.gather [hbm4b:s4+s12], $0x20, s21, s12, $0xb8;
	[tilespmem:$0xF900] =	vst v63  }
0xfe: {  	s21 =	sadd.s32 $0x4600, s19  }
0xff: {  	[tilespmem:s18], [sflag:$0x1] =	stream.indirect.gather [hbm4b:s4+s12], $0x20, s21, s12, $0xb8;
	[tilespmem:$0xF900] =	vst v63  }
0x100: {  	s21 =	sadd.s32 $0x4680, s19  }
0x101: {  	[tilespmem:s20], [sflag:$0x1] =	stream.indirect.gather [hbm4b:s4+s12], $0x20, s21, s12, $0xb8;
	[tilespmem:$0xF900] =	vst v63  }
0x102: {  	s19 =	sadd.s32 $0x4700, s19  }
0x103: {  	[tilespmem:s22], [sflag:$0x1] =	stream.indirect.gather [hbm4b:s4+s12], $0x20, s19, s12, $0xb8;
	[tilespmem:$0xF900] =	vst v63  }
0x104: {  	_ =	swait.ge [sflag:s29], $0x1000  }
0x105: {  	[sflag:s29] =	ssyncset.done $0x0  }
0x106: {  	[sflag:s29] =	ssyncadd.s32 $0xFFFFF000  }
0x107: {  	_ =	swait.ge [sflag:s29], $0x1000  }
0x108: {  	[sflag:s29] =	ssyncset.done $0x0  }
0x109: {  	[sflag:s29] =	ssyncadd.s32 $0xFFFFF000  }
0x10a: {  	_ =	swait.ge [sflag:s29], $0x1000  }
0x10b: {  	[sflag:s29] =	ssyncset.done $0x0  }
0x10c: {  	[sflag:s29] =	ssyncadd.s32 $0xFFFFF000  }
0x10d: {  	_ =	swait.ge [sflag:s29], $0x1000  }
0x10e: {  	[sflag:s29] =	ssyncset.done $0x0  }
0x10f: {  	[sflag:s29] =	ssyncadd.s32 $0xFFFFF000  }
0x110: {  	_ =	swait.ge [sflag:s29], $0x1000  }
.Ltmp1:
0x111: {  	[sflag:s29] =	ssyncset.done $0x0;
	(pc) =	sbr.rel @p0 .LBB2_4-.Ltmp1, $4  }
0x112: {  	s21 =	sadd.s32 s17, s10;
	[sflag:s29] =	ssyncadd.s32 $0xFFFFF000  }
0x113: {  	[hbm4b:s21+s2] =	stream.linear.scatter [tilespmem:s23], [sflag:$0x3], $0x5000, $0x38;
	[tilespmem:$0xF900] =	vst v63  }
0x114: {  	s17 =	smov.u32 s30;
	_ =	swait.ge [sflag:s11], $0x5000  }
0x115: {  	s19 =	sshra.s32 s17, $0x2;
	s21 =	smov.u32 s31;
	[sflag:s11] =	ssyncset.done $0x0  }
0x116: {  	s1 =	sadd.s32 $0x4280, s19;
	[sflag:s11] =	ssyncadd.s32 $0xFFFFB000  }
0x117: {  	[tilespmem:s23], [sflag:$0x2] =	stream.indirect.gather [hbm4b:s4+s12], $0x20, s1, s12, $0xb8;
	[tilespmem:$0xF900] =	vst v63  }
0x118: {  	s31 =	sadd.s32 $0x4300, s19  }
0x119: {  	[tilespmem:s24], [sflag:$0x2] =	stream.indirect.gather [hbm4b:s4+s12], $0x20, s31, s12, $0xb8;
	[tilespmem:$0xF900] =	vst v63  }
0x11a: {  	s21 =	sadd.s32 $0x4380, s19  }
0x11b: {  	[tilespmem:s25], [sflag:$0x2] =	stream.indirect.gather [hbm4b:s4+s12], $0x20, s21, s12, $0xb8;
	[tilespmem:$0xF900] =	vst v63  }
0x11c: {  	s30 =	sadd.s32 $0x4400, s19  }
0x11d: {  	[tilespmem:s26], [sflag:$0x2] =	stream.indirect.gather [hbm4b:s4+s12], $0x20, s30, s12, $0xb8;
	[tilespmem:$0xF900] =	vst v63  }
0x11e: {  	s31 =	sadd.s32 $0x4480, s19  }
0x11f: {  	[tilespmem:s28], [sflag:$0x2] =	stream.indirect.gather [hbm4b:s4+s12], $0x20, s31, s12, $0xb8;
	[tilespmem:$0xF900] =	vst v63  }
0x120: {  	_ =	swait.ge [sflag:s3], $0x1000  }
0x121: {  	[sflag:s3] =	ssyncset.done $0x0  }
0x122: {  	[sflag:s3] =	ssyncadd.s32 $0xFFFFF000  }
0x123: {  	_ =	swait.ge [sflag:s3], $0x1000  }
0x124: {  	[sflag:s3] =	ssyncset.done $0x0  }
0x125: {  	[sflag:s3] =	ssyncadd.s32 $0xFFFFF000  }
0x126: {  	_ =	swait.ge [sflag:s3], $0x1000  }
0x127: {  	[sflag:s3] =	ssyncset.done $0x0  }
0x128: {  	[sflag:s3] =	ssyncadd.s32 $0xFFFFF000  }
0x129: {  	_ =	swait.ge [sflag:s3], $0x1000  }
0x12a: {  	[sflag:s3] =	ssyncset.done $0x0  }
0x12b: {  	[sflag:s3] =	ssyncadd.s32 $0xFFFFF000  }
0x12c: {  	_ =	swait.ge [sflag:s3], $0x1000  }
0x12d: {  	s21 =	rddreg [dreg:$0x2];
	[sflag:s3] =	ssyncset.done $0x0  }
0x12e: {  	[sflag:s3] =	ssyncadd.s32 $0xFFFFF000;
	s1 =	sadd.s32 s17, s21  }
0x12f: {  	[hbm4b:s1+s2] =	stream.linear.scatter [tilespmem:s14], [sflag:$0x3], $0x5000, $0x38;
	[tilespmem:$0xF900] =	vst v63  }
0x130: {  	_ =	swait.ge [sflag:s11], $0x5000  }
0x131: {  	[sflag:s11] =	ssyncset.done $0x0  }
0x132: {  	s30 =	sadd.s32 $0x4500, s19;
	[sflag:s11] =	ssyncadd.s32 $0xFFFFB000  }
0x133: {  	[tilespmem:s14], [sflag:$0x1] =	stream.indirect.gather [hbm4b:s4+s12], $0x20, s30, s12, $0xb8;
	[tilespmem:$0xF900] =	vst v63  }
0x134: {  	s31 =	sadd.s32 $0x4580, s19  }
0x135: {  	[tilespmem:s16], [sflag:$0x1] =	stream.indirect.gather [hbm4b:s4+s12], $0x20, s31, s12, $0xb8;
	[tilespmem:$0xF900] =	vst v63  }
0x136: {  	s21 =	sadd.s32 $0x4600, s19  }
0x137: {  	[tilespmem:s18], [sflag:$0x1] =	stream.indirect.gather [hbm4b:s4+s12], $0x20, s21, s12, $0xb8;
	[tilespmem:$0xF900] =	vst v63  }
0x138: {  	s30 =	sadd.s32 $0x4680, s19  }
0x139: {  	[tilespmem:s20], [sflag:$0x1] =	stream.indirect.gather [hbm4b:s4+s12], $0x20, s30, s12, $0xb8;
	[tilespmem:$0xF900] =	vst v63  }
0x13a: {  	s31 =	sadd.s32 $0x4700, s19  }
0x13b: {  	[tilespmem:s22], [sflag:$0x1] =	stream.indirect.gather [hbm4b:s4+s12], $0x20, s31, s12, $0xb8;
	[tilespmem:$0xF900] =	vst v63  }
0x13c: {  	_ =	swait.ge [sflag:s29], $0x1000  }
0x13d: {  	[sflag:s29] =	ssyncset.done $0x0  }
0x13e: {  	[sflag:s29] =	ssyncadd.s32 $0xFFFFF000  }
0x13f: {  	_ =	swait.ge [sflag:s29], $0x1000  }
0x140: {  	[sflag:s29] =	ssyncset.done $0x0  }
0x141: {  	[sflag:s29] =	ssyncadd.s32 $0xFFFFF000  }
0x142: {  	_ =	swait.ge [sflag:s29], $0x1000  }
0x143: {  	[sflag:s29] =	ssyncset.done $0x0  }
0x144: {  	[sflag:s29] =	ssyncadd.s32 $0xFFFFF000  }
0x145: {  	_ =	swait.ge [sflag:s29], $0x1000  }
0x146: {  	[sflag:s29] =	ssyncset.done $0x0  }
0x147: {  	[sflag:s29] =	ssyncadd.s32 $0xFFFFF000  }
0x148: {  	_ =	swait.ge [sflag:s29], $0x1000  }
0x149: {  	[sflag:s29] =	ssyncset.done $0x0  }
0x14a: {  	s19 =	sadd.s32 s17, s10;
	[sflag:s29] =	ssyncadd.s32 $0xFFFFF000  }
0x14b: {  	[hbm4b:s19+s2] =	stream.linear.scatter [tilespmem:s23], [sflag:$0x3], $0x5000, $0x38;
	[tilespmem:$0xF900] =	vst v63  }
0x14c: {  	_ =	swait.ge [sflag:s11], $0x5000  }
0x14d: {  	[sflag:s11] =	ssyncset.done $0x0  }
0x14e: {  	s21 =	simm.s32 $0x5680;
	[sflag:s11] =	ssyncadd.s32 $0xFFFFB000  }
0x14f: {  	[tilespmem:s23], [sflag:$0x2] =	stream.indirect.gather [hbm4b:s4+s12], $0x20, s21, s12, $0xb8;
	[tilespmem:$0xF900] =	vst v63  }
0x150: {  	s30 =	simm.s32 $0x5700  }
0x151: {  	[tilespmem:s24], [sflag:$0x2] =	stream.indirect.gather [hbm4b:s4+s12], $0x20, s30, s12, $0xb8;
	[tilespmem:$0xF900] =	vst v63  }
0x152: {  	s31 =	simm.s32 $0x5780  }
0x153: {  	[tilespmem:s25], [sflag:$0x2] =	stream.indirect.gather [hbm4b:s4+s12], $0x20, s31, s12, $0xb8;
	[tilespmem:$0xF900] =	vst v63  }
0x154: {  	_ = 	snop  }
0x155: {  	[tilespmem:s26], [sflag:$0x2] =	stream.indirect.gather [hbm4b:s4+s12], $0x20, s0, s12, $0xb8;
	[tilespmem:$0xF900] =	vst v63  }
0x156: {  	_ = 	snop  }
0x157: {  	[tilespmem:s28], [sflag:$0x2] =	stream.indirect.gather [hbm4b:s4+s12], $0x20, s13, s12, $0xb8;
	[tilespmem:$0xF900] =	vst v63  }
0x158: {  	_ =	swait.ge [sflag:s3], $0x1000  }
0x159: {  	[sflag:s3] =	ssyncset.done $0x0  }
0x15a: {  	[sflag:s3] =	ssyncadd.s32 $0xFFFFF000  }
0x15b: {  	_ =	swait.ge [sflag:s3], $0x1000  }
0x15c: {  	[sflag:s3] =	ssyncset.done $0x0  }
0x15d: {  	[sflag:s3] =	ssyncadd.s32 $0xFFFFF000  }
0x15e: {  	_ =	swait.ge [sflag:s3], $0x1000  }
0x15f: {  	[sflag:s3] =	ssyncset.done $0x0  }
0x160: {  	[sflag:s3] =	ssyncadd.s32 $0xFFFFF000  }
0x161: {  	_ =	swait.ge [sflag:s3], $0x1000  }
0x162: {  	[sflag:s3] =	ssyncset.done $0x0  }
0x163: {  	[sflag:s3] =	ssyncadd.s32 $0xFFFFF000  }
0x164: {  	_ =	swait.ge [sflag:s3], $0x1000  }
0x165: {  	[sflag:s3] =	ssyncset.done $0x0  }
0x166: {  	[sflag:s3] =	ssyncadd.s32 $0xFFFFF000  }
0x167: {  	[hbm4b:s8+s2] =	stream.linear.scatter [tilespmem:s14], [sflag:$0x3], $0x5000, $0x38;
	[tilespmem:$0xF900] =	vst v63  }
0x168: {  	_ =	swait.ge [sflag:s11], $0x5000  }
0x169: {  	[sflag:s11] =	ssyncset.done $0x0  }
0x16a: {  	[sflag:s11] =	ssyncadd.s32 $0xFFFFB000  }
0x16b: {  	_ =	swait.ge [sflag:s29], $0x1000  }
0x16c: {  	[sflag:s29] =	ssyncset.done $0x0  }
0x16d: {  	[sflag:s29] =	ssyncadd.s32 $0xFFFFF000  }
0x16e: {  	_ =	swait.ge [sflag:s29], $0x1000  }
0x16f: {  	[sflag:s29] =	ssyncset.done $0x0  }
0x170: {  	[sflag:s29] =	ssyncadd.s32 $0xFFFFF000  }
0x171: {  	_ =	swait.ge [sflag:s29], $0x1000  }
0x172: {  	[sflag:s29] =	ssyncset.done $0x0  }
0x173: {  	[sflag:s29] =	ssyncadd.s32 $0xFFFFF000  }
0x174: {  	_ =	swait.ge [sflag:s29], $0x1000  }
0x175: {  	[sflag:s29] =	ssyncset.done $0x0  }
0x176: {  	[sflag:s29] =	ssyncadd.s32 $0xFFFFF000  }
0x177: {  	s15 =	sadd.s32 $0x1, s15;
	_ =	swait.ge [sflag:s29], $0x1000  }
0x178: {  	p0 =	sne.s32 s15, s7;
	[sflag:s29] =	ssyncset.done $0x0  }
.Ltmp2:
0x179: {  	[sflag:s29] =	ssyncadd.s32 $0xFFFFF000;
	(pc) =	sbr.rel @p0 .LBB2_1-.Ltmp2, $4  }
0x17a: {  	[hbm4b:s9+s2] =	stream.linear.scatter [tilespmem:s23], [sflag:$0x3], $0x5000, $0x38;
	[tilespmem:$0xF900] =	vst v63  }
0x17b: {  	_ =	swait.ge [sflag:s11], $0x5000  }
0x17c: {  	[sflag:s11] =	ssyncset.done $0x0  }
0x17d: {  	[sflag:s11] =	ssyncadd.s32 $0xFFFFB000  }
0x17e: {  	_ =	sfence.sel $0x180000  }
0x17f: {  	[bflag:$0x0] =	sbarrier.arrive $0xFFFF  }
0x180: {  	_ =	strace $0x9000004A  }
0x181: {  	s0 =	stileid.u32;
	[bflag:$0x2] =	sbarrier.arrive $0xFFFF  }
0x182: {  	p0 =	sne.s32 s0, $0x0;
	s0 =	rddreg [dreg:$0x1]  }
0x183: {  	s0 =	sadd.s32 @!p0 $0x100000, s0  }
0x184: {  	[sflag:s0] =	ssyncadd.tile.s32 @!p0 $0x1;
	_ =	shalt  }
.Lfunc_end2:
_tile_overlayer_lowered:
.L_overlay_start_2:
0x185: {  	(tag) =	ssettag $0x2  }
0x186: {  	s0 =	rddreg [dreg:$0x0];
	s2 =	stileid.u32  }
0x187: {  	s1 =	rddreg [dreg:$0x1];
	p0 =	sne.s32 s2, $0x0  }
0x188: {  	s3 =	rddreg [dreg:$0x2];
	[bflag:$0x3] =	sbarrier.arrive $0xFFFF;
	s2 =	simm.s32 @!p0 $0x1C03  }
0x189: {  	[timem:s3], [sflag:s2] =	dma.local @!p0 [hbm:s0], s1  }
0x18a: {  	s0 =	simm.s32 @!p0 $0x3  }
0x18b: {  	_ =	swait.ge @!p0 [sflag:s0], s1  }
0x18c: {  	s1 =	ssub.s32 @!p0 $0x0, s1;
	[sflag:s0] =	ssyncset.done @!p0 $0x0  }
0x18d: {  	[sflag:s0] =	ssyncadd.s32 @!p0 s1  }
0x18e: {  	[bflag:$0x3] =	sbarrier.arrive $0xFFFF  }
0x18f: {  	_ =	shalt  }

</sc_bundles>
